<compile_context>
chip_gen: v7x
topology: tpu7x:2x2x1
jax: 0.10.2.dev20260603
libtpu: 0.0.44.dev20260713+nightly
codegen_flags: <defaults>
</compile_context>

<pallas_src>
import jax
import jax.numpy as jnp
from jax.experimental import pallas as pl
from jax.experimental.pallas import tpu as pltpu
from jax.experimental.pallas import tpu_sc as plsc

INTERVAL = 0.1
ZETA = 0.005
ALPHA = 0.5
NUM_NB = 8
W_SC = 1.0
W_SS = 1.0
W_RD = 1.0

B = 8
N = 2048
R = 256
NB = N // R
BIG = 1e30
DTH = ZETA * 2.5 * N


def _loss_kernel(pc1_ref, pc2_ref, pf_ref, pc1t_ref, pft_ref,
                 out_ref, colmin_ref, colsum_ref, acc_ref):
    i = pl.program_id(1)
    first = (pl.program_id(0) == 0) & (i == 0)

    @pl.when(first)
    def _():
        out_ref[0, 0] = 0.0

    p_cols = pc1_ref[0]
    q_cols = pc2_ref[0]
    f_cols = pf_ref[0]
    prt = pc1t_ref[0, pl.ds(i * R, R), :]
    frt = pft_ref[0, pl.ds(i * R, R), :]

    def sqdist(rows_t, cols):
        acc = None
        for c in range(3):
            diff = rows_t[:, c:c + 1] - cols[c:c + 1, :]
            t = diff * diff
            acc = t if acc is None else acc + t
        return acc

    @pl.when(i == 0)
    def _():
        acc_ref[0] = 0.0
        acc_ref[1] = 0.0

    d1 = sqdist(prt, q_cols)
    g = jnp.exp(d1 * -0.5)
    dens12 = jnp.sum(g, axis=1, keepdims=True)
    gcol = jnp.sum(g, axis=0, keepdims=True)

    dw = sqdist(prt + frt, q_cols)
    min1 = jnp.min(dw, axis=1, keepdims=True)
    cmin = jnp.min(dw, axis=0, keepdims=True)

    @pl.when(i == 0)
    def _():
        colmin_ref[...] = cmin
        colsum_ref[...] = gcol

    @pl.when(i > 0)
    def _():
        colmin_ref[...] = jnp.minimum(colmin_ref[...], cmin)
        colsum_ref[...] = colsum_ref[...] + gcol

    c1 = jnp.sum(jnp.where(dens12 > DTH, jnp.maximum(min1 - 0.01, 0.0), 0.0))
    out_ref[0, 0] += (W_SC / (B * N)) * c1

    ds = sqdist(prt, p_cols)
    fd = jnp.sqrt(sqdist(frt, f_cols))
    iota_j = jax.lax.broadcasted_iota(jnp.int32, (R, N), 1)
    row_ids = jax.lax.broadcasted_iota(jnp.int32, (R, 1), 0) + i * R
    keys_i = (jax.lax.bitcast_convert_type(ds, jnp.int32) & jnp.int32(~0x7FF)
              ) | iota_j
    keys_i = jnp.where(iota_j == row_ids, jnp.int32(0x7F800000), keys_i)
    keys = jax.lax.bitcast_convert_type(keys_i, jnp.float32)

    m = jnp.min(keys, axis=1, keepdims=True)
    for _ in range(NUM_NB - 1):
        m = jnp.min(jnp.where(keys > m, keys, jnp.inf),
                    axis=1, keepdims=True)
    sel = keys <= m
    wsel = jnp.where(sel, jnp.exp(jnp.exp(ds * (-1.0 / ALPHA))), 0.0)
    acc_ref[0] += jnp.sum(wsel)
    acc_ref[1] += jnp.sum(wsel * fd)

    @pl.when(i == NB - 1)
    def _():
        c2 = jnp.sum(jnp.where(colsum_ref[...] > DTH,
                               jnp.maximum(colmin_ref[...] - 0.01, 0.0), 0.0))
        out_ref[0, 0] += (W_SC / (B * N)) * c2
        out_ref[0, 0] += (W_SS / B) * acc_ref[1] / acc_ref[0]


SC_NC = 2
SC_NW = 32
SC_CHUNK = (B * N) // SC_NW
SC_L = 16


def _rd_kernel(px_hbm, py_hbm, pz_hbm, fx_hbm, fy_hbm, fz_hbm, vel_hbm,
               out_hbm, px_v, py_v, pz_v, fx_v, fy_v, fz_v, vel_v, acc_v):
    wid = jax.lax.axis_index("s") * SC_NC + jax.lax.axis_index("c")
    base = wid * SC_CHUNK
    for hbm, v in ((px_hbm, px_v), (py_hbm, py_v), (pz_hbm, pz_v),
                   (fx_hbm, fx_v), (fy_hbm, fy_v), (fz_hbm, fz_v),
                   (vel_hbm, vel_v)):
        pltpu.sync_copy(hbm.at[pl.ds(base, SC_CHUNK)], v)
    acc = jnp.zeros((SC_L,), jnp.float32)
    for j in range(SC_CHUNK // SC_L):
        sl = pl.ds(j * SC_L, SC_L)
        px, py, pz = px_v[sl], py_v[sl], pz_v[sl]
        a = fx_v[sl] * px + fy_v[sl] * py + fz_v[sl] * pz
        n2 = px * px + py * py + pz * pz
        bits = jax.lax.bitcast_convert_type(n2, jnp.int32)
        y = jax.lax.bitcast_convert_type(jnp.int32(0x5F3759DF) - (bits >> 1),
                                         jnp.float32)
        for _ in range(3):
            y = y * (1.5 - 0.5 * n2 * y * y)
        acc = acc + jnp.abs(vel_v[sl] * INTERVAL - a * y)
    acc_v[...] = acc
    pltpu.sync_copy(acc_v, out_hbm.at[pl.ds(wid * SC_L, SC_L)])


_rd_call = pl.kernel(
    _rd_kernel,
    out_type=jax.ShapeDtypeStruct((SC_NW * SC_L,), jnp.float32),
    mesh=plsc.VectorSubcoreMesh(core_axis_name="c", subcore_axis_name="s"),
    scratch_types=[pltpu.VMEM((SC_CHUNK,), jnp.float32)] * 7
                  + [pltpu.VMEM((SC_L,), jnp.float32)],
)


@jax.jit
def kernel(pc1, pc2, pred_f, vel1):
    pc1t = jnp.transpose(pc1, (0, 2, 1))
    pft = jnp.transpose(pred_f, (0, 2, 1))
    out = pl.pallas_call(
        _loss_kernel,
        grid=(B, NB),
        in_specs=[
            pl.BlockSpec((1, 3, N), lambda b, i: (b, 0, 0)),
            pl.BlockSpec((1, 3, N), lambda b, i: (b, 0, 0)),
            pl.BlockSpec((1, 3, N), lambda b, i: (b, 0, 0)),
            pl.BlockSpec((1, N, 3), lambda b, i: (b, 0, 0)),
            pl.BlockSpec((1, N, 3), lambda b, i: (b, 0, 0)),
        ],
        out_specs=pl.BlockSpec(memory_space=pltpu.SMEM),
        out_shape=jax.ShapeDtypeStruct((1, 1), jnp.float32),
        scratch_shapes=[
            pltpu.VMEM((1, N), jnp.float32),
            pltpu.VMEM((1, N), jnp.float32),
            pltpu.SMEM((2,), jnp.float32),
        ],
    )(pc1, pc2, pred_f, pc1t, pft)
    rd_parts = _rd_call(pc1[:, 0, :].reshape(-1), pc1[:, 1, :].reshape(-1),
                        pc1[:, 2, :].reshape(-1), pred_f[:, 0, :].reshape(-1),
                        pred_f[:, 1, :].reshape(-1), pred_f[:, 2, :].reshape(-1),
                        vel1.reshape(-1))
    return out[0, 0] + (W_RD / (B * N)) * jnp.sum(rd_parts)

# --- scband reference (transcript-rebuilt; emitter-appended) ---
"""Pipeline reference for scband-self-supervised-loss-41042707481154 (READ-ONLY COPY).

The authoritative reference and input builder live on the scoring server;
editing this copy changes nothing except your own understanding.
"""

import jax, jax.numpy as jnp
import numpy as np

INTERVAL = 0.1
ZETA = 0.005
ALPHA = 0.5
NUM_NB = 8
W_SC = 1.0
W_SS = 1.0
W_RD = 1.0


def square_distance(src, dst):
    # src: [B,N,C], dst: [B,M,C] -> [B,N,M]
    dist = -2.0 * jnp.matmul(src, jnp.swapaxes(dst, 1, 2))
    dist = dist + jnp.sum(src ** 2, axis=-1)[:, :, None]
    dist = dist + jnp.sum(dst ** 2, axis=-1)[:, None, :]
    return dist


def compute_density_loss(xyz1, xyz2, bandwidth):
    sqrdists = square_distance(xyz1, xyz2)
    gaussion_density = jnp.exp(-sqrdists / (2.0 * bandwidth * bandwidth)) / (2.5 * bandwidth)
    return jnp.mean(gaussion_density, axis=-1)


def index_points_group(points, knn_idx):
    # points: [B,N,C], knn_idx: [B,N,K] -> [B,N,K,C]
    return jax.vmap(lambda p, i: p[i])(points, knn_idx)


def soft_chamfer_loss(pc1, pc2, pc1_warp):
    pc1 = jnp.transpose(pc1, (0, 2, 1))
    pc1_warp = jnp.transpose(pc1_warp, (0, 2, 1))
    pc2 = jnp.transpose(pc2, (0, 2, 1))
    dens12 = compute_density_loss(pc1, pc2, 1.0)
    dens21 = compute_density_loss(pc2, pc1, 1.0)
    mask1 = (dens12 > ZETA).astype(jnp.float32)
    mask2 = (dens21 > ZETA).astype(jnp.float32)
    sqrdist12w = square_distance(pc1_warp, pc2)
    neg1, _ = jax.lax.top_k(-sqrdist12w, 1)
    dist1_w = -neg1[..., 0]
    neg2, _ = jax.lax.top_k(-jnp.swapaxes(sqrdist12w, 1, 2), 1)
    dist2_w = -neg2[..., 0]
    dist1_w = jax.nn.relu(dist1_w - 0.01) * mask1
    dist2_w = jax.nn.relu(dist2_w - 0.01) * mask2
    return jnp.mean(dist1_w) + jnp.mean(dist2_w)


def spatial_smoothness_loss(pc1, pred_flow):
    B = pc1.shape[0]
    N = pc1.shape[2]
    pc1 = jnp.transpose(pc1, (0, 2, 1))
    pred_flow = jnp.transpose(pred_flow, (0, 2, 1))
    npoints = pc1.shape[1]
    sqrdist = square_distance(pc1, pc1)
    neg, kidx = jax.lax.top_k(-sqrdist, NUM_NB + 1)
    dists = -neg
    dists = dists[:, :, 1:]
    kidx = kidx[:, :, 1:]
    dists = jnp.maximum(dists, 0.0)
    weights = jax.nn.softmax(jnp.exp(-dists / ALPHA).reshape(B, N * NUM_NB), axis=1)
    weights = weights.reshape(B, N, NUM_NB)
    grouped_flow = index_points_group(pred_flow, kidx)
    diff_flow = (npoints * weights * jnp.linalg.norm(grouped_flow - pred_flow[:, :, None, :], axis=3)).sum(axis=2)
    return jnp.mean(diff_flow)


def radial_displacement_loss(pc1, pred_f, vel1):
    pred_fr = jnp.sum(pred_f * pc1, axis=1) / jnp.linalg.norm(pc1, axis=1)
    diff_vel = jnp.abs(vel1 * INTERVAL - pred_fr)
    return jnp.mean(diff_vel)


def setup_inputs(seed: int = 0) -> dict:
    key = jax.random.key(seed)
    k1, k2, k3, k4 = jax.random.split(key, 4)
    B, N = 8, 2048
    pc1 = jax.random.normal(k1, (B, 3, N), dtype=jnp.float32)
    pc2 = jax.random.normal(k2, (B, 3, N), dtype=jnp.float32)
    pred_f = jax.random.normal(k3, (B, 3, N), dtype=jnp.float32)
    vel1 = jax.random.normal(k4, (B, N), dtype=jnp.float32)
    return {"pc1": pc1, "pc2": pc2, "pred_f": pred_f, "vel1": vel1}


def reference(pc1, pc2, pred_f, vel1):
    pc1_warp = pc1 + pred_f
    scloss = soft_chamfer_loss(pc1, pc2, pc1_warp)
    ssloss = spatial_smoothness_loss(pc1, pred_f)
    rdloss = radial_displacement_loss(pc1, pred_f, vel1)
    total_loss = W_SC * scloss + W_SS * ssloss + W_RD * rdloss
    return total_loss

if __name__ == "__main__":
    import jax
    _d = setup_inputs()
    print(jax.jit(kernel)(*tuple(_d.values())))

</pallas_src>

<mosaic_0001>
#map = affine_map<(d0, d1) -> (0)>
module attributes {stable_mosaic.version = 14 : i64} {
  func.func @_rd_kernel(%arg0: i32, %arg1: i32, %arg2: memref<16384xf32, #tpu.memory_space<hbm>>, %arg3: memref<16384xf32, #tpu.memory_space<hbm>>, %arg4: memref<16384xf32, #tpu.memory_space<hbm>>, %arg5: memref<16384xf32, #tpu.memory_space<hbm>>, %arg6: memref<16384xf32, #tpu.memory_space<hbm>>, %arg7: memref<16384xf32, #tpu.memory_space<hbm>>, %arg8: memref<16384xf32, #tpu.memory_space<hbm>>, %arg9: memref<512xf32, #tpu.memory_space<hbm>>, %arg10: memref<512xf32, #tpu.memory_space<vmem>>, %arg11: memref<512xf32, #tpu.memory_space<vmem>>, %arg12: memref<512xf32, #tpu.memory_space<vmem>>, %arg13: memref<512xf32, #tpu.memory_space<vmem>>, %arg14: memref<512xf32, #tpu.memory_space<vmem>>, %arg15: memref<512xf32, #tpu.memory_space<vmem>>, %arg16: memref<512xf32, #tpu.memory_space<vmem>>, %arg17: memref<16xf32, #tpu.memory_space<vmem>>) attributes {dimension_semantics = [#tpu.dimension_semantics<core_parallel>, #tpu.dimension_semantics<subcore_parallel>], iteration_bounds = array<i64: 2, 16>, scalar_prefetch = 0 : i64, scratch_operands = 8 : i64, tpu.core_type = #tpu.core_type<sc_vector_subcore>, window_params = [{transform_indices = #map}, {transform_indices = #map}, {transform_indices = #map}, {transform_indices = #map}, {transform_indices = #map}, {transform_indices = #map}, {transform_indices = #map}, {transform_indices = #map}]} {
    %mul3A = arith.constant 2 : i32
    %mul3A_0 = arith.muli %arg1, %mul3A : i32
    %add3A = arith.addi %mul3A_0, %arg0 : i32
    %mul3A_1 = arith.constant 512 : i32
    %mul3A_2 = arith.muli %add3A, %mul3A_1 : i32
    "tpu.region"() ({
      %run_scoped3A = tpu.sem_alloc : memref<!tpu.dma_semaphore, #tpu.memory_space<semaphore_mem>>
      %dma_start3A = tpu.memref_slice %arg2[%mul3A_2] : memref<16384xf32, #tpu.memory_space<hbm>> -> memref<512xf32, #tpu.memory_space<hbm>>
      %dma_start3A_2340 = tpu.memref_slice %arg2[%mul3A_2] : memref<16384xf32, #tpu.memory_space<hbm>> -> memref<512xf32, #tpu.memory_space<hbm>>
      tpu.enqueue_dma source(%dma_start3A_2340 : memref<512xf32, #tpu.memory_space<hbm>>) target(%arg10 : memref<512xf32, #tpu.memory_space<vmem>>) target_semaphore(%run_scoped3A : memref<!tpu.dma_semaphore, #tpu.memory_space<semaphore_mem>>)
      %dma_wait3A = tpu.memref_slice %arg2[%mul3A_2] : memref<16384xf32, #tpu.memory_space<hbm>> -> memref<512xf32, #tpu.memory_space<hbm>>
      %dma_wait3A_2341 = tpu.memref_slice %arg2[%mul3A_2] : memref<16384xf32, #tpu.memory_space<hbm>> -> memref<512xf32, #tpu.memory_space<hbm>>
      tpu.wait_dma2 semaphore(%run_scoped3A : memref<!tpu.dma_semaphore, #tpu.memory_space<semaphore_mem>>) src(%dma_wait3A_2341 : memref<512xf32, #tpu.memory_space<hbm>>) dst(%arg10 : memref<512xf32, #tpu.memory_space<vmem>>)
      tpu.yield
    }) : () -> ()
    "tpu.region"() ({
      %run_scoped3A = tpu.sem_alloc : memref<!tpu.dma_semaphore, #tpu.memory_space<semaphore_mem>>
      %dma_start3A = tpu.memref_slice %arg3[%mul3A_2] : memref<16384xf32, #tpu.memory_space<hbm>> -> memref<512xf32, #tpu.memory_space<hbm>>
      %dma_start3A_2340 = tpu.memref_slice %arg3[%mul3A_2] : memref<16384xf32, #tpu.memory_space<hbm>> -> memref<512xf32, #tpu.memory_space<hbm>>
      tpu.enqueue_dma source(%dma_start3A_2340 : memref<512xf32, #tpu.memory_space<hbm>>) target(%arg11 : memref<512xf32, #tpu.memory_space<vmem>>) target_semaphore(%run_scoped3A : memref<!tpu.dma_semaphore, #tpu.memory_space<semaphore_mem>>)
      %dma_wait3A = tpu.memref_slice %arg3[%mul3A_2] : memref<16384xf32, #tpu.memory_space<hbm>> -> memref<512xf32, #tpu.memory_space<hbm>>
      %dma_wait3A_2341 = tpu.memref_slice %arg3[%mul3A_2] : memref<16384xf32, #tpu.memory_space<hbm>> -> memref<512xf32, #tpu.memory_space<hbm>>
      tpu.wait_dma2 semaphore(%run_scoped3A : memref<!tpu.dma_semaphore, #tpu.memory_space<semaphore_mem>>) src(%dma_wait3A_2341 : memref<512xf32, #tpu.memory_space<hbm>>) dst(%arg11 : memref<512xf32, #tpu.memory_space<vmem>>)
      tpu.yield
    }) : () -> ()
    "tpu.region"() ({
      %run_scoped3A = tpu.sem_alloc : memref<!tpu.dma_semaphore, #tpu.memory_space<semaphore_mem>>
      %dma_start3A = tpu.memref_slice %arg4[%mul3A_2] : memref<16384xf32, #tpu.memory_space<hbm>> -> memref<512xf32, #tpu.memory_space<hbm>>
      %dma_start3A_2340 = tpu.memref_slice %arg4[%mul3A_2] : memref<16384xf32, #tpu.memory_space<hbm>> -> memref<512xf32, #tpu.memory_space<hbm>>
      tpu.enqueue_dma source(%dma_start3A_2340 : memref<512xf32, #tpu.memory_space<hbm>>) target(%arg12 : memref<512xf32, #tpu.memory_space<vmem>>) target_semaphore(%run_scoped3A : memref<!tpu.dma_semaphore, #tpu.memory_space<semaphore_mem>>)
      %dma_wait3A = tpu.memref_slice %arg4[%mul3A_2] : memref<16384xf32, #tpu.memory_space<hbm>> -> memref<512xf32, #tpu.memory_space<hbm>>
      %dma_wait3A_2341 = tpu.memref_slice %arg4[%mul3A_2] : memref<16384xf32, #tpu.memory_space<hbm>> -> memref<512xf32, #tpu.memory_space<hbm>>
      tpu.wait_dma2 semaphore(%run_scoped3A : memref<!tpu.dma_semaphore, #tpu.memory_space<semaphore_mem>>) src(%dma_wait3A_2341 : memref<512xf32, #tpu.memory_space<hbm>>) dst(%arg12 : memref<512xf32, #tpu.memory_space<vmem>>)
      tpu.yield
    }) : () -> ()
    "tpu.region"() ({
      %run_scoped3A = tpu.sem_alloc : memref<!tpu.dma_semaphore, #tpu.memory_space<semaphore_mem>>
      %dma_start3A = tpu.memref_slice %arg5[%mul3A_2] : memref<16384xf32, #tpu.memory_space<hbm>> -> memref<512xf32, #tpu.memory_space<hbm>>
      %dma_start3A_2340 = tpu.memref_slice %arg5[%mul3A_2] : memref<16384xf32, #tpu.memory_space<hbm>> -> memref<512xf32, #tpu.memory_space<hbm>>
      tpu.enqueue_dma source(%dma_start3A_2340 : memref<512xf32, #tpu.memory_space<hbm>>) target(%arg13 : memref<512xf32, #tpu.memory_space<vmem>>) target_semaphore(%run_scoped3A : memref<!tpu.dma_semaphore, #tpu.memory_space<semaphore_mem>>)
      %dma_wait3A = tpu.memref_slice %arg5[%mul3A_2] : memref<16384xf32, #tpu.memory_space<hbm>> -> memref<512xf32, #tpu.memory_space<hbm>>
      %dma_wait3A_2341 = tpu.memref_slice %arg5[%mul3A_2] : memref<16384xf32, #tpu.memory_space<hbm>> -> memref<512xf32, #tpu.memory_space<hbm>>
      tpu.wait_dma2 semaphore(%run_scoped3A : memref<!tpu.dma_semaphore, #tpu.memory_space<semaphore_mem>>) src(%dma_wait3A_2341 : memref<512xf32, #tpu.memory_space<hbm>>) dst(%arg13 : memref<512xf32, #tpu.memory_space<vmem>>)
      tpu.yield
    }) : () -> ()
    "tpu.region"() ({
      %run_scoped3A = tpu.sem_alloc : memref<!tpu.dma_semaphore, #tpu.memory_space<semaphore_mem>>
      %dma_start3A = tpu.memref_slice %arg6[%mul3A_2] : memref<16384xf32, #tpu.memory_space<hbm>> -> memref<512xf32, #tpu.memory_space<hbm>>
      %dma_start3A_2340 = tpu.memref_slice %arg6[%mul3A_2] : memref<16384xf32, #tpu.memory_space<hbm>> -> memref<512xf32, #tpu.memory_space<hbm>>
      tpu.enqueue_dma source(%dma_start3A_2340 : memref<512xf32, #tpu.memory_space<hbm>>) target(%arg14 : memref<512xf32, #tpu.memory_space<vmem>>) target_semaphore(%run_scoped3A : memref<!tpu.dma_semaphore, #tpu.memory_space<semaphore_mem>>)
      %dma_wait3A = tpu.memref_slice %arg6[%mul3A_2] : memref<16384xf32, #tpu.memory_space<hbm>> -> memref<512xf32, #tpu.memory_space<hbm>>
      %dma_wait3A_2341 = tpu.memref_slice %arg6[%mul3A_2] : memref<16384xf32, #tpu.memory_space<hbm>> -> memref<512xf32, #tpu.memory_space<hbm>>
      tpu.wait_dma2 semaphore(%run_scoped3A : memref<!tpu.dma_semaphore, #tpu.memory_space<semaphore_mem>>) src(%dma_wait3A_2341 : memref<512xf32, #tpu.memory_space<hbm>>) dst(%arg14 : memref<512xf32, #tpu.memory_space<vmem>>)
      tpu.yield
    }) : () -> ()
    "tpu.region"() ({
      %run_scoped3A = tpu.sem_alloc : memref<!tpu.dma_semaphore, #tpu.memory_space<semaphore_mem>>
      %dma_start3A = tpu.memref_slice %arg7[%mul3A_2] : memref<16384xf32, #tpu.memory_space<hbm>> -> memref<512xf32, #tpu.memory_space<hbm>>
      %dma_start3A_2340 = tpu.memref_slice %arg7[%mul3A_2] : memref<16384xf32, #tpu.memory_space<hbm>> -> memref<512xf32, #tpu.memory_space<hbm>>
      tpu.enqueue_dma source(%dma_start3A_2340 : memref<512xf32, #tpu.memory_space<hbm>>) target(%arg15 : memref<512xf32, #tpu.memory_space<vmem>>) target_semaphore(%run_scoped3A : memref<!tpu.dma_semaphore, #tpu.memory_space<semaphore_mem>>)
      %dma_wait3A = tpu.memref_slice %arg7[%mul3A_2] : memref<16384xf32, #tpu.memory_space<hbm>> -> memref<512xf32, #tpu.memory_space<hbm>>
      %dma_wait3A_2341 = tpu.memref_slice %arg7[%mul3A_2] : memref<16384xf32, #tpu.memory_space<hbm>> -> memref<512xf32, #tpu.memory_space<hbm>>
      tpu.wait_dma2 semaphore(%run_scoped3A : memref<!tpu.dma_semaphore, #tpu.memory_space<semaphore_mem>>) src(%dma_wait3A_2341 : memref<512xf32, #tpu.memory_space<hbm>>) dst(%arg15 : memref<512xf32, #tpu.memory_space<vmem>>)
      tpu.yield
    }) : () -> ()
    "tpu.region"() ({
      %run_scoped3A = tpu.sem_alloc : memref<!tpu.dma_semaphore, #tpu.memory_space<semaphore_mem>>
      %dma_start3A = tpu.memref_slice %arg8[%mul3A_2] : memref<16384xf32, #tpu.memory_space<hbm>> -> memref<512xf32, #tpu.memory_space<hbm>>
      %dma_start3A_2340 = tpu.memref_slice %arg8[%mul3A_2] : memref<16384xf32, #tpu.memory_space<hbm>> -> memref<512xf32, #tpu.memory_space<hbm>>
      tpu.enqueue_dma source(%dma_start3A_2340 : memref<512xf32, #tpu.memory_space<hbm>>) target(%arg16 : memref<512xf32, #tpu.memory_space<vmem>>) target_semaphore(%run_scoped3A : memref<!tpu.dma_semaphore, #tpu.memory_space<semaphore_mem>>)
      %dma_wait3A = tpu.memref_slice %arg8[%mul3A_2] : memref<16384xf32, #tpu.memory_space<hbm>> -> memref<512xf32, #tpu.memory_space<hbm>>
      %dma_wait3A_2341 = tpu.memref_slice %arg8[%mul3A_2] : memref<16384xf32, #tpu.memory_space<hbm>> -> memref<512xf32, #tpu.memory_space<hbm>>
      tpu.wait_dma2 semaphore(%run_scoped3A : memref<!tpu.dma_semaphore, #tpu.memory_space<semaphore_mem>>) src(%dma_wait3A_2341 : memref<512xf32, #tpu.memory_space<hbm>>) dst(%arg16 : memref<512xf32, #tpu.memory_space<vmem>>)
      tpu.yield
    }) : () -> ()
    %broadcast_in_dim3A = arith.constant 0.000000e+00 : f32
    %broadcast_in_dim3A_3 = vector.broadcast %broadcast_in_dim3A : f32 to vector<16xf32>
    %get3A = arith.constant 0 : index
    %get3A_4 = tpu.vector_load %arg10[%get3A] {strides = array<i32>} : memref<512xf32, #tpu.memory_space<vmem>>, vector<16xf32>,
    %get3A_5 = vector.shape_cast %get3A_4 : vector<16xf32> to vector<16xf32>
    %get3A_6 = arith.constant 0 : index
    %get3A_7 = tpu.vector_load %arg11[%get3A_6] {strides = array<i32>} : memref<512xf32, #tpu.memory_space<vmem>>, vector<16xf32>,
    %get3A_8 = vector.shape_cast %get3A_7 : vector<16xf32> to vector<16xf32>
    %get3A_9 = arith.constant 0 : index
    %get3A_10 = tpu.vector_load %arg12[%get3A_9] {strides = array<i32>} : memref<512xf32, #tpu.memory_space<vmem>>, vector<16xf32>,
    %get3A_11 = vector.shape_cast %get3A_10 : vector<16xf32> to vector<16xf32>
    %get3A_12 = arith.constant 0 : index
    %get3A_13 = tpu.vector_load %arg13[%get3A_12] {strides = array<i32>} : memref<512xf32, #tpu.memory_space<vmem>>, vector<16xf32>,
    %get3A_14 = vector.shape_cast %get3A_13 : vector<16xf32> to vector<16xf32>
    %mul3A_15 = arith.mulf %get3A_14, %get3A_5 : vector<16xf32>
    %get3A_16 = arith.constant 0 : index
    %get3A_17 = tpu.vector_load %arg14[%get3A_16] {strides = array<i32>} : memref<512xf32, #tpu.memory_space<vmem>>, vector<16xf32>,
    %get3A_18 = vector.shape_cast %get3A_17 : vector<16xf32> to vector<16xf32>
    %mul3A_19 = arith.mulf %get3A_18, %get3A_8 : vector<16xf32>
    %add3A_20 = arith.addf %mul3A_15, %mul3A_19 : vector<16xf32>
    %get3A_21 = arith.constant 0 : index
    %get3A_22 = tpu.vector_load %arg15[%get3A_21] {strides = array<i32>} : memref<512xf32, #tpu.memory_space<vmem>>, vector<16xf32>,
    %get3A_23 = vector.shape_cast %get3A_22 : vector<16xf32> to vector<16xf32>
    %mul3A_24 = arith.mulf %get3A_23, %get3A_11 : vector<16xf32>
    %add3A_25 = arith.addf %add3A_20, %mul3A_24 : vector<16xf32>
    %mul3A_26 = arith.mulf %get3A_5, %get3A_5 : vector<16xf32>
    %mul3A_27 = arith.mulf %get3A_8, %get3A_8 : vector<16xf32>
    %add3A_28 = arith.addf %mul3A_26, %mul3A_27 : vector<16xf32>
    %mul3A_29 = arith.mulf %get3A_11, %get3A_11 : vector<16xf32>
    %add3A_30 = arith.addf %add3A_28, %mul3A_29 : vector<16xf32>
    %bitcast_convert_type3A = tpu.bitcast %add3A_30 : vector<16xf32> -> vector<16xi32>
    %shift_right_arithmetic3A = arith.constant 1 : i32
    %shift_right_arithmetic3A_31 = vector.broadcast %shift_right_arithmetic3A : i32 to vector<16xi32>
    %shift_right_arithmetic3A_32 = arith.shrsi %bitcast_convert_type3A, %shift_right_arithmetic3A_31 : vector<16xi32>
    %sub3A = arith.constant 1597463007 : i32
    %sub3A_33 = vector.broadcast %sub3A : i32 to vector<16xi32>
    %sub3A_34 = arith.subi %sub3A_33, %shift_right_arithmetic3A_32 : vector<16xi32>
    %bitcast_convert_type3A_35 = tpu.bitcast %sub3A_34 : vector<16xi32> -> vector<16xf32>
    %mul3A_36 = arith.constant 5.000000e-01 : f32
    %mul3A_37 = vector.broadcast %mul3A_36 : f32 to vector<16xf32>
    %mul3A_38 = arith.mulf %mul3A_37, %add3A_30 : vector<16xf32>
    %mul3A_39 = arith.mulf %mul3A_38, %bitcast_convert_type3A_35 : vector<16xf32>
    %mul3A_40 = arith.mulf %mul3A_39, %bitcast_convert_type3A_35 : vector<16xf32>
    %sub3A_41 = arith.constant 1.500000e+00 : f32
    %sub3A_42 = vector.broadcast %sub3A_41 : f32 to vector<16xf32>
    %sub3A_43 = arith.subf %sub3A_42, %mul3A_40 : vector<16xf32>
    %mul3A_44 = arith.mulf %bitcast_convert_type3A_35, %sub3A_43 : vector<16xf32>
    %mul3A_45 = arith.constant 5.000000e-01 : f32
    %mul3A_46 = vector.broadcast %mul3A_45 : f32 to vector<16xf32>
    %mul3A_47 = arith.mulf %mul3A_46, %add3A_30 : vector<16xf32>
    %mul3A_48 = arith.mulf %mul3A_47, %mul3A_44 : vector<16xf32>
    %mul3A_49 = arith.mulf %mul3A_48, %mul3A_44 : vector<16xf32>
    %sub3A_50 = arith.constant 1.500000e+00 : f32
    %sub3A_51 = vector.broadcast %sub3A_50 : f32 to vector<16xf32>
    %sub3A_52 = arith.subf %sub3A_51, %mul3A_49 : vector<16xf32>
    %mul3A_53 = arith.mulf %mul3A_44, %sub3A_52 : vector<16xf32>
    %mul3A_54 = arith.constant 5.000000e-01 : f32
    %mul3A_55 = vector.broadcast %mul3A_54 : f32 to vector<16xf32>
    %mul3A_56 = arith.mulf %mul3A_55, %add3A_30 : vector<16xf32>
    %mul3A_57 = arith.mulf %mul3A_56, %mul3A_53 : vector<16xf32>
    %mul3A_58 = arith.mulf %mul3A_57, %mul3A_53 : vector<16xf32>
    %sub3A_59 = arith.constant 1.500000e+00 : f32
    %sub3A_60 = vector.broadcast %sub3A_59 : f32 to vector<16xf32>
    %sub3A_61 = arith.subf %sub3A_60, %mul3A_58 : vector<16xf32>
    %mul3A_62 = arith.mulf %mul3A_53, %sub3A_61 : vector<16xf32>
    %get3A_63 = arith.constant 0 : index
    %get3A_64 = tpu.vector_load %arg16[%get3A_63] {strides = array<i32>} : memref<512xf32, #tpu.memory_space<vmem>>, vector<16xf32>,
    %get3A_65 = vector.shape_cast %get3A_64 : vector<16xf32> to vector<16xf32>
    %mul3A_66 = arith.constant 1.000000e-01 : f32
    %mul3A_67 = vector.broadcast %mul3A_66 : f32 to vector<16xf32>
    %mul3A_68 = arith.mulf %get3A_65, %mul3A_67 : vector<16xf32>
    %mul3A_69 = arith.mulf %add3A_25, %mul3A_62 : vector<16xf32>
    %sub3A_70 = arith.subf %mul3A_68, %mul3A_69 : vector<16xf32>
    %abs3A = math.absf %sub3A_70 : vector<16xf32>
    %add3A_71 = arith.addf %broadcast_in_dim3A_3, %abs3A : vector<16xf32>
    %get3A_72 = arith.constant 16 : index
    %get3A_73 = tpu.vector_load %arg10[%get3A_72] {strides = array<i32>} : memref<512xf32, #tpu.memory_space<vmem>>, vector<16xf32>,
    %get3A_74 = vector.shape_cast %get3A_73 : vector<16xf32> to vector<16xf32>
    %get3A_75 = arith.constant 16 : index
    %get3A_76 = tpu.vector_load %arg11[%get3A_75] {strides = array<i32>} : memref<512xf32, #tpu.memory_space<vmem>>, vector<16xf32>,
    %get3A_77 = vector.shape_cast %get3A_76 : vector<16xf32> to vector<16xf32>
    %get3A_78 = arith.constant 16 : index
    %get3A_79 = tpu.vector_load %arg12[%get3A_78] {strides = array<i32>} : memref<512xf32, #tpu.memory_space<vmem>>, vector<16xf32>,
    %get3A_80 = vector.shape_cast %get3A_79 : vector<16xf32> to vector<16xf32>
    %get3A_81 = arith.constant 16 : index
    %get3A_82 = tpu.vector_load %arg13[%get3A_81] {strides = array<i32>} : memref<512xf32, #tpu.memory_space<vmem>>, vector<16xf32>,
    %get3A_83 = vector.shape_cast %get3A_82 : vector<16xf32> to vector<16xf32>
    %mul3A_84 = arith.mulf %get3A_83, %get3A_74 : vector<16xf32>
    %get3A_85 = arith.constant 16 : index
    %get3A_86 = tpu.vector_load %arg14[%get3A_85] {strides = array<i32>} : memref<512xf32, #tpu.memory_space<vmem>>, vector<16xf32>,
    %get3A_87 = vector.shape_cast %get3A_86 : vector<16xf32> to vector<16xf32>
    %mul3A_88 = arith.mulf %get3A_87, %get3A_77 : vector<16xf32>
    %add3A_89 = arith.addf %mul3A_84, %mul3A_88 : vector<16xf32>
    %get3A_90 = arith.constant 16 : index
    %get3A_91 = tpu.vector_load %arg15[%get3A_90] {strides = array<i32>} : memref<512xf32, #tpu.memory_space<vmem>>, vector<16xf32>,
    %get3A_92 = vector.shape_cast %get3A_91 : vector<16xf32> to vector<16xf32>
    %mul3A_93 = arith.mulf %get3A_92, %get3A_80 : vector<16xf32>
    %add3A_94 = arith.addf %add3A_89, %mul3A_93 : vector<16xf32>
    %mul3A_95 = arith.mulf %get3A_74, %get3A_74 : vector<16xf32>
    %mul3A_96 = arith.mulf %get3A_77, %get3A_77 : vector<16xf32>
    %add3A_97 = arith.addf %mul3A_95, %mul3A_96 : vector<16xf32>
    %mul3A_98 = arith.mulf %get3A_80, %get3A_80 : vector<16xf32>
    %add3A_99 = arith.addf %add3A_97, %mul3A_98 : vector<16xf32>
    %bitcast_convert_type3A_100 = tpu.bitcast %add3A_99 : vector<16xf32> -> vector<16xi32>
    %shift_right_arithmetic3A_101 = arith.constant 1 : i32
    %shift_right_arithmetic3A_102 = vector.broadcast %shift_right_arithmetic3A_101 : i32 to vector<16xi32>
    %shift_right_arithmetic3A_103 = arith.shrsi %bitcast_convert_type3A_100, %shift_right_arithmetic3A_102 : vector<16xi32>
    %sub3A_104 = arith.constant 1597463007 : i32
    %sub3A_105 = vector.broadcast %sub3A_104 : i32 to vector<16xi32>
    %sub3A_106 = arith.subi %sub3A_105, %shift_right_arithmetic3A_103 : vector<16xi32>
    %bitcast_convert_type3A_107 = tpu.bitcast %sub3A_106 : vector<16xi32> -> vector<16xf32>
    %mul3A_108 = arith.constant 5.000000e-01 : f32
    %mul3A_109 = vector.broadcast %mul3A_108 : f32 to vector<16xf32>
    %mul3A_110 = arith.mulf %mul3A_109, %add3A_99 : vector<16xf32>
    %mul3A_111 = arith.mulf %mul3A_110, %bitcast_convert_type3A_107 : vector<16xf32>
    %mul3A_112 = arith.mulf %mul3A_111, %bitcast_convert_type3A_107 : vector<16xf32>
    %sub3A_113 = arith.constant 1.500000e+00 : f32
    %sub3A_114 = vector.broadcast %sub3A_113 : f32 to vector<16xf32>
    %sub3A_115 = arith.subf %sub3A_114, %mul3A_112 : vector<16xf32>
    %mul3A_116 = arith.mulf %bitcast_convert_type3A_107, %sub3A_115 : vector<16xf32>
    %mul3A_117 = arith.constant 5.000000e-01 : f32
    %mul3A_118 = vector.broadcast %mul3A_117 : f32 to vector<16xf32>
    %mul3A_119 = arith.mulf %mul3A_118, %add3A_99 : vector<16xf32>
    %mul3A_120 = arith.mulf %mul3A_119, %mul3A_116 : vector<16xf32>
    %mul3A_121 = arith.mulf %mul3A_120, %mul3A_116 : vector<16xf32>
    %sub3A_122 = arith.constant 1.500000e+00 : f32
    %sub3A_123 = vector.broadcast %sub3A_122 : f32 to vector<16xf32>
    %sub3A_124 = arith.subf %sub3A_123, %mul3A_121 : vector<16xf32>
    %mul3A_125 = arith.mulf %mul3A_116, %sub3A_124 : vector<16xf32>
    %mul3A_126 = arith.constant 5.000000e-01 : f32
    %mul3A_127 = vector.broadcast %mul3A_126 : f32 to vector<16xf32>
    %mul3A_128 = arith.mulf %mul3A_127, %add3A_99 : vector<16xf32>
    %mul3A_129 = arith.mulf %mul3A_128, %mul3A_125 : vector<16xf32>
    %mul3A_130 = arith.mulf %mul3A_129, %mul3A_125 : vector<16xf32>
    %sub3A_131 = arith.constant 1.500000e+00 : f32
    %sub3A_132 = vector.broadcast %sub3A_131 : f32 to vector<16xf32>
    %sub3A_133 = arith.subf %sub3A_132, %mul3A_130 : vector<16xf32>
    %mul3A_134 = arith.mulf %mul3A_125, %sub3A_133 : vector<16xf32>
    %get3A_135 = arith.constant 16 : index
    %get3A_136 = tpu.vector_load %arg16[%get3A_135] {strides = array<i32>} : memref<512xf32, #tpu.memory_space<vmem>>, vector<16xf32>,
    %get3A_137 = vector.shape_cast %get3A_136 : vector<16xf32> to vector<16xf32>
    %mul3A_138 = arith.constant 1.000000e-01 : f32
    %mul3A_139 = vector.broadcast %mul3A_138 : f32 to vector<16xf32>
    %mul3A_140 = arith.mulf %get3A_137, %mul3A_139 : vector<16xf32>
    %mul3A_141 = arith.mulf %add3A_94, %mul3A_134 : vector<16xf32>
    %sub3A_142 = arith.subf %mul3A_140, %mul3A_141 : vector<16xf32>
    %abs3A_143 = math.absf %sub3A_142 : vector<16xf32>
    %add3A_144 = arith.addf %add3A_71, %abs3A_143 : vector<16xf32>
    %get3A_145 = arith.constant 32 : index
    %get3A_146 = tpu.vector_load %arg10[%get3A_145] {strides = array<i32>} : memref<512xf32, #tpu.memory_space<vmem>>, vector<16xf32>,
    %get3A_147 = vector.shape_cast %get3A_146 : vector<16xf32> to vector<16xf32>
    %get3A_148 = arith.constant 32 : index
    %get3A_149 = tpu.vector_load %arg11[%get3A_148] {strides = array<i32>} : memref<512xf32, #tpu.memory_space<vmem>>, vector<16xf32>,
    %get3A_150 = vector.shape_cast %get3A_149 : vector<16xf32> to vector<16xf32>
    %get3A_151 = arith.constant 32 : index
    %get3A_152 = tpu.vector_load %arg12[%get3A_151] {strides = array<i32>} : memref<512xf32, #tpu.memory_space<vmem>>, vector<16xf32>,
    %get3A_153 = vector.shape_cast %get3A_152 : vector<16xf32> to vector<16xf32>
    %get3A_154 = arith.constant 32 : index
    %get3A_155 = tpu.vector_load %arg13[%get3A_154] {strides = array<i32>} : memref<512xf32, #tpu.memory_space<vmem>>, vector<16xf32>,
    %get3A_156 = vector.shape_cast %get3A_155 : vector<16xf32> to vector<16xf32>
    %mul3A_157 = arith.mulf %get3A_156, %get3A_147 : vector<16xf32>
    %get3A_158 = arith.constant 32 : index
    %get3A_159 = tpu.vector_load %arg14[%get3A_158] {strides = array<i32>} : memref<512xf32, #tpu.memory_space<vmem>>, vector<16xf32>,
    %get3A_160 = vector.shape_cast %get3A_159 : vector<16xf32> to vector<16xf32>
    %mul3A_161 = arith.mulf %get3A_160, %get3A_150 : vector<16xf32>
    %add3A_162 = arith.addf %mul3A_157, %mul3A_161 : vector<16xf32>
    %get3A_163 = arith.constant 32 : index
    %get3A_164 = tpu.vector_load %arg15[%get3A_163] {strides = array<i32>} : memref<512xf32, #tpu.memory_space<vmem>>, vector<16xf32>,
    %get3A_165 = vector.shape_cast %get3A_164 : vector<16xf32> to vector<16xf32>
    %mul3A_166 = arith.mulf %get3A_165, %get3A_153 : vector<16xf32>
    %add3A_167 = arith.addf %add3A_162, %mul3A_166 : vector<16xf32>
    %mul3A_168 = arith.mulf %get3A_147, %get3A_147 : vector<16xf32>
    %mul3A_169 = arith.mulf %get3A_150, %get3A_150 : vector<16xf32>
    %add3A_170 = arith.addf %mul3A_168, %mul3A_169 : vector<16xf32>
    %mul3A_171 = arith.mulf %get3A_153, %get3A_153 : vector<16xf32>
    %add3A_172 = arith.addf %add3A_170, %mul3A_171 : vector<16xf32>
    %bitcast_convert_type3A_173 = tpu.bitcast %add3A_172 : vector<16xf32> -> vector<16xi32>
    %shift_right_arithmetic3A_174 = arith.constant 1 : i32
    %shift_right_arithmetic3A_175 = vector.broadcast %shift_right_arithmetic3A_174 : i32 to vector<16xi32>
    %shift_right_arithmetic3A_176 = arith.shrsi %bitcast_convert_type3A_173, %shift_right_arithmetic3A_175 : vector<16xi32>
    %sub3A_177 = arith.constant 1597463007 : i32
    %sub3A_178 = vector.broadcast %sub3A_177 : i32 to vector<16xi32>
    %sub3A_179 = arith.subi %sub3A_178, %shift_right_arithmetic3A_176 : vector<16xi32>
    %bitcast_convert_type3A_180 = tpu.bitcast %sub3A_179 : vector<16xi32> -> vector<16xf32>
    %mul3A_181 = arith.constant 5.000000e-01 : f32
    %mul3A_182 = vector.broadcast %mul3A_181 : f32 to vector<16xf32>
    %mul3A_183 = arith.mulf %mul3A_182, %add3A_172 : vector<16xf32>
    %mul3A_184 = arith.mulf %mul3A_183, %bitcast_convert_type3A_180 : vector<16xf32>
    %mul3A_185 = arith.mulf %mul3A_184, %bitcast_convert_type3A_180 : vector<16xf32>
    %sub3A_186 = arith.constant 1.500000e+00 : f32
    %sub3A_187 = vector.broadcast %sub3A_186 : f32 to vector<16xf32>
    %sub3A_188 = arith.subf %sub3A_187, %mul3A_185 : vector<16xf32>
    %mul3A_189 = arith.mulf %bitcast_convert_type3A_180, %sub3A_188 : vector<16xf32>
    %mul3A_190 = arith.constant 5.000000e-01 : f32
    %mul3A_191 = vector.broadcast %mul3A_190 : f32 to vector<16xf32>
    %mul3A_192 = arith.mulf %mul3A_191, %add3A_172 : vector<16xf32>
    %mul3A_193 = arith.mulf %mul3A_192, %mul3A_189 : vector<16xf32>
    %mul3A_194 = arith.mulf %mul3A_193, %mul3A_189 : vector<16xf32>
    %sub3A_195 = arith.constant 1.500000e+00 : f32
    %sub3A_196 = vector.broadcast %sub3A_195 : f32 to vector<16xf32>
    %sub3A_197 = arith.subf %sub3A_196, %mul3A_194 : vector<16xf32>
    %mul3A_198 = arith.mulf %mul3A_189, %sub3A_197 : vector<16xf32>
    %mul3A_199 = arith.constant 5.000000e-01 : f32
    %mul3A_200 = vector.broadcast %mul3A_199 : f32 to vector<16xf32>
    %mul3A_201 = arith.mulf %mul3A_200, %add3A_172 : vector<16xf32>
    %mul3A_202 = arith.mulf %mul3A_201, %mul3A_198 : vector<16xf32>
    %mul3A_203 = arith.mulf %mul3A_202, %mul3A_198 : vector<16xf32>
    %sub3A_204 = arith.constant 1.500000e+00 : f32
    %sub3A_205 = vector.broadcast %sub3A_204 : f32 to vector<16xf32>
    %sub3A_206 = arith.subf %sub3A_205, %mul3A_203 : vector<16xf32>
    %mul3A_207 = arith.mulf %mul3A_198, %sub3A_206 : vector<16xf32>
    %get3A_208 = arith.constant 32 : index
    %get3A_209 = tpu.vector_load %arg16[%get3A_208] {strides = array<i32>} : memref<512xf32, #tpu.memory_space<vmem>>, vector<16xf32>,
    %get3A_210 = vector.shape_cast %get3A_209 : vector<16xf32> to vector<16xf32>
    %mul3A_211 = arith.constant 1.000000e-01 : f32
    %mul3A_212 = vector.broadcast %mul3A_211 : f32 to vector<16xf32>
    %mul3A_213 = arith.mulf %get3A_210, %mul3A_212 : vector<16xf32>
    %mul3A_214 = arith.mulf %add3A_167, %mul3A_207 : vector<16xf32>
    %sub3A_215 = arith.subf %mul3A_213, %mul3A_214 : vector<16xf32>
    %abs3A_216 = math.absf %sub3A_215 : vector<16xf32>
    %add3A_217 = arith.addf %add3A_144, %abs3A_216 : vector<16xf32>
    %get3A_218 = arith.constant 48 : index
    %get3A_219 = tpu.vector_load %arg10[%get3A_218] {strides = array<i32>} : memref<512xf32, #tpu.memory_space<vmem>>, vector<16xf32>,
    %get3A_220 = vector.shape_cast %get3A_219 : vector<16xf32> to vector<16xf32>
    %get3A_221 = arith.constant 48 : index
    %get3A_222 = tpu.vector_load %arg11[%get3A_221] {strides = array<i32>} : memref<512xf32, #tpu.memory_space<vmem>>, vector<16xf32>,
    %get3A_223 = vector.shape_cast %get3A_222 : vector<16xf32> to vector<16xf32>
    %get3A_224 = arith.constant 48 : index
    %get3A_225 = tpu.vector_load %arg12[%get3A_224] {strides = array<i32>} : memref<512xf32, #tpu.memory_space<vmem>>, vector<16xf32>,
    %get3A_226 = vector.shape_cast %get3A_225 : vector<16xf32> to vector<16xf32>
    %get3A_227 = arith.constant 48 : index
    %get3A_228 = tpu.vector_load %arg13[%get3A_227] {strides = array<i32>} : memref<512xf32, #tpu.memory_space<vmem>>, vector<16xf32>,
    %get3A_229 = vector.shape_cast %get3A_228 : vector<16xf32> to vector<16xf32>
    %mul3A_230 = arith.mulf %get3A_229, %get3A_220 : vector<16xf32>
    %get3A_231 = arith.constant 48 : index
    %get3A_232 = tpu.vector_load %arg14[%get3A_231] {strides = array<i32>} : memref<512xf32, #tpu.memory_space<vmem>>, vector<16xf32>,
    %get3A_233 = vector.shape_cast %get3A_232 : vector<16xf32> to vector<16xf32>
    %mul3A_234 = arith.mulf %get3A_233, %get3A_223 : vector<16xf32>
    %add3A_235 = arith.addf %mul3A_230, %mul3A_234 : vector<16xf32>
    %get3A_236 = arith.constant 48 : index
    %get3A_237 = tpu.vector_load %arg15[%get3A_236] {strides = array<i32>} : memref<512xf32, #tpu.memory_space<vmem>>, vector<16xf32>,
    %get3A_238 = vector.shape_cast %get3A_237 : vector<16xf32> to vector<16xf32>
    %mul3A_239 = arith.mulf %get3A_238, %get3A_226 : vector<16xf32>
    %add3A_240 = arith.addf %add3A_235, %mul3A_239 : vector<16xf32>
    %mul3A_241 = arith.mulf %get3A_220, %get3A_220 : vector<16xf32>
    %mul3A_242 = arith.mulf %get3A_223, %get3A_223 : vector<16xf32>
    %add3A_243 = arith.addf %mul3A_241, %mul3A_242 : vector<16xf32>
    %mul3A_244 = arith.mulf %get3A_226, %get3A_226 : vector<16xf32>
    %add3A_245 = arith.addf %add3A_243, %mul3A_244 : vector<16xf32>
    %bitcast_convert_type3A_246 = tpu.bitcast %add3A_245 : vector<16xf32> -> vector<16xi32>
    %shift_right_arithmetic3A_247 = arith.constant 1 : i32
    %shift_right_arithmetic3A_248 = vector.broadcast %shift_right_arithmetic3A_247 : i32 to vector<16xi32>
    %shift_right_arithmetic3A_249 = arith.shrsi %bitcast_convert_type3A_246, %shift_right_arithmetic3A_248 : vector<16xi32>
    %sub3A_250 = arith.constant 1597463007 : i32
    %sub3A_251 = vector.broadcast %sub3A_250 : i32 to vector<16xi32>
    %sub3A_252 = arith.subi %sub3A_251, %shift_right_arithmetic3A_249 : vector<16xi32>
    %bitcast_convert_type3A_253 = tpu.bitcast %sub3A_252 : vector<16xi32> -> vector<16xf32>
    %mul3A_254 = arith.constant 5.000000e-01 : f32
    %mul3A_255 = vector.broadcast %mul3A_254 : f32 to vector<16xf32>
    %mul3A_256 = arith.mulf %mul3A_255, %add3A_245 : vector<16xf32>
    %mul3A_257 = arith.mulf %mul3A_256, %bitcast_convert_type3A_253 : vector<16xf32>
    %mul3A_258 = arith.mulf %mul3A_257, %bitcast_convert_type3A_253 : vector<16xf32>
    %sub3A_259 = arith.constant 1.500000e+00 : f32
    %sub3A_260 = vector.broadcast %sub3A_259 : f32 to vector<16xf32>
    %sub3A_261 = arith.subf %sub3A_260, %mul3A_258 : vector<16xf32>
    %mul3A_262 = arith.mulf %bitcast_convert_type3A_253, %sub3A_261 : vector<16xf32>
    %mul3A_263 = arith.constant 5.000000e-01 : f32
    %mul3A_264 = vector.broadcast %mul3A_263 : f32 to vector<16xf32>
    %mul3A_265 = arith.mulf %mul3A_264, %add3A_245 : vector<16xf32>
    %mul3A_266 = arith.mulf %mul3A_265, %mul3A_262 : vector<16xf32>
    %mul3A_267 = arith.mulf %mul3A_266, %mul3A_262 : vector<16xf32>
    %sub3A_268 = arith.constant 1.500000e+00 : f32
    %sub3A_269 = vector.broadcast %sub3A_268 : f32 to vector<16xf32>
    %sub3A_270 = arith.subf %sub3A_269, %mul3A_267 : vector<16xf32>
    %mul3A_271 = arith.mulf %mul3A_262, %sub3A_270 : vector<16xf32>
    %mul3A_272 = arith.constant 5.000000e-01 : f32
    %mul3A_273 = vector.broadcast %mul3A_272 : f32 to vector<16xf32>
    %mul3A_274 = arith.mulf %mul3A_273, %add3A_245 : vector<16xf32>
    %mul3A_275 = arith.mulf %mul3A_274, %mul3A_271 : vector<16xf32>
    %mul3A_276 = arith.mulf %mul3A_275, %mul3A_271 : vector<16xf32>
    %sub3A_277 = arith.constant 1.500000e+00 : f32
    %sub3A_278 = vector.broadcast %sub3A_277 : f32 to vector<16xf32>
    %sub3A_279 = arith.subf %sub3A_278, %mul3A_276 : vector<16xf32>
    %mul3A_280 = arith.mulf %mul3A_271, %sub3A_279 : vector<16xf32>
    %get3A_281 = arith.constant 48 : index
    %get3A_282 = tpu.vector_load %arg16[%get3A_281] {strides = array<i32>} : memref<512xf32, #tpu.memory_space<vmem>>, vector<16xf32>,
    %get3A_283 = vector.shape_cast %get3A_282 : vector<16xf32> to vector<16xf32>
    %mul3A_284 = arith.constant 1.000000e-01 : f32
    %mul3A_285 = vector.broadcast %mul3A_284 : f32 to vector<16xf32>
    %mul3A_286 = arith.mulf %get3A_283, %mul3A_285 : vector<16xf32>
    %mul3A_287 = arith.mulf %add3A_240, %mul3A_280 : vector<16xf32>
    %sub3A_288 = arith.subf %mul3A_286, %mul3A_287 : vector<16xf32>
    %abs3A_289 = math.absf %sub3A_288 : vector<16xf32>
    %add3A_290 = arith.addf %add3A_217, %abs3A_289 : vector<16xf32>
    %get3A_291 = arith.constant 64 : index
    %get3A_292 = tpu.vector_load %arg10[%get3A_291] {strides = array<i32>} : memref<512xf32, #tpu.memory_space<vmem>>, vector<16xf32>,
    %get3A_293 = vector.shape_cast %get3A_292 : vector<16xf32> to vector<16xf32>
    %get3A_294 = arith.constant 64 : index
    %get3A_295 = tpu.vector_load %arg11[%get3A_294] {strides = array<i32>} : memref<512xf32, #tpu.memory_space<vmem>>, vector<16xf32>,
    %get3A_296 = vector.shape_cast %get3A_295 : vector<16xf32> to vector<16xf32>
    %get3A_297 = arith.constant 64 : index
    %get3A_298 = tpu.vector_load %arg12[%get3A_297] {strides = array<i32>} : memref<512xf32, #tpu.memory_space<vmem>>, vector<16xf32>,
    %get3A_299 = vector.shape_cast %get3A_298 : vector<16xf32> to vector<16xf32>
    %get3A_300 = arith.constant 64 : index
    %get3A_301 = tpu.vector_load %arg13[%get3A_300] {strides = array<i32>} : memref<512xf32, #tpu.memory_space<vmem>>, vector<16xf32>,
    %get3A_302 = vector.shape_cast %get3A_301 : vector<16xf32> to vector<16xf32>
    %mul3A_303 = arith.mulf %get3A_302, %get3A_293 : vector<16xf32>
    %get3A_304 = arith.constant 64 : index
    %get3A_305 = tpu.vector_load %arg14[%get3A_304] {strides = array<i32>} : memref<512xf32, #tpu.memory_space<vmem>>, vector<16xf32>,
    %get3A_306 = vector.shape_cast %get3A_305 : vector<16xf32> to vector<16xf32>
    %mul3A_307 = arith.mulf %get3A_306, %get3A_296 : vector<16xf32>
    %add3A_308 = arith.addf %mul3A_303, %mul3A_307 : vector<16xf32>
    %get3A_309 = arith.constant 64 : index
    %get3A_310 = tpu.vector_load %arg15[%get3A_309] {strides = array<i32>} : memref<512xf32, #tpu.memory_space<vmem>>, vector<16xf32>,
    %get3A_311 = vector.shape_cast %get3A_310 : vector<16xf32> to vector<16xf32>
    %mul3A_312 = arith.mulf %get3A_311, %get3A_299 : vector<16xf32>
    %add3A_313 = arith.addf %add3A_308, %mul3A_312 : vector<16xf32>
    %mul3A_314 = arith.mulf %get3A_293, %get3A_293 : vector<16xf32>
    %mul3A_315 = arith.mulf %get3A_296, %get3A_296 : vector<16xf32>
    %add3A_316 = arith.addf %mul3A_314, %mul3A_315 : vector<16xf32>
    %mul3A_317 = arith.mulf %get3A_299, %get3A_299 : vector<16xf32>
    %add3A_318 = arith.addf %add3A_316, %mul3A_317 : vector<16xf32>
    %bitcast_convert_type3A_319 = tpu.bitcast %add3A_318 : vector<16xf32> -> vector<16xi32>
    %shift_right_arithmetic3A_320 = arith.constant 1 : i32
    %shift_right_arithmetic3A_321 = vector.broadcast %shift_right_arithmetic3A_320 : i32 to vector<16xi32>
    %shift_right_arithmetic3A_322 = arith.shrsi %bitcast_convert_type3A_319, %shift_right_arithmetic3A_321 : vector<16xi32>
    %sub3A_323 = arith.constant 1597463007 : i32
    %sub3A_324 = vector.broadcast %sub3A_323 : i32 to vector<16xi32>
    %sub3A_325 = arith.subi %sub3A_324, %shift_right_arithmetic3A_322 : vector<16xi32>
    %bitcast_convert_type3A_326 = tpu.bitcast %sub3A_325 : vector<16xi32> -> vector<16xf32>
    %mul3A_327 = arith.constant 5.000000e-01 : f32
    %mul3A_328 = vector.broadcast %mul3A_327 : f32 to vector<16xf32>
    %mul3A_329 = arith.mulf %mul3A_328, %add3A_318 : vector<16xf32>
    %mul3A_330 = arith.mulf %mul3A_329, %bitcast_convert_type3A_326 : vector<16xf32>
    %mul3A_331 = arith.mulf %mul3A_330, %bitcast_convert_type3A_326 : vector<16xf32>
    %sub3A_332 = arith.constant 1.500000e+00 : f32
    %sub3A_333 = vector.broadcast %sub3A_332 : f32 to vector<16xf32>
    %sub3A_334 = arith.subf %sub3A_333, %mul3A_331 : vector<16xf32>
    %mul3A_335 = arith.mulf %bitcast_convert_type3A_326, %sub3A_334 : vector<16xf32>
    %mul3A_336 = arith.constant 5.000000e-01 : f32
    %mul3A_337 = vector.broadcast %mul3A_336 : f32 to vector<16xf32>
    %mul3A_338 = arith.mulf %mul3A_337, %add3A_318 : vector<16xf32>
    %mul3A_339 = arith.mulf %mul3A_338, %mul3A_335 : vector<16xf32>
    %mul3A_340 = arith.mulf %mul3A_339, %mul3A_335 : vector<16xf32>
    %sub3A_341 = arith.constant 1.500000e+00 : f32
    %sub3A_342 = vector.broadcast %sub3A_341 : f32 to vector<16xf32>
    %sub3A_343 = arith.subf %sub3A_342, %mul3A_340 : vector<16xf32>
    %mul3A_344 = arith.mulf %mul3A_335, %sub3A_343 : vector<16xf32>
    %mul3A_345 = arith.constant 5.000000e-01 : f32
    %mul3A_346 = vector.broadcast %mul3A_345 : f32 to vector<16xf32>
    %mul3A_347 = arith.mulf %mul3A_346, %add3A_318 : vector<16xf32>
    %mul3A_348 = arith.mulf %mul3A_347, %mul3A_344 : vector<16xf32>
    %mul3A_349 = arith.mulf %mul3A_348, %mul3A_344 : vector<16xf32>
    %sub3A_350 = arith.constant 1.500000e+00 : f32
    %sub3A_351 = vector.broadcast %sub3A_350 : f32 to vector<16xf32>
    %sub3A_352 = arith.subf %sub3A_351, %mul3A_349 : vector<16xf32>
    %mul3A_353 = arith.mulf %mul3A_344, %sub3A_352 : vector<16xf32>
    %get3A_354 = arith.constant 64 : index
    %get3A_355 = tpu.vector_load %arg16[%get3A_354] {strides = array<i32>} : memref<512xf32, #tpu.memory_space<vmem>>, vector<16xf32>,
    %get3A_356 = vector.shape_cast %get3A_355 : vector<16xf32> to vector<16xf32>
    %mul3A_357 = arith.constant 1.000000e-01 : f32
    %mul3A_358 = vector.broadcast %mul3A_357 : f32 to vector<16xf32>
    %mul3A_359 = arith.mulf %get3A_356, %mul3A_358 : vector<16xf32>
    %mul3A_360 = arith.mulf %add3A_313, %mul3A_353 : vector<16xf32>
    %sub3A_361 = arith.subf %mul3A_359, %mul3A_360 : vector<16xf32>
    %abs3A_362 = math.absf %sub3A_361 : vector<16xf32>
    %add3A_363 = arith.addf %add3A_290, %abs3A_362 : vector<16xf32>
    %get3A_364 = arith.constant 80 : index
    %get3A_365 = tpu.vector_load %arg10[%get3A_364] {strides = array<i32>} : memref<512xf32, #tpu.memory_space<vmem>>, vector<16xf32>,
    %get3A_366 = vector.shape_cast %get3A_365 : vector<16xf32> to vector<16xf32>
    %get3A_367 = arith.constant 80 : index
    %get3A_368 = tpu.vector_load %arg11[%get3A_367] {strides = array<i32>} : memref<512xf32, #tpu.memory_space<vmem>>, vector<16xf32>,
    %get3A_369 = vector.shape_cast %get3A_368 : vector<16xf32> to vector<16xf32>
    %get3A_370 = arith.constant 80 : index
    %get3A_371 = tpu.vector_load %arg12[%get3A_370] {strides = array<i32>} : memref<512xf32, #tpu.memory_space<vmem>>, vector<16xf32>,
    %get3A_372 = vector.shape_cast %get3A_371 : vector<16xf32> to vector<16xf32>
    %get3A_373 = arith.constant 80 : index
    %get3A_374 = tpu.vector_load %arg13[%get3A_373] {strides = array<i32>} : memref<512xf32, #tpu.memory_space<vmem>>, vector<16xf32>,
    %get3A_375 = vector.shape_cast %get3A_374 : vector<16xf32> to vector<16xf32>
    %mul3A_376 = arith.mulf %get3A_375, %get3A_366 : vector<16xf32>
    %get3A_377 = arith.constant 80 : index
    %get3A_378 = tpu.vector_load %arg14[%get3A_377] {strides = array<i32>} : memref<512xf32, #tpu.memory_space<vmem>>, vector<16xf32>,
    %get3A_379 = vector.shape_cast %get3A_378 : vector<16xf32> to vector<16xf32>
    %mul3A_380 = arith.mulf %get3A_379, %get3A_369 : vector<16xf32>
    %add3A_381 = arith.addf %mul3A_376, %mul3A_380 : vector<16xf32>
    %get3A_382 = arith.constant 80 : index
    %get3A_383 = tpu.vector_load %arg15[%get3A_382] {strides = array<i32>} : memref<512xf32, #tpu.memory_space<vmem>>, vector<16xf32>,
    %get3A_384 = vector.shape_cast %get3A_383 : vector<16xf32> to vector<16xf32>
    %mul3A_385 = arith.mulf %get3A_384, %get3A_372 : vector<16xf32>
    %add3A_386 = arith.addf %add3A_381, %mul3A_385 : vector<16xf32>
    %mul3A_387 = arith.mulf %get3A_366, %get3A_366 : vector<16xf32>
    %mul3A_388 = arith.mulf %get3A_369, %get3A_369 : vector<16xf32>
    %add3A_389 = arith.addf %mul3A_387, %mul3A_388 : vector<16xf32>
    %mul3A_390 = arith.mulf %get3A_372, %get3A_372 : vector<16xf32>
    %add3A_391 = arith.addf %add3A_389, %mul3A_390 : vector<16xf32>
    %bitcast_convert_type3A_392 = tpu.bitcast %add3A_391 : vector<16xf32> -> vector<16xi32>
    %shift_right_arithmetic3A_393 = arith.constant 1 : i32
    %shift_right_arithmetic3A_394 = vector.broadcast %shift_right_arithmetic3A_393 : i32 to vector<16xi32>
    %shift_right_arithmetic3A_395 = arith.shrsi %bitcast_convert_type3A_392, %shift_right_arithmetic3A_394 : vector<16xi32>
    %sub3A_396 = arith.constant 1597463007 : i32
    %sub3A_397 = vector.broadcast %sub3A_396 : i32 to vector<16xi32>
    %sub3A_398 = arith.subi %sub3A_397, %shift_right_arithmetic3A_395 : vector<16xi32>
    %bitcast_convert_type3A_399 = tpu.bitcast %sub3A_398 : vector<16xi32> -> vector<16xf32>
    %mul3A_400 = arith.constant 5.000000e-01 : f32
    %mul3A_401 = vector.broadcast %mul3A_400 : f32 to vector<16xf32>
    %mul3A_402 = arith.mulf %mul3A_401, %add3A_391 : vector<16xf32>
    %mul3A_403 = arith.mulf %mul3A_402, %bitcast_convert_type3A_399 : vector<16xf32>
    %mul3A_404 = arith.mulf %mul3A_403, %bitcast_convert_type3A_399 : vector<16xf32>
    %sub3A_405 = arith.constant 1.500000e+00 : f32
    %sub3A_406 = vector.broadcast %sub3A_405 : f32 to vector<16xf32>
    %sub3A_407 = arith.subf %sub3A_406, %mul3A_404 : vector<16xf32>
    %mul3A_408 = arith.mulf %bitcast_convert_type3A_399, %sub3A_407 : vector<16xf32>
    %mul3A_409 = arith.constant 5.000000e-01 : f32
    %mul3A_410 = vector.broadcast %mul3A_409 : f32 to vector<16xf32>
    %mul3A_411 = arith.mulf %mul3A_410, %add3A_391 : vector<16xf32>
    %mul3A_412 = arith.mulf %mul3A_411, %mul3A_408 : vector<16xf32>
    %mul3A_413 = arith.mulf %mul3A_412, %mul3A_408 : vector<16xf32>
    %sub3A_414 = arith.constant 1.500000e+00 : f32
    %sub3A_415 = vector.broadcast %sub3A_414 : f32 to vector<16xf32>
    %sub3A_416 = arith.subf %sub3A_415, %mul3A_413 : vector<16xf32>
    %mul3A_417 = arith.mulf %mul3A_408, %sub3A_416 : vector<16xf32>
    %mul3A_418 = arith.constant 5.000000e-01 : f32
    %mul3A_419 = vector.broadcast %mul3A_418 : f32 to vector<16xf32>
    %mul3A_420 = arith.mulf %mul3A_419, %add3A_391 : vector<16xf32>
    %mul3A_421 = arith.mulf %mul3A_420, %mul3A_417 : vector<16xf32>
    %mul3A_422 = arith.mulf %mul3A_421, %mul3A_417 : vector<16xf32>
    %sub3A_423 = arith.constant 1.500000e+00 : f32
    %sub3A_424 = vector.broadcast %sub3A_423 : f32 to vector<16xf32>
    %sub3A_425 = arith.subf %sub3A_424, %mul3A_422 : vector<16xf32>
    %mul3A_426 = arith.mulf %mul3A_417, %sub3A_425 : vector<16xf32>
    %get3A_427 = arith.constant 80 : index
    %get3A_428 = tpu.vector_load %arg16[%get3A_427] {strides = array<i32>} : memref<512xf32, #tpu.memory_space<vmem>>, vector<16xf32>,
    %get3A_429 = vector.shape_cast %get3A_428 : vector<16xf32> to vector<16xf32>
    %mul3A_430 = arith.constant 1.000000e-01 : f32
    %mul3A_431 = vector.broadcast %mul3A_430 : f32 to vector<16xf32>
    %mul3A_432 = arith.mulf %get3A_429, %mul3A_431 : vector<16xf32>
    %mul3A_433 = arith.mulf %add3A_386, %mul3A_426 : vector<16xf32>
    %sub3A_434 = arith.subf %mul3A_432, %mul3A_433 : vector<16xf32>
    %abs3A_435 = math.absf %sub3A_434 : vector<16xf32>
    %add3A_436 = arith.addf %add3A_363, %abs3A_435 : vector<16xf32>
    %get3A_437 = arith.constant 96 : index
    %get3A_438 = tpu.vector_load %arg10[%get3A_437] {strides = array<i32>} : memref<512xf32, #tpu.memory_space<vmem>>, vector<16xf32>,
    %get3A_439 = vector.shape_cast %get3A_438 : vector<16xf32> to vector<16xf32>
    %get3A_440 = arith.constant 96 : index
    %get3A_441 = tpu.vector_load %arg11[%get3A_440] {strides = array<i32>} : memref<512xf32, #tpu.memory_space<vmem>>, vector<16xf32>,
    %get3A_442 = vector.shape_cast %get3A_441 : vector<16xf32> to vector<16xf32>
    %get3A_443 = arith.constant 96 : index
    %get3A_444 = tpu.vector_load %arg12[%get3A_443] {strides = array<i32>} : memref<512xf32, #tpu.memory_space<vmem>>, vector<16xf32>,
    %get3A_445 = vector.shape_cast %get3A_444 : vector<16xf32> to vector<16xf32>
    %get3A_446 = arith.constant 96 : index
    %get3A_447 = tpu.vector_load %arg13[%get3A_446] {strides = array<i32>} : memref<512xf32, #tpu.memory_space<vmem>>, vector<16xf32>,
    %get3A_448 = vector.shape_cast %get3A_447 : vector<16xf32> to vector<16xf32>
    %mul3A_449 = arith.mulf %get3A_448, %get3A_439 : vector<16xf32>
    %get3A_450 = arith.constant 96 : index
    %get3A_451 = tpu.vector_load %arg14[%get3A_450] {strides = array<i32>} : memref<512xf32, #tpu.memory_space<vmem>>, vector<16xf32>,
    %get3A_452 = vector.shape_cast %get3A_451 : vector<16xf32> to vector<16xf32>
    %mul3A_453 = arith.mulf %get3A_452, %get3A_442 : vector<16xf32>
    %add3A_454 = arith.addf %mul3A_449, %mul3A_453 : vector<16xf32>
    %get3A_455 = arith.constant 96 : index
    %get3A_456 = tpu.vector_load %arg15[%get3A_455] {strides = array<i32>} : memref<512xf32, #tpu.memory_space<vmem>>, vector<16xf32>,
    %get3A_457 = vector.shape_cast %get3A_456 : vector<16xf32> to vector<16xf32>
    %mul3A_458 = arith.mulf %get3A_457, %get3A_445 : vector<16xf32>
    %add3A_459 = arith.addf %add3A_454, %mul3A_458 : vector<16xf32>
    %mul3A_460 = arith.mulf %get3A_439, %get3A_439 : vector<16xf32>
    %mul3A_461 = arith.mulf %get3A_442, %get3A_442 : vector<16xf32>
    %add3A_462 = arith.addf %mul3A_460, %mul3A_461 : vector<16xf32>
    %mul3A_463 = arith.mulf %get3A_445, %get3A_445 : vector<16xf32>
    %add3A_464 = arith.addf %add3A_462, %mul3A_463 : vector<16xf32>
    %bitcast_convert_type3A_465 = tpu.bitcast %add3A_464 : vector<16xf32> -> vector<16xi32>
    %shift_right_arithmetic3A_466 = arith.constant 1 : i32
    %shift_right_arithmetic3A_467 = vector.broadcast %shift_right_arithmetic3A_466 : i32 to vector<16xi32>
    %shift_right_arithmetic3A_468 = arith.shrsi %bitcast_convert_type3A_465, %shift_right_arithmetic3A_467 : vector<16xi32>
    %sub3A_469 = arith.constant 1597463007 : i32
    %sub3A_470 = vector.broadcast %sub3A_469 : i32 to vector<16xi32>
    %sub3A_471 = arith.subi %sub3A_470, %shift_right_arithmetic3A_468 : vector<16xi32>
    %bitcast_convert_type3A_472 = tpu.bitcast %sub3A_471 : vector<16xi32> -> vector<16xf32>
    %mul3A_473 = arith.constant 5.000000e-01 : f32
    %mul3A_474 = vector.broadcast %mul3A_473 : f32 to vector<16xf32>
    %mul3A_475 = arith.mulf %mul3A_474, %add3A_464 : vector<16xf32>
    %mul3A_476 = arith.mulf %mul3A_475, %bitcast_convert_type3A_472 : vector<16xf32>
    %mul3A_477 = arith.mulf %mul3A_476, %bitcast_convert_type3A_472 : vector<16xf32>
    %sub3A_478 = arith.constant 1.500000e+00 : f32
    %sub3A_479 = vector.broadcast %sub3A_478 : f32 to vector<16xf32>
    %sub3A_480 = arith.subf %sub3A_479, %mul3A_477 : vector<16xf32>
    %mul3A_481 = arith.mulf %bitcast_convert_type3A_472, %sub3A_480 : vector<16xf32>
    %mul3A_482 = arith.constant 5.000000e-01 : f32
    %mul3A_483 = vector.broadcast %mul3A_482 : f32 to vector<16xf32>
    %mul3A_484 = arith.mulf %mul3A_483, %add3A_464 : vector<16xf32>
    %mul3A_485 = arith.mulf %mul3A_484, %mul3A_481 : vector<16xf32>
    %mul3A_486 = arith.mulf %mul3A_485, %mul3A_481 : vector<16xf32>
    %sub3A_487 = arith.constant 1.500000e+00 : f32
    %sub3A_488 = vector.broadcast %sub3A_487 : f32 to vector<16xf32>
    %sub3A_489 = arith.subf %sub3A_488, %mul3A_486 : vector<16xf32>
    %mul3A_490 = arith.mulf %mul3A_481, %sub3A_489 : vector<16xf32>
    %mul3A_491 = arith.constant 5.000000e-01 : f32
    %mul3A_492 = vector.broadcast %mul3A_491 : f32 to vector<16xf32>
    %mul3A_493 = arith.mulf %mul3A_492, %add3A_464 : vector<16xf32>
    %mul3A_494 = arith.mulf %mul3A_493, %mul3A_490 : vector<16xf32>
    %mul3A_495 = arith.mulf %mul3A_494, %mul3A_490 : vector<16xf32>
    %sub3A_496 = arith.constant 1.500000e+00 : f32
    %sub3A_497 = vector.broadcast %sub3A_496 : f32 to vector<16xf32>
    %sub3A_498 = arith.subf %sub3A_497, %mul3A_495 : vector<16xf32>
    %mul3A_499 = arith.mulf %mul3A_490, %sub3A_498 : vector<16xf32>
    %get3A_500 = arith.constant 96 : index
    %get3A_501 = tpu.vector_load %arg16[%get3A_500] {strides = array<i32>} : memref<512xf32, #tpu.memory_space<vmem>>, vector<16xf32>,
    %get3A_502 = vector.shape_cast %get3A_501 : vector<16xf32> to vector<16xf32>
    %mul3A_503 = arith.constant 1.000000e-01 : f32
    %mul3A_504 = vector.broadcast %mul3A_503 : f32 to vector<16xf32>
    %mul3A_505 = arith.mulf %get3A_502, %mul3A_504 : vector<16xf32>
    %mul3A_506 = arith.mulf %add3A_459, %mul3A_499 : vector<16xf32>
    %sub3A_507 = arith.subf %mul3A_505, %mul3A_506 : vector<16xf32>
    %abs3A_508 = math.absf %sub3A_507 : vector<16xf32>
    %add3A_509 = arith.addf %add3A_436, %abs3A_508 : vector<16xf32>
    %get3A_510 = arith.constant 112 : index
    %get3A_511 = tpu.vector_load %arg10[%get3A_510] {strides = array<i32>} : memref<512xf32, #tpu.memory_space<vmem>>, vector<16xf32>,
    %get3A_512 = vector.shape_cast %get3A_511 : vector<16xf32> to vector<16xf32>
    %get3A_513 = arith.constant 112 : index
    %get3A_514 = tpu.vector_load %arg11[%get3A_513] {strides = array<i32>} : memref<512xf32, #tpu.memory_space<vmem>>, vector<16xf32>,
    %get3A_515 = vector.shape_cast %get3A_514 : vector<16xf32> to vector<16xf32>
    %get3A_516 = arith.constant 112 : index
    %get3A_517 = tpu.vector_load %arg12[%get3A_516] {strides = array<i32>} : memref<512xf32, #tpu.memory_space<vmem>>, vector<16xf32>,
    %get3A_518 = vector.shape_cast %get3A_517 : vector<16xf32> to vector<16xf32>
    %get3A_519 = arith.constant 112 : index
    %get3A_520 = tpu.vector_load %arg13[%get3A_519] {strides = array<i32>} : memref<512xf32, #tpu.memory_space<vmem>>, vector<16xf32>,
    %get3A_521 = vector.shape_cast %get3A_520 : vector<16xf32> to vector<16xf32>
    %mul3A_522 = arith.mulf %get3A_521, %get3A_512 : vector<16xf32>
    %get3A_523 = arith.constant 112 : index
    %get3A_524 = tpu.vector_load %arg14[%get3A_523] {strides = array<i32>} : memref<512xf32, #tpu.memory_space<vmem>>, vector<16xf32>,
    %get3A_525 = vector.shape_cast %get3A_524 : vector<16xf32> to vector<16xf32>
    %mul3A_526 = arith.mulf %get3A_525, %get3A_515 : vector<16xf32>
    %add3A_527 = arith.addf %mul3A_522, %mul3A_526 : vector<16xf32>
    %get3A_528 = arith.constant 112 : index
    %get3A_529 = tpu.vector_load %arg15[%get3A_528] {strides = array<i32>} : memref<512xf32, #tpu.memory_space<vmem>>, vector<16xf32>,
    %get3A_530 = vector.shape_cast %get3A_529 : vector<16xf32> to vector<16xf32>
    %mul3A_531 = arith.mulf %get3A_530, %get3A_518 : vector<16xf32>
    %add3A_532 = arith.addf %add3A_527, %mul3A_531 : vector<16xf32>
    %mul3A_533 = arith.mulf %get3A_512, %get3A_512 : vector<16xf32>
    %mul3A_534 = arith.mulf %get3A_515, %get3A_515 : vector<16xf32>
    %add3A_535 = arith.addf %mul3A_533, %mul3A_534 : vector<16xf32>
    %mul3A_536 = arith.mulf %get3A_518, %get3A_518 : vector<16xf32>
    %add3A_537 = arith.addf %add3A_535, %mul3A_536 : vector<16xf32>
    %bitcast_convert_type3A_538 = tpu.bitcast %add3A_537 : vector<16xf32> -> vector<16xi32>
    %shift_right_arithmetic3A_539 = arith.constant 1 : i32
    %shift_right_arithmetic3A_540 = vector.broadcast %shift_right_arithmetic3A_539 : i32 to vector<16xi32>
    %shift_right_arithmetic3A_541 = arith.shrsi %bitcast_convert_type3A_538, %shift_right_arithmetic3A_540 : vector<16xi32>
    %sub3A_542 = arith.constant 1597463007 : i32
    %sub3A_543 = vector.broadcast %sub3A_542 : i32 to vector<16xi32>
    %sub3A_544 = arith.subi %sub3A_543, %shift_right_arithmetic3A_541 : vector<16xi32>
    %bitcast_convert_type3A_545 = tpu.bitcast %sub3A_544 : vector<16xi32> -> vector<16xf32>
    %mul3A_546 = arith.constant 5.000000e-01 : f32
    %mul3A_547 = vector.broadcast %mul3A_546 : f32 to vector<16xf32>
    %mul3A_548 = arith.mulf %mul3A_547, %add3A_537 : vector<16xf32>
    %mul3A_549 = arith.mulf %mul3A_548, %bitcast_convert_type3A_545 : vector<16xf32>
    %mul3A_550 = arith.mulf %mul3A_549, %bitcast_convert_type3A_545 : vector<16xf32>
    %sub3A_551 = arith.constant 1.500000e+00 : f32
    %sub3A_552 = vector.broadcast %sub3A_551 : f32 to vector<16xf32>
    %sub3A_553 = arith.subf %sub3A_552, %mul3A_550 : vector<16xf32>
    %mul3A_554 = arith.mulf %bitcast_convert_type3A_545, %sub3A_553 : vector<16xf32>
    %mul3A_555 = arith.constant 5.000000e-01 : f32
    %mul3A_556 = vector.broadcast %mul3A_555 : f32 to vector<16xf32>
    %mul3A_557 = arith.mulf %mul3A_556, %add3A_537 : vector<16xf32>
    %mul3A_558 = arith.mulf %mul3A_557, %mul3A_554 : vector<16xf32>
    %mul3A_559 = arith.mulf %mul3A_558, %mul3A_554 : vector<16xf32>
    %sub3A_560 = arith.constant 1.500000e+00 : f32
    %sub3A_561 = vector.broadcast %sub3A_560 : f32 to vector<16xf32>
    %sub3A_562 = arith.subf %sub3A_561, %mul3A_559 : vector<16xf32>
    %mul3A_563 = arith.mulf %mul3A_554, %sub3A_562 : vector<16xf32>
    %mul3A_564 = arith.constant 5.000000e-01 : f32
    %mul3A_565 = vector.broadcast %mul3A_564 : f32 to vector<16xf32>
    %mul3A_566 = arith.mulf %mul3A_565, %add3A_537 : vector<16xf32>
    %mul3A_567 = arith.mulf %mul3A_566, %mul3A_563 : vector<16xf32>
    %mul3A_568 = arith.mulf %mul3A_567, %mul3A_563 : vector<16xf32>
    %sub3A_569 = arith.constant 1.500000e+00 : f32
    %sub3A_570 = vector.broadcast %sub3A_569 : f32 to vector<16xf32>
    %sub3A_571 = arith.subf %sub3A_570, %mul3A_568 : vector<16xf32>
    %mul3A_572 = arith.mulf %mul3A_563, %sub3A_571 : vector<16xf32>
    %get3A_573 = arith.constant 112 : index
    %get3A_574 = tpu.vector_load %arg16[%get3A_573] {strides = array<i32>} : memref<512xf32, #tpu.memory_space<vmem>>, vector<16xf32>,
    %get3A_575 = vector.shape_cast %get3A_574 : vector<16xf32> to vector<16xf32>
    %mul3A_576 = arith.constant 1.000000e-01 : f32
    %mul3A_577 = vector.broadcast %mul3A_576 : f32 to vector<16xf32>
    %mul3A_578 = arith.mulf %get3A_575, %mul3A_577 : vector<16xf32>
    %mul3A_579 = arith.mulf %add3A_532, %mul3A_572 : vector<16xf32>
    %sub3A_580 = arith.subf %mul3A_578, %mul3A_579 : vector<16xf32>
    %abs3A_581 = math.absf %sub3A_580 : vector<16xf32>
    %add3A_582 = arith.addf %add3A_509, %abs3A_581 : vector<16xf32>
    %get3A_583 = arith.constant 128 : index
    %get3A_584 = tpu.vector_load %arg10[%get3A_583] {strides = array<i32>} : memref<512xf32, #tpu.memory_space<vmem>>, vector<16xf32>,
    %get3A_585 = vector.shape_cast %get3A_584 : vector<16xf32> to vector<16xf32>
    %get3A_586 = arith.constant 128 : index
    %get3A_587 = tpu.vector_load %arg11[%get3A_586] {strides = array<i32>} : memref<512xf32, #tpu.memory_space<vmem>>, vector<16xf32>,
    %get3A_588 = vector.shape_cast %get3A_587 : vector<16xf32> to vector<16xf32>
    %get3A_589 = arith.constant 128 : index
    %get3A_590 = tpu.vector_load %arg12[%get3A_589] {strides = array<i32>} : memref<512xf32, #tpu.memory_space<vmem>>, vector<16xf32>,
    %get3A_591 = vector.shape_cast %get3A_590 : vector<16xf32> to vector<16xf32>
    %get3A_592 = arith.constant 128 : index
    %get3A_593 = tpu.vector_load %arg13[%get3A_592] {strides = array<i32>} : memref<512xf32, #tpu.memory_space<vmem>>, vector<16xf32>,
    %get3A_594 = vector.shape_cast %get3A_593 : vector<16xf32> to vector<16xf32>
    %mul3A_595 = arith.mulf %get3A_594, %get3A_585 : vector<16xf32>
    %get3A_596 = arith.constant 128 : index
    %get3A_597 = tpu.vector_load %arg14[%get3A_596] {strides = array<i32>} : memref<512xf32, #tpu.memory_space<vmem>>, vector<16xf32>,
    %get3A_598 = vector.shape_cast %get3A_597 : vector<16xf32> to vector<16xf32>
    %mul3A_599 = arith.mulf %get3A_598, %get3A_588 : vector<16xf32>
    %add3A_600 = arith.addf %mul3A_595, %mul3A_599 : vector<16xf32>
    %get3A_601 = arith.constant 128 : index
    %get3A_602 = tpu.vector_load %arg15[%get3A_601] {strides = array<i32>} : memref<512xf32, #tpu.memory_space<vmem>>, vector<16xf32>,
    %get3A_603 = vector.shape_cast %get3A_602 : vector<16xf32> to vector<16xf32>
    %mul3A_604 = arith.mulf %get3A_603, %get3A_591 : vector<16xf32>
    %add3A_605 = arith.addf %add3A_600, %mul3A_604 : vector<16xf32>
    %mul3A_606 = arith.mulf %get3A_585, %get3A_585 : vector<16xf32>
    %mul3A_607 = arith.mulf %get3A_588, %get3A_588 : vector<16xf32>
    %add3A_608 = arith.addf %mul3A_606, %mul3A_607 : vector<16xf32>
    %mul3A_609 = arith.mulf %get3A_591, %get3A_591 : vector<16xf32>
    %add3A_610 = arith.addf %add3A_608, %mul3A_609 : vector<16xf32>
    %bitcast_convert_type3A_611 = tpu.bitcast %add3A_610 : vector<16xf32> -> vector<16xi32>
    %shift_right_arithmetic3A_612 = arith.constant 1 : i32
    %shift_right_arithmetic3A_613 = vector.broadcast %shift_right_arithmetic3A_612 : i32 to vector<16xi32>
    %shift_right_arithmetic3A_614 = arith.shrsi %bitcast_convert_type3A_611, %shift_right_arithmetic3A_613 : vector<16xi32>
    %sub3A_615 = arith.constant 1597463007 : i32
    %sub3A_616 = vector.broadcast %sub3A_615 : i32 to vector<16xi32>
    %sub3A_617 = arith.subi %sub3A_616, %shift_right_arithmetic3A_614 : vector<16xi32>
    %bitcast_convert_type3A_618 = tpu.bitcast %sub3A_617 : vector<16xi32> -> vector<16xf32>
    %mul3A_619 = arith.constant 5.000000e-01 : f32
    %mul3A_620 = vector.broadcast %mul3A_619 : f32 to vector<16xf32>
    %mul3A_621 = arith.mulf %mul3A_620, %add3A_610 : vector<16xf32>
    %mul3A_622 = arith.mulf %mul3A_621, %bitcast_convert_type3A_618 : vector<16xf32>
    %mul3A_623 = arith.mulf %mul3A_622, %bitcast_convert_type3A_618 : vector<16xf32>
    %sub3A_624 = arith.constant 1.500000e+00 : f32
    %sub3A_625 = vector.broadcast %sub3A_624 : f32 to vector<16xf32>
    %sub3A_626 = arith.subf %sub3A_625, %mul3A_623 : vector<16xf32>
    %mul3A_627 = arith.mulf %bitcast_convert_type3A_618, %sub3A_626 : vector<16xf32>
    %mul3A_628 = arith.constant 5.000000e-01 : f32
    %mul3A_629 = vector.broadcast %mul3A_628 : f32 to vector<16xf32>
    %mul3A_630 = arith.mulf %mul3A_629, %add3A_610 : vector<16xf32>
    %mul3A_631 = arith.mulf %mul3A_630, %mul3A_627 : vector<16xf32>
    %mul3A_632 = arith.mulf %mul3A_631, %mul3A_627 : vector<16xf32>
    %sub3A_633 = arith.constant 1.500000e+00 : f32
    %sub3A_634 = vector.broadcast %sub3A_633 : f32 to vector<16xf32>
    %sub3A_635 = arith.subf %sub3A_634, %mul3A_632 : vector<16xf32>
    %mul3A_636 = arith.mulf %mul3A_627, %sub3A_635 : vector<16xf32>
    %mul3A_637 = arith.constant 5.000000e-01 : f32
    %mul3A_638 = vector.broadcast %mul3A_637 : f32 to vector<16xf32>
    %mul3A_639 = arith.mulf %mul3A_638, %add3A_610 : vector<16xf32>
    %mul3A_640 = arith.mulf %mul3A_639, %mul3A_636 : vector<16xf32>
    %mul3A_641 = arith.mulf %mul3A_640, %mul3A_636 : vector<16xf32>
    %sub3A_642 = arith.constant 1.500000e+00 : f32
    %sub3A_643 = vector.broadcast %sub3A_642 : f32 to vector<16xf32>
    %sub3A_644 = arith.subf %sub3A_643, %mul3A_641 : vector<16xf32>
    %mul3A_645 = arith.mulf %mul3A_636, %sub3A_644 : vector<16xf32>
    %get3A_646 = arith.constant 128 : index
    %get3A_647 = tpu.vector_load %arg16[%get3A_646] {strides = array<i32>} : memref<512xf32, #tpu.memory_space<vmem>>, vector<16xf32>,
    %get3A_648 = vector.shape_cast %get3A_647 : vector<16xf32> to vector<16xf32>
    %mul3A_649 = arith.constant 1.000000e-01 : f32
    %mul3A_650 = vector.broadcast %mul3A_649 : f32 to vector<16xf32>
    %mul3A_651 = arith.mulf %get3A_648, %mul3A_650 : vector<16xf32>
    %mul3A_652 = arith.mulf %add3A_605, %mul3A_645 : vector<16xf32>
    %sub3A_653 = arith.subf %mul3A_651, %mul3A_652 : vector<16xf32>
    %abs3A_654 = math.absf %sub3A_653 : vector<16xf32>
    %add3A_655 = arith.addf %add3A_582, %abs3A_654 : vector<16xf32>
    %get3A_656 = arith.constant 144 : index
    %get3A_657 = tpu.vector_load %arg10[%get3A_656] {strides = array<i32>} : memref<512xf32, #tpu.memory_space<vmem>>, vector<16xf32>,
    %get3A_658 = vector.shape_cast %get3A_657 : vector<16xf32> to vector<16xf32>
    %get3A_659 = arith.constant 144 : index
    %get3A_660 = tpu.vector_load %arg11[%get3A_659] {strides = array<i32>} : memref<512xf32, #tpu.memory_space<vmem>>, vector<16xf32>,
    %get3A_661 = vector.shape_cast %get3A_660 : vector<16xf32> to vector<16xf32>
    %get3A_662 = arith.constant 144 : index
    %get3A_663 = tpu.vector_load %arg12[%get3A_662] {strides = array<i32>} : memref<512xf32, #tpu.memory_space<vmem>>, vector<16xf32>,
    %get3A_664 = vector.shape_cast %get3A_663 : vector<16xf32> to vector<16xf32>
    %get3A_665 = arith.constant 144 : index
    %get3A_666 = tpu.vector_load %arg13[%get3A_665] {strides = array<i32>} : memref<512xf32, #tpu.memory_space<vmem>>, vector<16xf32>,
    %get3A_667 = vector.shape_cast %get3A_666 : vector<16xf32> to vector<16xf32>
    %mul3A_668 = arith.mulf %get3A_667, %get3A_658 : vector<16xf32>
    %get3A_669 = arith.constant 144 : index
    %get3A_670 = tpu.vector_load %arg14[%get3A_669] {strides = array<i32>} : memref<512xf32, #tpu.memory_space<vmem>>, vector<16xf32>,
    %get3A_671 = vector.shape_cast %get3A_670 : vector<16xf32> to vector<16xf32>
    %mul3A_672 = arith.mulf %get3A_671, %get3A_661 : vector<16xf32>
    %add3A_673 = arith.addf %mul3A_668, %mul3A_672 : vector<16xf32>
    %get3A_674 = arith.constant 144 : index
    %get3A_675 = tpu.vector_load %arg15[%get3A_674] {strides = array<i32>} : memref<512xf32, #tpu.memory_space<vmem>>, vector<16xf32>,
    %get3A_676 = vector.shape_cast %get3A_675 : vector<16xf32> to vector<16xf32>
    %mul3A_677 = arith.mulf %get3A_676, %get3A_664 : vector<16xf32>
    %add3A_678 = arith.addf %add3A_673, %mul3A_677 : vector<16xf32>
    %mul3A_679 = arith.mulf %get3A_658, %get3A_658 : vector<16xf32>
    %mul3A_680 = arith.mulf %get3A_661, %get3A_661 : vector<16xf32>
    %add3A_681 = arith.addf %mul3A_679, %mul3A_680 : vector<16xf32>
    %mul3A_682 = arith.mulf %get3A_664, %get3A_664 : vector<16xf32>
    %add3A_683 = arith.addf %add3A_681, %mul3A_682 : vector<16xf32>
    %bitcast_convert_type3A_684 = tpu.bitcast %add3A_683 : vector<16xf32> -> vector<16xi32>
    %shift_right_arithmetic3A_685 = arith.constant 1 : i32
    %shift_right_arithmetic3A_686 = vector.broadcast %shift_right_arithmetic3A_685 : i32 to vector<16xi32>
    %shift_right_arithmetic3A_687 = arith.shrsi %bitcast_convert_type3A_684, %shift_right_arithmetic3A_686 : vector<16xi32>
    %sub3A_688 = arith.constant 1597463007 : i32
    %sub3A_689 = vector.broadcast %sub3A_688 : i32 to vector<16xi32>
    %sub3A_690 = arith.subi %sub3A_689, %shift_right_arithmetic3A_687 : vector<16xi32>
    %bitcast_convert_type3A_691 = tpu.bitcast %sub3A_690 : vector<16xi32> -> vector<16xf32>
    %mul3A_692 = arith.constant 5.000000e-01 : f32
    %mul3A_693 = vector.broadcast %mul3A_692 : f32 to vector<16xf32>
    %mul3A_694 = arith.mulf %mul3A_693, %add3A_683 : vector<16xf32>
    %mul3A_695 = arith.mulf %mul3A_694, %bitcast_convert_type3A_691 : vector<16xf32>
    %mul3A_696 = arith.mulf %mul3A_695, %bitcast_convert_type3A_691 : vector<16xf32>
    %sub3A_697 = arith.constant 1.500000e+00 : f32
    %sub3A_698 = vector.broadcast %sub3A_697 : f32 to vector<16xf32>
    %sub3A_699 = arith.subf %sub3A_698, %mul3A_696 : vector<16xf32>
    %mul3A_700 = arith.mulf %bitcast_convert_type3A_691, %sub3A_699 : vector<16xf32>
    %mul3A_701 = arith.constant 5.000000e-01 : f32
    %mul3A_702 = vector.broadcast %mul3A_701 : f32 to vector<16xf32>
    %mul3A_703 = arith.mulf %mul3A_702, %add3A_683 : vector<16xf32>
    %mul3A_704 = arith.mulf %mul3A_703, %mul3A_700 : vector<16xf32>
    %mul3A_705 = arith.mulf %mul3A_704, %mul3A_700 : vector<16xf32>
    %sub3A_706 = arith.constant 1.500000e+00 : f32
    %sub3A_707 = vector.broadcast %sub3A_706 : f32 to vector<16xf32>
    %sub3A_708 = arith.subf %sub3A_707, %mul3A_705 : vector<16xf32>
    %mul3A_709 = arith.mulf %mul3A_700, %sub3A_708 : vector<16xf32>
    %mul3A_710 = arith.constant 5.000000e-01 : f32
    %mul3A_711 = vector.broadcast %mul3A_710 : f32 to vector<16xf32>
    %mul3A_712 = arith.mulf %mul3A_711, %add3A_683 : vector<16xf32>
    %mul3A_713 = arith.mulf %mul3A_712, %mul3A_709 : vector<16xf32>
    %mul3A_714 = arith.mulf %mul3A_713, %mul3A_709 : vector<16xf32>
    %sub3A_715 = arith.constant 1.500000e+00 : f32
    %sub3A_716 = vector.broadcast %sub3A_715 : f32 to vector<16xf32>
    %sub3A_717 = arith.subf %sub3A_716, %mul3A_714 : vector<16xf32>
    %mul3A_718 = arith.mulf %mul3A_709, %sub3A_717 : vector<16xf32>
    %get3A_719 = arith.constant 144 : index
    %get3A_720 = tpu.vector_load %arg16[%get3A_719] {strides = array<i32>} : memref<512xf32, #tpu.memory_space<vmem>>, vector<16xf32>,
    %get3A_721 = vector.shape_cast %get3A_720 : vector<16xf32> to vector<16xf32>
    %mul3A_722 = arith.constant 1.000000e-01 : f32
    %mul3A_723 = vector.broadcast %mul3A_722 : f32 to vector<16xf32>
    %mul3A_724 = arith.mulf %get3A_721, %mul3A_723 : vector<16xf32>
    %mul3A_725 = arith.mulf %add3A_678, %mul3A_718 : vector<16xf32>
    %sub3A_726 = arith.subf %mul3A_724, %mul3A_725 : vector<16xf32>
    %abs3A_727 = math.absf %sub3A_726 : vector<16xf32>
    %add3A_728 = arith.addf %add3A_655, %abs3A_727 : vector<16xf32>
    %get3A_729 = arith.constant 160 : index
    %get3A_730 = tpu.vector_load %arg10[%get3A_729] {strides = array<i32>} : memref<512xf32, #tpu.memory_space<vmem>>, vector<16xf32>,
    %get3A_731 = vector.shape_cast %get3A_730 : vector<16xf32> to vector<16xf32>
    %get3A_732 = arith.constant 160 : index
    %get3A_733 = tpu.vector_load %arg11[%get3A_732] {strides = array<i32>} : memref<512xf32, #tpu.memory_space<vmem>>, vector<16xf32>,
    %get3A_734 = vector.shape_cast %get3A_733 : vector<16xf32> to vector<16xf32>
    %get3A_735 = arith.constant 160 : index
    %get3A_736 = tpu.vector_load %arg12[%get3A_735] {strides = array<i32>} : memref<512xf32, #tpu.memory_space<vmem>>, vector<16xf32>,
    %get3A_737 = vector.shape_cast %get3A_736 : vector<16xf32> to vector<16xf32>
    %get3A_738 = arith.constant 160 : index
    %get3A_739 = tpu.vector_load %arg13[%get3A_738] {strides = array<i32>} : memref<512xf32, #tpu.memory_space<vmem>>, vector<16xf32>,
    %get3A_740 = vector.shape_cast %get3A_739 : vector<16xf32> to vector<16xf32>
    %mul3A_741 = arith.mulf %get3A_740, %get3A_731 : vector<16xf32>
    %get3A_742 = arith.constant 160 : index
    %get3A_743 = tpu.vector_load %arg14[%get3A_742] {strides = array<i32>} : memref<512xf32, #tpu.memory_space<vmem>>, vector<16xf32>,
    %get3A_744 = vector.shape_cast %get3A_743 : vector<16xf32> to vector<16xf32>
    %mul3A_745 = arith.mulf %get3A_744, %get3A_734 : vector<16xf32>
    %add3A_746 = arith.addf %mul3A_741, %mul3A_745 : vector<16xf32>
    %get3A_747 = arith.constant 160 : index
    %get3A_748 = tpu.vector_load %arg15[%get3A_747] {strides = array<i32>} : memref<512xf32, #tpu.memory_space<vmem>>, vector<16xf32>,
    %get3A_749 = vector.shape_cast %get3A_748 : vector<16xf32> to vector<16xf32>
    %mul3A_750 = arith.mulf %get3A_749, %get3A_737 : vector<16xf32>
    %add3A_751 = arith.addf %add3A_746, %mul3A_750 : vector<16xf32>
    %mul3A_752 = arith.mulf %get3A_731, %get3A_731 : vector<16xf32>
    %mul3A_753 = arith.mulf %get3A_734, %get3A_734 : vector<16xf32>
    %add3A_754 = arith.addf %mul3A_752, %mul3A_753 : vector<16xf32>
    %mul3A_755 = arith.mulf %get3A_737, %get3A_737 : vector<16xf32>
    %add3A_756 = arith.addf %add3A_754, %mul3A_755 : vector<16xf32>
    %bitcast_convert_type3A_757 = tpu.bitcast %add3A_756 : vector<16xf32> -> vector<16xi32>
    %shift_right_arithmetic3A_758 = arith.constant 1 : i32
    %shift_right_arithmetic3A_759 = vector.broadcast %shift_right_arithmetic3A_758 : i32 to vector<16xi32>
    %shift_right_arithmetic3A_760 = arith.shrsi %bitcast_convert_type3A_757, %shift_right_arithmetic3A_759 : vector<16xi32>
    %sub3A_761 = arith.constant 1597463007 : i32
    %sub3A_762 = vector.broadcast %sub3A_761 : i32 to vector<16xi32>
    %sub3A_763 = arith.subi %sub3A_762, %shift_right_arithmetic3A_760 : vector<16xi32>
    %bitcast_convert_type3A_764 = tpu.bitcast %sub3A_763 : vector<16xi32> -> vector<16xf32>
    %mul3A_765 = arith.constant 5.000000e-01 : f32
    %mul3A_766 = vector.broadcast %mul3A_765 : f32 to vector<16xf32>
    %mul3A_767 = arith.mulf %mul3A_766, %add3A_756 : vector<16xf32>
    %mul3A_768 = arith.mulf %mul3A_767, %bitcast_convert_type3A_764 : vector<16xf32>
    %mul3A_769 = arith.mulf %mul3A_768, %bitcast_convert_type3A_764 : vector<16xf32>
    %sub3A_770 = arith.constant 1.500000e+00 : f32
    %sub3A_771 = vector.broadcast %sub3A_770 : f32 to vector<16xf32>
    %sub3A_772 = arith.subf %sub3A_771, %mul3A_769 : vector<16xf32>
    %mul3A_773 = arith.mulf %bitcast_convert_type3A_764, %sub3A_772 : vector<16xf32>
    %mul3A_774 = arith.constant 5.000000e-01 : f32
    %mul3A_775 = vector.broadcast %mul3A_774 : f32 to vector<16xf32>
    %mul3A_776 = arith.mulf %mul3A_775, %add3A_756 : vector<16xf32>
    %mul3A_777 = arith.mulf %mul3A_776, %mul3A_773 : vector<16xf32>
    %mul3A_778 = arith.mulf %mul3A_777, %mul3A_773 : vector<16xf32>
    %sub3A_779 = arith.constant 1.500000e+00 : f32
    %sub3A_780 = vector.broadcast %sub3A_779 : f32 to vector<16xf32>
    %sub3A_781 = arith.subf %sub3A_780, %mul3A_778 : vector<16xf32>
    %mul3A_782 = arith.mulf %mul3A_773, %sub3A_781 : vector<16xf32>
    %mul3A_783 = arith.constant 5.000000e-01 : f32
    %mul3A_784 = vector.broadcast %mul3A_783 : f32 to vector<16xf32>
    %mul3A_785 = arith.mulf %mul3A_784, %add3A_756 : vector<16xf32>
    %mul3A_786 = arith.mulf %mul3A_785, %mul3A_782 : vector<16xf32>
    %mul3A_787 = arith.mulf %mul3A_786, %mul3A_782 : vector<16xf32>
    %sub3A_788 = arith.constant 1.500000e+00 : f32
    %sub3A_789 = vector.broadcast %sub3A_788 : f32 to vector<16xf32>
    %sub3A_790 = arith.subf %sub3A_789, %mul3A_787 : vector<16xf32>
    %mul3A_791 = arith.mulf %mul3A_782, %sub3A_790 : vector<16xf32>
    %get3A_792 = arith.constant 160 : index
    %get3A_793 = tpu.vector_load %arg16[%get3A_792] {strides = array<i32>} : memref<512xf32, #tpu.memory_space<vmem>>, vector<16xf32>,
    %get3A_794 = vector.shape_cast %get3A_793 : vector<16xf32> to vector<16xf32>
    %mul3A_795 = arith.constant 1.000000e-01 : f32
    %mul3A_796 = vector.broadcast %mul3A_795 : f32 to vector<16xf32>
    %mul3A_797 = arith.mulf %get3A_794, %mul3A_796 : vector<16xf32>
    %mul3A_798 = arith.mulf %add3A_751, %mul3A_791 : vector<16xf32>
    %sub3A_799 = arith.subf %mul3A_797, %mul3A_798 : vector<16xf32>
    %abs3A_800 = math.absf %sub3A_799 : vector<16xf32>
    %add3A_801 = arith.addf %add3A_728, %abs3A_800 : vector<16xf32>
    %get3A_802 = arith.constant 176 : index
    %get3A_803 = tpu.vector_load %arg10[%get3A_802] {strides = array<i32>} : memref<512xf32, #tpu.memory_space<vmem>>, vector<16xf32>,
    %get3A_804 = vector.shape_cast %get3A_803 : vector<16xf32> to vector<16xf32>
    %get3A_805 = arith.constant 176 : index
    %get3A_806 = tpu.vector_load %arg11[%get3A_805] {strides = array<i32>} : memref<512xf32, #tpu.memory_space<vmem>>, vector<16xf32>,
    %get3A_807 = vector.shape_cast %get3A_806 : vector<16xf32> to vector<16xf32>
    %get3A_808 = arith.constant 176 : index
    %get3A_809 = tpu.vector_load %arg12[%get3A_808] {strides = array<i32>} : memref<512xf32, #tpu.memory_space<vmem>>, vector<16xf32>,
    %get3A_810 = vector.shape_cast %get3A_809 : vector<16xf32> to vector<16xf32>
    %get3A_811 = arith.constant 176 : index
    %get3A_812 = tpu.vector_load %arg13[%get3A_811] {strides = array<i32>} : memref<512xf32, #tpu.memory_space<vmem>>, vector<16xf32>,
    %get3A_813 = vector.shape_cast %get3A_812 : vector<16xf32> to vector<16xf32>
    %mul3A_814 = arith.mulf %get3A_813, %get3A_804 : vector<16xf32>
    %get3A_815 = arith.constant 176 : index
    %get3A_816 = tpu.vector_load %arg14[%get3A_815] {strides = array<i32>} : memref<512xf32, #tpu.memory_space<vmem>>, vector<16xf32>,
    %get3A_817 = vector.shape_cast %get3A_816 : vector<16xf32> to vector<16xf32>
    %mul3A_818 = arith.mulf %get3A_817, %get3A_807 : vector<16xf32>
    %add3A_819 = arith.addf %mul3A_814, %mul3A_818 : vector<16xf32>
    %get3A_820 = arith.constant 176 : index
    %get3A_821 = tpu.vector_load %arg15[%get3A_820] {strides = array<i32>} : memref<512xf32, #tpu.memory_space<vmem>>, vector<16xf32>,
    %get3A_822 = vector.shape_cast %get3A_821 : vector<16xf32> to vector<16xf32>
    %mul3A_823 = arith.mulf %get3A_822, %get3A_810 : vector<16xf32>
    %add3A_824 = arith.addf %add3A_819, %mul3A_823 : vector<16xf32>
    %mul3A_825 = arith.mulf %get3A_804, %get3A_804 : vector<16xf32>
    %mul3A_826 = arith.mulf %get3A_807, %get3A_807 : vector<16xf32>
    %add3A_827 = arith.addf %mul3A_825, %mul3A_826 : vector<16xf32>
    %mul3A_828 = arith.mulf %get3A_810, %get3A_810 : vector<16xf32>
    %add3A_829 = arith.addf %add3A_827, %mul3A_828 : vector<16xf32>
    %bitcast_convert_type3A_830 = tpu.bitcast %add3A_829 : vector<16xf32> -> vector<16xi32>
    %shift_right_arithmetic3A_831 = arith.constant 1 : i32
    %shift_right_arithmetic3A_832 = vector.broadcast %shift_right_arithmetic3A_831 : i32 to vector<16xi32>
    %shift_right_arithmetic3A_833 = arith.shrsi %bitcast_convert_type3A_830, %shift_right_arithmetic3A_832 : vector<16xi32>
    %sub3A_834 = arith.constant 1597463007 : i32
    %sub3A_835 = vector.broadcast %sub3A_834 : i32 to vector<16xi32>
    %sub3A_836 = arith.subi %sub3A_835, %shift_right_arithmetic3A_833 : vector<16xi32>
    %bitcast_convert_type3A_837 = tpu.bitcast %sub3A_836 : vector<16xi32> -> vector<16xf32>
    %mul3A_838 = arith.constant 5.000000e-01 : f32
    %mul3A_839 = vector.broadcast %mul3A_838 : f32 to vector<16xf32>
    %mul3A_840 = arith.mulf %mul3A_839, %add3A_829 : vector<16xf32>
    %mul3A_841 = arith.mulf %mul3A_840, %bitcast_convert_type3A_837 : vector<16xf32>
    %mul3A_842 = arith.mulf %mul3A_841, %bitcast_convert_type3A_837 : vector<16xf32>
    %sub3A_843 = arith.constant 1.500000e+00 : f32
    %sub3A_844 = vector.broadcast %sub3A_843 : f32 to vector<16xf32>
    %sub3A_845 = arith.subf %sub3A_844, %mul3A_842 : vector<16xf32>
    %mul3A_846 = arith.mulf %bitcast_convert_type3A_837, %sub3A_845 : vector<16xf32>
    %mul3A_847 = arith.constant 5.000000e-01 : f32
    %mul3A_848 = vector.broadcast %mul3A_847 : f32 to vector<16xf32>
    %mul3A_849 = arith.mulf %mul3A_848, %add3A_829 : vector<16xf32>
    %mul3A_850 = arith.mulf %mul3A_849, %mul3A_846 : vector<16xf32>
    %mul3A_851 = arith.mulf %mul3A_850, %mul3A_846 : vector<16xf32>
    %sub3A_852 = arith.constant 1.500000e+00 : f32
    %sub3A_853 = vector.broadcast %sub3A_852 : f32 to vector<16xf32>
    %sub3A_854 = arith.subf %sub3A_853, %mul3A_851 : vector<16xf32>
    %mul3A_855 = arith.mulf %mul3A_846, %sub3A_854 : vector<16xf32>
    %mul3A_856 = arith.constant 5.000000e-01 : f32
    %mul3A_857 = vector.broadcast %mul3A_856 : f32 to vector<16xf32>
    %mul3A_858 = arith.mulf %mul3A_857, %add3A_829 : vector<16xf32>
    %mul3A_859 = arith.mulf %mul3A_858, %mul3A_855 : vector<16xf32>
    %mul3A_860 = arith.mulf %mul3A_859, %mul3A_855 : vector<16xf32>
    %sub3A_861 = arith.constant 1.500000e+00 : f32
    %sub3A_862 = vector.broadcast %sub3A_861 : f32 to vector<16xf32>
    %sub3A_863 = arith.subf %sub3A_862, %mul3A_860 : vector<16xf32>
    %mul3A_864 = arith.mulf %mul3A_855, %sub3A_863 : vector<16xf32>
    %get3A_865 = arith.constant 176 : index
    %get3A_866 = tpu.vector_load %arg16[%get3A_865] {strides = array<i32>} : memref<512xf32, #tpu.memory_space<vmem>>, vector<16xf32>,
    %get3A_867 = vector.shape_cast %get3A_866 : vector<16xf32> to vector<16xf32>
    %mul3A_868 = arith.constant 1.000000e-01 : f32
    %mul3A_869 = vector.broadcast %mul3A_868 : f32 to vector<16xf32>
    %mul3A_870 = arith.mulf %get3A_867, %mul3A_869 : vector<16xf32>
    %mul3A_871 = arith.mulf %add3A_824, %mul3A_864 : vector<16xf32>
    %sub3A_872 = arith.subf %mul3A_870, %mul3A_871 : vector<16xf32>
    %abs3A_873 = math.absf %sub3A_872 : vector<16xf32>
    %add3A_874 = arith.addf %add3A_801, %abs3A_873 : vector<16xf32>
    %get3A_875 = arith.constant 192 : index
    %get3A_876 = tpu.vector_load %arg10[%get3A_875] {strides = array<i32>} : memref<512xf32, #tpu.memory_space<vmem>>, vector<16xf32>,
    %get3A_877 = vector.shape_cast %get3A_876 : vector<16xf32> to vector<16xf32>
    %get3A_878 = arith.constant 192 : index
    %get3A_879 = tpu.vector_load %arg11[%get3A_878] {strides = array<i32>} : memref<512xf32, #tpu.memory_space<vmem>>, vector<16xf32>,
    %get3A_880 = vector.shape_cast %get3A_879 : vector<16xf32> to vector<16xf32>
    %get3A_881 = arith.constant 192 : index
    %get3A_882 = tpu.vector_load %arg12[%get3A_881] {strides = array<i32>} : memref<512xf32, #tpu.memory_space<vmem>>, vector<16xf32>,
    %get3A_883 = vector.shape_cast %get3A_882 : vector<16xf32> to vector<16xf32>
    %get3A_884 = arith.constant 192 : index
    %get3A_885 = tpu.vector_load %arg13[%get3A_884] {strides = array<i32>} : memref<512xf32, #tpu.memory_space<vmem>>, vector<16xf32>,
    %get3A_886 = vector.shape_cast %get3A_885 : vector<16xf32> to vector<16xf32>
    %mul3A_887 = arith.mulf %get3A_886, %get3A_877 : vector<16xf32>
    %get3A_888 = arith.constant 192 : index
    %get3A_889 = tpu.vector_load %arg14[%get3A_888] {strides = array<i32>} : memref<512xf32, #tpu.memory_space<vmem>>, vector<16xf32>,
    %get3A_890 = vector.shape_cast %get3A_889 : vector<16xf32> to vector<16xf32>
    %mul3A_891 = arith.mulf %get3A_890, %get3A_880 : vector<16xf32>
    %add3A_892 = arith.addf %mul3A_887, %mul3A_891 : vector<16xf32>
    %get3A_893 = arith.constant 192 : index
    %get3A_894 = tpu.vector_load %arg15[%get3A_893] {strides = array<i32>} : memref<512xf32, #tpu.memory_space<vmem>>, vector<16xf32>,
    %get3A_895 = vector.shape_cast %get3A_894 : vector<16xf32> to vector<16xf32>
    %mul3A_896 = arith.mulf %get3A_895, %get3A_883 : vector<16xf32>
    %add3A_897 = arith.addf %add3A_892, %mul3A_896 : vector<16xf32>
    %mul3A_898 = arith.mulf %get3A_877, %get3A_877 : vector<16xf32>
    %mul3A_899 = arith.mulf %get3A_880, %get3A_880 : vector<16xf32>
    %add3A_900 = arith.addf %mul3A_898, %mul3A_899 : vector<16xf32>
    %mul3A_901 = arith.mulf %get3A_883, %get3A_883 : vector<16xf32>
    %add3A_902 = arith.addf %add3A_900, %mul3A_901 : vector<16xf32>
    %bitcast_convert_type3A_903 = tpu.bitcast %add3A_902 : vector<16xf32> -> vector<16xi32>
    %shift_right_arithmetic3A_904 = arith.constant 1 : i32
    %shift_right_arithmetic3A_905 = vector.broadcast %shift_right_arithmetic3A_904 : i32 to vector<16xi32>
    %shift_right_arithmetic3A_906 = arith.shrsi %bitcast_convert_type3A_903, %shift_right_arithmetic3A_905 : vector<16xi32>
    %sub3A_907 = arith.constant 1597463007 : i32
    %sub3A_908 = vector.broadcast %sub3A_907 : i32 to vector<16xi32>
    %sub3A_909 = arith.subi %sub3A_908, %shift_right_arithmetic3A_906 : vector<16xi32>
    %bitcast_convert_type3A_910 = tpu.bitcast %sub3A_909 : vector<16xi32> -> vector<16xf32>
    %mul3A_911 = arith.constant 5.000000e-01 : f32
    %mul3A_912 = vector.broadcast %mul3A_911 : f32 to vector<16xf32>
    %mul3A_913 = arith.mulf %mul3A_912, %add3A_902 : vector<16xf32>
    %mul3A_914 = arith.mulf %mul3A_913, %bitcast_convert_type3A_910 : vector<16xf32>
    %mul3A_915 = arith.mulf %mul3A_914, %bitcast_convert_type3A_910 : vector<16xf32>
    %sub3A_916 = arith.constant 1.500000e+00 : f32
    %sub3A_917 = vector.broadcast %sub3A_916 : f32 to vector<16xf32>
    %sub3A_918 = arith.subf %sub3A_917, %mul3A_915 : vector<16xf32>
    %mul3A_919 = arith.mulf %bitcast_convert_type3A_910, %sub3A_918 : vector<16xf32>
    %mul3A_920 = arith.constant 5.000000e-01 : f32
    %mul3A_921 = vector.broadcast %mul3A_920 : f32 to vector<16xf32>
    %mul3A_922 = arith.mulf %mul3A_921, %add3A_902 : vector<16xf32>
    %mul3A_923 = arith.mulf %mul3A_922, %mul3A_919 : vector<16xf32>
    %mul3A_924 = arith.mulf %mul3A_923, %mul3A_919 : vector<16xf32>
    %sub3A_925 = arith.constant 1.500000e+00 : f32
    %sub3A_926 = vector.broadcast %sub3A_925 : f32 to vector<16xf32>
    %sub3A_927 = arith.subf %sub3A_926, %mul3A_924 : vector<16xf32>
    %mul3A_928 = arith.mulf %mul3A_919, %sub3A_927 : vector<16xf32>
    %mul3A_929 = arith.constant 5.000000e-01 : f32
    %mul3A_930 = vector.broadcast %mul3A_929 : f32 to vector<16xf32>
    %mul3A_931 = arith.mulf %mul3A_930, %add3A_902 : vector<16xf32>
    %mul3A_932 = arith.mulf %mul3A_931, %mul3A_928 : vector<16xf32>
    %mul3A_933 = arith.mulf %mul3A_932, %mul3A_928 : vector<16xf32>
    %sub3A_934 = arith.constant 1.500000e+00 : f32
    %sub3A_935 = vector.broadcast %sub3A_934 : f32 to vector<16xf32>
    %sub3A_936 = arith.subf %sub3A_935, %mul3A_933 : vector<16xf32>
    %mul3A_937 = arith.mulf %mul3A_928, %sub3A_936 : vector<16xf32>
    %get3A_938 = arith.constant 192 : index
    %get3A_939 = tpu.vector_load %arg16[%get3A_938] {strides = array<i32>} : memref<512xf32, #tpu.memory_space<vmem>>, vector<16xf32>,
    %get3A_940 = vector.shape_cast %get3A_939 : vector<16xf32> to vector<16xf32>
    %mul3A_941 = arith.constant 1.000000e-01 : f32
    %mul3A_942 = vector.broadcast %mul3A_941 : f32 to vector<16xf32>
    %mul3A_943 = arith.mulf %get3A_940, %mul3A_942 : vector<16xf32>
    %mul3A_944 = arith.mulf %add3A_897, %mul3A_937 : vector<16xf32>
    %sub3A_945 = arith.subf %mul3A_943, %mul3A_944 : vector<16xf32>
    %abs3A_946 = math.absf %sub3A_945 : vector<16xf32>
    %add3A_947 = arith.addf %add3A_874, %abs3A_946 : vector<16xf32>
    %get3A_948 = arith.constant 208 : index
    %get3A_949 = tpu.vector_load %arg10[%get3A_948] {strides = array<i32>} : memref<512xf32, #tpu.memory_space<vmem>>, vector<16xf32>,
    %get3A_950 = vector.shape_cast %get3A_949 : vector<16xf32> to vector<16xf32>
    %get3A_951 = arith.constant 208 : index
    %get3A_952 = tpu.vector_load %arg11[%get3A_951] {strides = array<i32>} : memref<512xf32, #tpu.memory_space<vmem>>, vector<16xf32>,
    %get3A_953 = vector.shape_cast %get3A_952 : vector<16xf32> to vector<16xf32>
    %get3A_954 = arith.constant 208 : index
    %get3A_955 = tpu.vector_load %arg12[%get3A_954] {strides = array<i32>} : memref<512xf32, #tpu.memory_space<vmem>>, vector<16xf32>,
    %get3A_956 = vector.shape_cast %get3A_955 : vector<16xf32> to vector<16xf32>
    %get3A_957 = arith.constant 208 : index
    %get3A_958 = tpu.vector_load %arg13[%get3A_957] {strides = array<i32>} : memref<512xf32, #tpu.memory_space<vmem>>, vector<16xf32>,
    %get3A_959 = vector.shape_cast %get3A_958 : vector<16xf32> to vector<16xf32>
    %mul3A_960 = arith.mulf %get3A_959, %get3A_950 : vector<16xf32>
    %get3A_961 = arith.constant 208 : index
    %get3A_962 = tpu.vector_load %arg14[%get3A_961] {strides = array<i32>} : memref<512xf32, #tpu.memory_space<vmem>>, vector<16xf32>,
    %get3A_963 = vector.shape_cast %get3A_962 : vector<16xf32> to vector<16xf32>
    %mul3A_964 = arith.mulf %get3A_963, %get3A_953 : vector<16xf32>
    %add3A_965 = arith.addf %mul3A_960, %mul3A_964 : vector<16xf32>
    %get3A_966 = arith.constant 208 : index
    %get3A_967 = tpu.vector_load %arg15[%get3A_966] {strides = array<i32>} : memref<512xf32, #tpu.memory_space<vmem>>, vector<16xf32>,
    %get3A_968 = vector.shape_cast %get3A_967 : vector<16xf32> to vector<16xf32>
    %mul3A_969 = arith.mulf %get3A_968, %get3A_956 : vector<16xf32>
    %add3A_970 = arith.addf %add3A_965, %mul3A_969 : vector<16xf32>
    %mul3A_971 = arith.mulf %get3A_950, %get3A_950 : vector<16xf32>
    %mul3A_972 = arith.mulf %get3A_953, %get3A_953 : vector<16xf32>
    %add3A_973 = arith.addf %mul3A_971, %mul3A_972 : vector<16xf32>
    %mul3A_974 = arith.mulf %get3A_956, %get3A_956 : vector<16xf32>
    %add3A_975 = arith.addf %add3A_973, %mul3A_974 : vector<16xf32>
    %bitcast_convert_type3A_976 = tpu.bitcast %add3A_975 : vector<16xf32> -> vector<16xi32>
    %shift_right_arithmetic3A_977 = arith.constant 1 : i32
    %shift_right_arithmetic3A_978 = vector.broadcast %shift_right_arithmetic3A_977 : i32 to vector<16xi32>
    %shift_right_arithmetic3A_979 = arith.shrsi %bitcast_convert_type3A_976, %shift_right_arithmetic3A_978 : vector<16xi32>
    %sub3A_980 = arith.constant 1597463007 : i32
    %sub3A_981 = vector.broadcast %sub3A_980 : i32 to vector<16xi32>
    %sub3A_982 = arith.subi %sub3A_981, %shift_right_arithmetic3A_979 : vector<16xi32>
    %bitcast_convert_type3A_983 = tpu.bitcast %sub3A_982 : vector<16xi32> -> vector<16xf32>
    %mul3A_984 = arith.constant 5.000000e-01 : f32
    %mul3A_985 = vector.broadcast %mul3A_984 : f32 to vector<16xf32>
    %mul3A_986 = arith.mulf %mul3A_985, %add3A_975 : vector<16xf32>
    %mul3A_987 = arith.mulf %mul3A_986, %bitcast_convert_type3A_983 : vector<16xf32>
    %mul3A_988 = arith.mulf %mul3A_987, %bitcast_convert_type3A_983 : vector<16xf32>
    %sub3A_989 = arith.constant 1.500000e+00 : f32
    %sub3A_990 = vector.broadcast %sub3A_989 : f32 to vector<16xf32>
    %sub3A_991 = arith.subf %sub3A_990, %mul3A_988 : vector<16xf32>
    %mul3A_992 = arith.mulf %bitcast_convert_type3A_983, %sub3A_991 : vector<16xf32>
    %mul3A_993 = arith.constant 5.000000e-01 : f32
    %mul3A_994 = vector.broadcast %mul3A_993 : f32 to vector<16xf32>
    %mul3A_995 = arith.mulf %mul3A_994, %add3A_975 : vector<16xf32>
    %mul3A_996 = arith.mulf %mul3A_995, %mul3A_992 : vector<16xf32>
    %mul3A_997 = arith.mulf %mul3A_996, %mul3A_992 : vector<16xf32>
    %sub3A_998 = arith.constant 1.500000e+00 : f32
    %sub3A_999 = vector.broadcast %sub3A_998 : f32 to vector<16xf32>
    %sub3A_1000 = arith.subf %sub3A_999, %mul3A_997 : vector<16xf32>
    %mul3A_1001 = arith.mulf %mul3A_992, %sub3A_1000 : vector<16xf32>
    %mul3A_1002 = arith.constant 5.000000e-01 : f32
    %mul3A_1003 = vector.broadcast %mul3A_1002 : f32 to vector<16xf32>
    %mul3A_1004 = arith.mulf %mul3A_1003, %add3A_975 : vector<16xf32>
    %mul3A_1005 = arith.mulf %mul3A_1004, %mul3A_1001 : vector<16xf32>
    %mul3A_1006 = arith.mulf %mul3A_1005, %mul3A_1001 : vector<16xf32>
    %sub3A_1007 = arith.constant 1.500000e+00 : f32
    %sub3A_1008 = vector.broadcast %sub3A_1007 : f32 to vector<16xf32>
    %sub3A_1009 = arith.subf %sub3A_1008, %mul3A_1006 : vector<16xf32>
    %mul3A_1010 = arith.mulf %mul3A_1001, %sub3A_1009 : vector<16xf32>
    %get3A_1011 = arith.constant 208 : index
    %get3A_1012 = tpu.vector_load %arg16[%get3A_1011] {strides = array<i32>} : memref<512xf32, #tpu.memory_space<vmem>>, vector<16xf32>,
    %get3A_1013 = vector.shape_cast %get3A_1012 : vector<16xf32> to vector<16xf32>
    %mul3A_1014 = arith.constant 1.000000e-01 : f32
    %mul3A_1015 = vector.broadcast %mul3A_1014 : f32 to vector<16xf32>
    %mul3A_1016 = arith.mulf %get3A_1013, %mul3A_1015 : vector<16xf32>
    %mul3A_1017 = arith.mulf %add3A_970, %mul3A_1010 : vector<16xf32>
    %sub3A_1018 = arith.subf %mul3A_1016, %mul3A_1017 : vector<16xf32>
    %abs3A_1019 = math.absf %sub3A_1018 : vector<16xf32>
    %add3A_1020 = arith.addf %add3A_947, %abs3A_1019 : vector<16xf32>
    %get3A_1021 = arith.constant 224 : index
    %get3A_1022 = tpu.vector_load %arg10[%get3A_1021] {strides = array<i32>} : memref<512xf32, #tpu.memory_space<vmem>>, vector<16xf32>,
    %get3A_1023 = vector.shape_cast %get3A_1022 : vector<16xf32> to vector<16xf32>
    %get3A_1024 = arith.constant 224 : index
    %get3A_1025 = tpu.vector_load %arg11[%get3A_1024] {strides = array<i32>} : memref<512xf32, #tpu.memory_space<vmem>>, vector<16xf32>,
    %get3A_1026 = vector.shape_cast %get3A_1025 : vector<16xf32> to vector<16xf32>
    %get3A_1027 = arith.constant 224 : index
    %get3A_1028 = tpu.vector_load %arg12[%get3A_1027] {strides = array<i32>} : memref<512xf32, #tpu.memory_space<vmem>>, vector<16xf32>,
    %get3A_1029 = vector.shape_cast %get3A_1028 : vector<16xf32> to vector<16xf32>
    %get3A_1030 = arith.constant 224 : index
    %get3A_1031 = tpu.vector_load %arg13[%get3A_1030] {strides = array<i32>} : memref<512xf32, #tpu.memory_space<vmem>>, vector<16xf32>,
    %get3A_1032 = vector.shape_cast %get3A_1031 : vector<16xf32> to vector<16xf32>
    %mul3A_1033 = arith.mulf %get3A_1032, %get3A_1023 : vector<16xf32>
    %get3A_1034 = arith.constant 224 : index
    %get3A_1035 = tpu.vector_load %arg14[%get3A_1034] {strides = array<i32>} : memref<512xf32, #tpu.memory_space<vmem>>, vector<16xf32>,
    %get3A_1036 = vector.shape_cast %get3A_1035 : vector<16xf32> to vector<16xf32>
    %mul3A_1037 = arith.mulf %get3A_1036, %get3A_1026 : vector<16xf32>
    %add3A_1038 = arith.addf %mul3A_1033, %mul3A_1037 : vector<16xf32>
    %get3A_1039 = arith.constant 224 : index
    %get3A_1040 = tpu.vector_load %arg15[%get3A_1039] {strides = array<i32>} : memref<512xf32, #tpu.memory_space<vmem>>, vector<16xf32>,
    %get3A_1041 = vector.shape_cast %get3A_1040 : vector<16xf32> to vector<16xf32>
    %mul3A_1042 = arith.mulf %get3A_1041, %get3A_1029 : vector<16xf32>
    %add3A_1043 = arith.addf %add3A_1038, %mul3A_1042 : vector<16xf32>
    %mul3A_1044 = arith.mulf %get3A_1023, %get3A_1023 : vector<16xf32>
    %mul3A_1045 = arith.mulf %get3A_1026, %get3A_1026 : vector<16xf32>
    %add3A_1046 = arith.addf %mul3A_1044, %mul3A_1045 : vector<16xf32>
    %mul3A_1047 = arith.mulf %get3A_1029, %get3A_1029 : vector<16xf32>
    %add3A_1048 = arith.addf %add3A_1046, %mul3A_1047 : vector<16xf32>
    %bitcast_convert_type3A_1049 = tpu.bitcast %add3A_1048 : vector<16xf32> -> vector<16xi32>
    %shift_right_arithmetic3A_1050 = arith.constant 1 : i32
    %shift_right_arithmetic3A_1051 = vector.broadcast %shift_right_arithmetic3A_1050 : i32 to vector<16xi32>
    %shift_right_arithmetic3A_1052 = arith.shrsi %bitcast_convert_type3A_1049, %shift_right_arithmetic3A_1051 : vector<16xi32>
    %sub3A_1053 = arith.constant 1597463007 : i32
    %sub3A_1054 = vector.broadcast %sub3A_1053 : i32 to vector<16xi32>
    %sub3A_1055 = arith.subi %sub3A_1054, %shift_right_arithmetic3A_1052 : vector<16xi32>
    %bitcast_convert_type3A_1056 = tpu.bitcast %sub3A_1055 : vector<16xi32> -> vector<16xf32>
    %mul3A_1057 = arith.constant 5.000000e-01 : f32
    %mul3A_1058 = vector.broadcast %mul3A_1057 : f32 to vector<16xf32>
    %mul3A_1059 = arith.mulf %mul3A_1058, %add3A_1048 : vector<16xf32>
    %mul3A_1060 = arith.mulf %mul3A_1059, %bitcast_convert_type3A_1056 : vector<16xf32>
    %mul3A_1061 = arith.mulf %mul3A_1060, %bitcast_convert_type3A_1056 : vector<16xf32>
    %sub3A_1062 = arith.constant 1.500000e+00 : f32
    %sub3A_1063 = vector.broadcast %sub3A_1062 : f32 to vector<16xf32>
    %sub3A_1064 = arith.subf %sub3A_1063, %mul3A_1061 : vector<16xf32>
    %mul3A_1065 = arith.mulf %bitcast_convert_type3A_1056, %sub3A_1064 : vector<16xf32>
    %mul3A_1066 = arith.constant 5.000000e-01 : f32
    %mul3A_1067 = vector.broadcast %mul3A_1066 : f32 to vector<16xf32>
    %mul3A_1068 = arith.mulf %mul3A_1067, %add3A_1048 : vector<16xf32>
    %mul3A_1069 = arith.mulf %mul3A_1068, %mul3A_1065 : vector<16xf32>
    %mul3A_1070 = arith.mulf %mul3A_1069, %mul3A_1065 : vector<16xf32>
    %sub3A_1071 = arith.constant 1.500000e+00 : f32
    %sub3A_1072 = vector.broadcast %sub3A_1071 : f32 to vector<16xf32>
    %sub3A_1073 = arith.subf %sub3A_1072, %mul3A_1070 : vector<16xf32>
    %mul3A_1074 = arith.mulf %mul3A_1065, %sub3A_1073 : vector<16xf32>
    %mul3A_1075 = arith.constant 5.000000e-01 : f32
    %mul3A_1076 = vector.broadcast %mul3A_1075 : f32 to vector<16xf32>
    %mul3A_1077 = arith.mulf %mul3A_1076, %add3A_1048 : vector<16xf32>
    %mul3A_1078 = arith.mulf %mul3A_1077, %mul3A_1074 : vector<16xf32>
    %mul3A_1079 = arith.mulf %mul3A_1078, %mul3A_1074 : vector<16xf32>
    %sub3A_1080 = arith.constant 1.500000e+00 : f32
    %sub3A_1081 = vector.broadcast %sub3A_1080 : f32 to vector<16xf32>
    %sub3A_1082 = arith.subf %sub3A_1081, %mul3A_1079 : vector<16xf32>
    %mul3A_1083 = arith.mulf %mul3A_1074, %sub3A_1082 : vector<16xf32>
    %get3A_1084 = arith.constant 224 : index
    %get3A_1085 = tpu.vector_load %arg16[%get3A_1084] {strides = array<i32>} : memref<512xf32, #tpu.memory_space<vmem>>, vector<16xf32>,
    %get3A_1086 = vector.shape_cast %get3A_1085 : vector<16xf32> to vector<16xf32>
    %mul3A_1087 = arith.constant 1.000000e-01 : f32
    %mul3A_1088 = vector.broadcast %mul3A_1087 : f32 to vector<16xf32>
    %mul3A_1089 = arith.mulf %get3A_1086, %mul3A_1088 : vector<16xf32>
    %mul3A_1090 = arith.mulf %add3A_1043, %mul3A_1083 : vector<16xf32>
    %sub3A_1091 = arith.subf %mul3A_1089, %mul3A_1090 : vector<16xf32>
    %abs3A_1092 = math.absf %sub3A_1091 : vector<16xf32>
    %add3A_1093 = arith.addf %add3A_1020, %abs3A_1092 : vector<16xf32>
    %get3A_1094 = arith.constant 240 : index
    %get3A_1095 = tpu.vector_load %arg10[%get3A_1094] {strides = array<i32>} : memref<512xf32, #tpu.memory_space<vmem>>, vector<16xf32>,
    %get3A_1096 = vector.shape_cast %get3A_1095 : vector<16xf32> to vector<16xf32>
    %get3A_1097 = arith.constant 240 : index
    %get3A_1098 = tpu.vector_load %arg11[%get3A_1097] {strides = array<i32>} : memref<512xf32, #tpu.memory_space<vmem>>, vector<16xf32>,
    %get3A_1099 = vector.shape_cast %get3A_1098 : vector<16xf32> to vector<16xf32>
    %get3A_1100 = arith.constant 240 : index
    %get3A_1101 = tpu.vector_load %arg12[%get3A_1100] {strides = array<i32>} : memref<512xf32, #tpu.memory_space<vmem>>, vector<16xf32>,
    %get3A_1102 = vector.shape_cast %get3A_1101 : vector<16xf32> to vector<16xf32>
    %get3A_1103 = arith.constant 240 : index
    %get3A_1104 = tpu.vector_load %arg13[%get3A_1103] {strides = array<i32>} : memref<512xf32, #tpu.memory_space<vmem>>, vector<16xf32>,
    %get3A_1105 = vector.shape_cast %get3A_1104 : vector<16xf32> to vector<16xf32>
    %mul3A_1106 = arith.mulf %get3A_1105, %get3A_1096 : vector<16xf32>
    %get3A_1107 = arith.constant 240 : index
    %get3A_1108 = tpu.vector_load %arg14[%get3A_1107] {strides = array<i32>} : memref<512xf32, #tpu.memory_space<vmem>>, vector<16xf32>,
    %get3A_1109 = vector.shape_cast %get3A_1108 : vector<16xf32> to vector<16xf32>
    %mul3A_1110 = arith.mulf %get3A_1109, %get3A_1099 : vector<16xf32>
    %add3A_1111 = arith.addf %mul3A_1106, %mul3A_1110 : vector<16xf32>
    %get3A_1112 = arith.constant 240 : index
    %get3A_1113 = tpu.vector_load %arg15[%get3A_1112] {strides = array<i32>} : memref<512xf32, #tpu.memory_space<vmem>>, vector<16xf32>,
    %get3A_1114 = vector.shape_cast %get3A_1113 : vector<16xf32> to vector<16xf32>
    %mul3A_1115 = arith.mulf %get3A_1114, %get3A_1102 : vector<16xf32>
    %add3A_1116 = arith.addf %add3A_1111, %mul3A_1115 : vector<16xf32>
    %mul3A_1117 = arith.mulf %get3A_1096, %get3A_1096 : vector<16xf32>
    %mul3A_1118 = arith.mulf %get3A_1099, %get3A_1099 : vector<16xf32>
    %add3A_1119 = arith.addf %mul3A_1117, %mul3A_1118 : vector<16xf32>
    %mul3A_1120 = arith.mulf %get3A_1102, %get3A_1102 : vector<16xf32>
    %add3A_1121 = arith.addf %add3A_1119, %mul3A_1120 : vector<16xf32>
    %bitcast_convert_type3A_1122 = tpu.bitcast %add3A_1121 : vector<16xf32> -> vector<16xi32>
    %shift_right_arithmetic3A_1123 = arith.constant 1 : i32
    %shift_right_arithmetic3A_1124 = vector.broadcast %shift_right_arithmetic3A_1123 : i32 to vector<16xi32>
    %shift_right_arithmetic3A_1125 = arith.shrsi %bitcast_convert_type3A_1122, %shift_right_arithmetic3A_1124 : vector<16xi32>
    %sub3A_1126 = arith.constant 1597463007 : i32
    %sub3A_1127 = vector.broadcast %sub3A_1126 : i32 to vector<16xi32>
    %sub3A_1128 = arith.subi %sub3A_1127, %shift_right_arithmetic3A_1125 : vector<16xi32>
    %bitcast_convert_type3A_1129 = tpu.bitcast %sub3A_1128 : vector<16xi32> -> vector<16xf32>
    %mul3A_1130 = arith.constant 5.000000e-01 : f32
    %mul3A_1131 = vector.broadcast %mul3A_1130 : f32 to vector<16xf32>
    %mul3A_1132 = arith.mulf %mul3A_1131, %add3A_1121 : vector<16xf32>
    %mul3A_1133 = arith.mulf %mul3A_1132, %bitcast_convert_type3A_1129 : vector<16xf32>
    %mul3A_1134 = arith.mulf %mul3A_1133, %bitcast_convert_type3A_1129 : vector<16xf32>
    %sub3A_1135 = arith.constant 1.500000e+00 : f32
    %sub3A_1136 = vector.broadcast %sub3A_1135 : f32 to vector<16xf32>
    %sub3A_1137 = arith.subf %sub3A_1136, %mul3A_1134 : vector<16xf32>
    %mul3A_1138 = arith.mulf %bitcast_convert_type3A_1129, %sub3A_1137 : vector<16xf32>
    %mul3A_1139 = arith.constant 5.000000e-01 : f32
    %mul3A_1140 = vector.broadcast %mul3A_1139 : f32 to vector<16xf32>
    %mul3A_1141 = arith.mulf %mul3A_1140, %add3A_1121 : vector<16xf32>
    %mul3A_1142 = arith.mulf %mul3A_1141, %mul3A_1138 : vector<16xf32>
    %mul3A_1143 = arith.mulf %mul3A_1142, %mul3A_1138 : vector<16xf32>
    %sub3A_1144 = arith.constant 1.500000e+00 : f32
    %sub3A_1145 = vector.broadcast %sub3A_1144 : f32 to vector<16xf32>
    %sub3A_1146 = arith.subf %sub3A_1145, %mul3A_1143 : vector<16xf32>
    %mul3A_1147 = arith.mulf %mul3A_1138, %sub3A_1146 : vector<16xf32>
    %mul3A_1148 = arith.constant 5.000000e-01 : f32
    %mul3A_1149 = vector.broadcast %mul3A_1148 : f32 to vector<16xf32>
    %mul3A_1150 = arith.mulf %mul3A_1149, %add3A_1121 : vector<16xf32>
    %mul3A_1151 = arith.mulf %mul3A_1150, %mul3A_1147 : vector<16xf32>
    %mul3A_1152 = arith.mulf %mul3A_1151, %mul3A_1147 : vector<16xf32>
    %sub3A_1153 = arith.constant 1.500000e+00 : f32
    %sub3A_1154 = vector.broadcast %sub3A_1153 : f32 to vector<16xf32>
    %sub3A_1155 = arith.subf %sub3A_1154, %mul3A_1152 : vector<16xf32>
    %mul3A_1156 = arith.mulf %mul3A_1147, %sub3A_1155 : vector<16xf32>
    %get3A_1157 = arith.constant 240 : index
    %get3A_1158 = tpu.vector_load %arg16[%get3A_1157] {strides = array<i32>} : memref<512xf32, #tpu.memory_space<vmem>>, vector<16xf32>,
    %get3A_1159 = vector.shape_cast %get3A_1158 : vector<16xf32> to vector<16xf32>
    %mul3A_1160 = arith.constant 1.000000e-01 : f32
    %mul3A_1161 = vector.broadcast %mul3A_1160 : f32 to vector<16xf32>
    %mul3A_1162 = arith.mulf %get3A_1159, %mul3A_1161 : vector<16xf32>
    %mul3A_1163 = arith.mulf %add3A_1116, %mul3A_1156 : vector<16xf32>
    %sub3A_1164 = arith.subf %mul3A_1162, %mul3A_1163 : vector<16xf32>
    %abs3A_1165 = math.absf %sub3A_1164 : vector<16xf32>
    %add3A_1166 = arith.addf %add3A_1093, %abs3A_1165 : vector<16xf32>
    %get3A_1167 = arith.constant 256 : index
    %get3A_1168 = tpu.vector_load %arg10[%get3A_1167] {strides = array<i32>} : memref<512xf32, #tpu.memory_space<vmem>>, vector<16xf32>,
    %get3A_1169 = vector.shape_cast %get3A_1168 : vector<16xf32> to vector<16xf32>
    %get3A_1170 = arith.constant 256 : index
    %get3A_1171 = tpu.vector_load %arg11[%get3A_1170] {strides = array<i32>} : memref<512xf32, #tpu.memory_space<vmem>>, vector<16xf32>,
    %get3A_1172 = vector.shape_cast %get3A_1171 : vector<16xf32> to vector<16xf32>
    %get3A_1173 = arith.constant 256 : index
    %get3A_1174 = tpu.vector_load %arg12[%get3A_1173] {strides = array<i32>} : memref<512xf32, #tpu.memory_space<vmem>>, vector<16xf32>,
    %get3A_1175 = vector.shape_cast %get3A_1174 : vector<16xf32> to vector<16xf32>
    %get3A_1176 = arith.constant 256 : index
    %get3A_1177 = tpu.vector_load %arg13[%get3A_1176] {strides = array<i32>} : memref<512xf32, #tpu.memory_space<vmem>>, vector<16xf32>,
    %get3A_1178 = vector.shape_cast %get3A_1177 : vector<16xf32> to vector<16xf32>
    %mul3A_1179 = arith.mulf %get3A_1178, %get3A_1169 : vector<16xf32>
    %get3A_1180 = arith.constant 256 : index
    %get3A_1181 = tpu.vector_load %arg14[%get3A_1180] {strides = array<i32>} : memref<512xf32, #tpu.memory_space<vmem>>, vector<16xf32>,
    %get3A_1182 = vector.shape_cast %get3A_1181 : vector<16xf32> to vector<16xf32>
    %mul3A_1183 = arith.mulf %get3A_1182, %get3A_1172 : vector<16xf32>
    %add3A_1184 = arith.addf %mul3A_1179, %mul3A_1183 : vector<16xf32>
    %get3A_1185 = arith.constant 256 : index
    %get3A_1186 = tpu.vector_load %arg15[%get3A_1185] {strides = array<i32>} : memref<512xf32, #tpu.memory_space<vmem>>, vector<16xf32>,
    %get3A_1187 = vector.shape_cast %get3A_1186 : vector<16xf32> to vector<16xf32>
    %mul3A_1188 = arith.mulf %get3A_1187, %get3A_1175 : vector<16xf32>
    %add3A_1189 = arith.addf %add3A_1184, %mul3A_1188 : vector<16xf32>
    %mul3A_1190 = arith.mulf %get3A_1169, %get3A_1169 : vector<16xf32>
    %mul3A_1191 = arith.mulf %get3A_1172, %get3A_1172 : vector<16xf32>
    %add3A_1192 = arith.addf %mul3A_1190, %mul3A_1191 : vector<16xf32>
    %mul3A_1193 = arith.mulf %get3A_1175, %get3A_1175 : vector<16xf32>
    %add3A_1194 = arith.addf %add3A_1192, %mul3A_1193 : vector<16xf32>
    %bitcast_convert_type3A_1195 = tpu.bitcast %add3A_1194 : vector<16xf32> -> vector<16xi32>
    %shift_right_arithmetic3A_1196 = arith.constant 1 : i32
    %shift_right_arithmetic3A_1197 = vector.broadcast %shift_right_arithmetic3A_1196 : i32 to vector<16xi32>
    %shift_right_arithmetic3A_1198 = arith.shrsi %bitcast_convert_type3A_1195, %shift_right_arithmetic3A_1197 : vector<16xi32>
    %sub3A_1199 = arith.constant 1597463007 : i32
    %sub3A_1200 = vector.broadcast %sub3A_1199 : i32 to vector<16xi32>
    %sub3A_1201 = arith.subi %sub3A_1200, %shift_right_arithmetic3A_1198 : vector<16xi32>
    %bitcast_convert_type3A_1202 = tpu.bitcast %sub3A_1201 : vector<16xi32> -> vector<16xf32>
    %mul3A_1203 = arith.constant 5.000000e-01 : f32
    %mul3A_1204 = vector.broadcast %mul3A_1203 : f32 to vector<16xf32>
    %mul3A_1205 = arith.mulf %mul3A_1204, %add3A_1194 : vector<16xf32>
    %mul3A_1206 = arith.mulf %mul3A_1205, %bitcast_convert_type3A_1202 : vector<16xf32>
    %mul3A_1207 = arith.mulf %mul3A_1206, %bitcast_convert_type3A_1202 : vector<16xf32>
    %sub3A_1208 = arith.constant 1.500000e+00 : f32
    %sub3A_1209 = vector.broadcast %sub3A_1208 : f32 to vector<16xf32>
    %sub3A_1210 = arith.subf %sub3A_1209, %mul3A_1207 : vector<16xf32>
    %mul3A_1211 = arith.mulf %bitcast_convert_type3A_1202, %sub3A_1210 : vector<16xf32>
    %mul3A_1212 = arith.constant 5.000000e-01 : f32
    %mul3A_1213 = vector.broadcast %mul3A_1212 : f32 to vector<16xf32>
    %mul3A_1214 = arith.mulf %mul3A_1213, %add3A_1194 : vector<16xf32>
    %mul3A_1215 = arith.mulf %mul3A_1214, %mul3A_1211 : vector<16xf32>
    %mul3A_1216 = arith.mulf %mul3A_1215, %mul3A_1211 : vector<16xf32>
    %sub3A_1217 = arith.constant 1.500000e+00 : f32
    %sub3A_1218 = vector.broadcast %sub3A_1217 : f32 to vector<16xf32>
    %sub3A_1219 = arith.subf %sub3A_1218, %mul3A_1216 : vector<16xf32>
    %mul3A_1220 = arith.mulf %mul3A_1211, %sub3A_1219 : vector<16xf32>
    %mul3A_1221 = arith.constant 5.000000e-01 : f32
    %mul3A_1222 = vector.broadcast %mul3A_1221 : f32 to vector<16xf32>
    %mul3A_1223 = arith.mulf %mul3A_1222, %add3A_1194 : vector<16xf32>
    %mul3A_1224 = arith.mulf %mul3A_1223, %mul3A_1220 : vector<16xf32>
    %mul3A_1225 = arith.mulf %mul3A_1224, %mul3A_1220 : vector<16xf32>
    %sub3A_1226 = arith.constant 1.500000e+00 : f32
    %sub3A_1227 = vector.broadcast %sub3A_1226 : f32 to vector<16xf32>
    %sub3A_1228 = arith.subf %sub3A_1227, %mul3A_1225 : vector<16xf32>
    %mul3A_1229 = arith.mulf %mul3A_1220, %sub3A_1228 : vector<16xf32>
    %get3A_1230 = arith.constant 256 : index
    %get3A_1231 = tpu.vector_load %arg16[%get3A_1230] {strides = array<i32>} : memref<512xf32, #tpu.memory_space<vmem>>, vector<16xf32>,
    %get3A_1232 = vector.shape_cast %get3A_1231 : vector<16xf32> to vector<16xf32>
    %mul3A_1233 = arith.constant 1.000000e-01 : f32
    %mul3A_1234 = vector.broadcast %mul3A_1233 : f32 to vector<16xf32>
    %mul3A_1235 = arith.mulf %get3A_1232, %mul3A_1234 : vector<16xf32>
    %mul3A_1236 = arith.mulf %add3A_1189, %mul3A_1229 : vector<16xf32>
    %sub3A_1237 = arith.subf %mul3A_1235, %mul3A_1236 : vector<16xf32>
    %abs3A_1238 = math.absf %sub3A_1237 : vector<16xf32>
    %add3A_1239 = arith.addf %add3A_1166, %abs3A_1238 : vector<16xf32>
    %get3A_1240 = arith.constant 272 : index
    %get3A_1241 = tpu.vector_load %arg10[%get3A_1240] {strides = array<i32>} : memref<512xf32, #tpu.memory_space<vmem>>, vector<16xf32>,
    %get3A_1242 = vector.shape_cast %get3A_1241 : vector<16xf32> to vector<16xf32>
    %get3A_1243 = arith.constant 272 : index
    %get3A_1244 = tpu.vector_load %arg11[%get3A_1243] {strides = array<i32>} : memref<512xf32, #tpu.memory_space<vmem>>, vector<16xf32>,
    %get3A_1245 = vector.shape_cast %get3A_1244 : vector<16xf32> to vector<16xf32>
    %get3A_1246 = arith.constant 272 : index
    %get3A_1247 = tpu.vector_load %arg12[%get3A_1246] {strides = array<i32>} : memref<512xf32, #tpu.memory_space<vmem>>, vector<16xf32>,
    %get3A_1248 = vector.shape_cast %get3A_1247 : vector<16xf32> to vector<16xf32>
    %get3A_1249 = arith.constant 272 : index
    %get3A_1250 = tpu.vector_load %arg13[%get3A_1249] {strides = array<i32>} : memref<512xf32, #tpu.memory_space<vmem>>, vector<16xf32>,
    %get3A_1251 = vector.shape_cast %get3A_1250 : vector<16xf32> to vector<16xf32>
    %mul3A_1252 = arith.mulf %get3A_1251, %get3A_1242 : vector<16xf32>
    %get3A_1253 = arith.constant 272 : index
    %get3A_1254 = tpu.vector_load %arg14[%get3A_1253] {strides = array<i32>} : memref<512xf32, #tpu.memory_space<vmem>>, vector<16xf32>,
    %get3A_1255 = vector.shape_cast %get3A_1254 : vector<16xf32> to vector<16xf32>
    %mul3A_1256 = arith.mulf %get3A_1255, %get3A_1245 : vector<16xf32>
    %add3A_1257 = arith.addf %mul3A_1252, %mul3A_1256 : vector<16xf32>
    %get3A_1258 = arith.constant 272 : index
    %get3A_1259 = tpu.vector_load %arg15[%get3A_1258] {strides = array<i32>} : memref<512xf32, #tpu.memory_space<vmem>>, vector<16xf32>,
    %get3A_1260 = vector.shape_cast %get3A_1259 : vector<16xf32> to vector<16xf32>
    %mul3A_1261 = arith.mulf %get3A_1260, %get3A_1248 : vector<16xf32>
    %add3A_1262 = arith.addf %add3A_1257, %mul3A_1261 : vector<16xf32>
    %mul3A_1263 = arith.mulf %get3A_1242, %get3A_1242 : vector<16xf32>
    %mul3A_1264 = arith.mulf %get3A_1245, %get3A_1245 : vector<16xf32>
    %add3A_1265 = arith.addf %mul3A_1263, %mul3A_1264 : vector<16xf32>
    %mul3A_1266 = arith.mulf %get3A_1248, %get3A_1248 : vector<16xf32>
    %add3A_1267 = arith.addf %add3A_1265, %mul3A_1266 : vector<16xf32>
    %bitcast_convert_type3A_1268 = tpu.bitcast %add3A_1267 : vector<16xf32> -> vector<16xi32>
    %shift_right_arithmetic3A_1269 = arith.constant 1 : i32
    %shift_right_arithmetic3A_1270 = vector.broadcast %shift_right_arithmetic3A_1269 : i32 to vector<16xi32>
    %shift_right_arithmetic3A_1271 = arith.shrsi %bitcast_convert_type3A_1268, %shift_right_arithmetic3A_1270 : vector<16xi32>
    %sub3A_1272 = arith.constant 1597463007 : i32
    %sub3A_1273 = vector.broadcast %sub3A_1272 : i32 to vector<16xi32>
    %sub3A_1274 = arith.subi %sub3A_1273, %shift_right_arithmetic3A_1271 : vector<16xi32>
    %bitcast_convert_type3A_1275 = tpu.bitcast %sub3A_1274 : vector<16xi32> -> vector<16xf32>
    %mul3A_1276 = arith.constant 5.000000e-01 : f32
    %mul3A_1277 = vector.broadcast %mul3A_1276 : f32 to vector<16xf32>
    %mul3A_1278 = arith.mulf %mul3A_1277, %add3A_1267 : vector<16xf32>
    %mul3A_1279 = arith.mulf %mul3A_1278, %bitcast_convert_type3A_1275 : vector<16xf32>
    %mul3A_1280 = arith.mulf %mul3A_1279, %bitcast_convert_type3A_1275 : vector<16xf32>
    %sub3A_1281 = arith.constant 1.500000e+00 : f32
    %sub3A_1282 = vector.broadcast %sub3A_1281 : f32 to vector<16xf32>
    %sub3A_1283 = arith.subf %sub3A_1282, %mul3A_1280 : vector<16xf32>
    %mul3A_1284 = arith.mulf %bitcast_convert_type3A_1275, %sub3A_1283 : vector<16xf32>
    %mul3A_1285 = arith.constant 5.000000e-01 : f32
    %mul3A_1286 = vector.broadcast %mul3A_1285 : f32 to vector<16xf32>
    %mul3A_1287 = arith.mulf %mul3A_1286, %add3A_1267 : vector<16xf32>
    %mul3A_1288 = arith.mulf %mul3A_1287, %mul3A_1284 : vector<16xf32>
    %mul3A_1289 = arith.mulf %mul3A_1288, %mul3A_1284 : vector<16xf32>
    %sub3A_1290 = arith.constant 1.500000e+00 : f32
    %sub3A_1291 = vector.broadcast %sub3A_1290 : f32 to vector<16xf32>
    %sub3A_1292 = arith.subf %sub3A_1291, %mul3A_1289 : vector<16xf32>
    %mul3A_1293 = arith.mulf %mul3A_1284, %sub3A_1292 : vector<16xf32>
    %mul3A_1294 = arith.constant 5.000000e-01 : f32
    %mul3A_1295 = vector.broadcast %mul3A_1294 : f32 to vector<16xf32>
    %mul3A_1296 = arith.mulf %mul3A_1295, %add3A_1267 : vector<16xf32>
    %mul3A_1297 = arith.mulf %mul3A_1296, %mul3A_1293 : vector<16xf32>
    %mul3A_1298 = arith.mulf %mul3A_1297, %mul3A_1293 : vector<16xf32>
    %sub3A_1299 = arith.constant 1.500000e+00 : f32
    %sub3A_1300 = vector.broadcast %sub3A_1299 : f32 to vector<16xf32>
    %sub3A_1301 = arith.subf %sub3A_1300, %mul3A_1298 : vector<16xf32>
    %mul3A_1302 = arith.mulf %mul3A_1293, %sub3A_1301 : vector<16xf32>
    %get3A_1303 = arith.constant 272 : index
    %get3A_1304 = tpu.vector_load %arg16[%get3A_1303] {strides = array<i32>} : memref<512xf32, #tpu.memory_space<vmem>>, vector<16xf32>,
    %get3A_1305 = vector.shape_cast %get3A_1304 : vector<16xf32> to vector<16xf32>
    %mul3A_1306 = arith.constant 1.000000e-01 : f32
    %mul3A_1307 = vector.broadcast %mul3A_1306 : f32 to vector<16xf32>
    %mul3A_1308 = arith.mulf %get3A_1305, %mul3A_1307 : vector<16xf32>
    %mul3A_1309 = arith.mulf %add3A_1262, %mul3A_1302 : vector<16xf32>
    %sub3A_1310 = arith.subf %mul3A_1308, %mul3A_1309 : vector<16xf32>
    %abs3A_1311 = math.absf %sub3A_1310 : vector<16xf32>
    %add3A_1312 = arith.addf %add3A_1239, %abs3A_1311 : vector<16xf32>
    %get3A_1313 = arith.constant 288 : index
    %get3A_1314 = tpu.vector_load %arg10[%get3A_1313] {strides = array<i32>} : memref<512xf32, #tpu.memory_space<vmem>>, vector<16xf32>,
    %get3A_1315 = vector.shape_cast %get3A_1314 : vector<16xf32> to vector<16xf32>
    %get3A_1316 = arith.constant 288 : index
    %get3A_1317 = tpu.vector_load %arg11[%get3A_1316] {strides = array<i32>} : memref<512xf32, #tpu.memory_space<vmem>>, vector<16xf32>,
    %get3A_1318 = vector.shape_cast %get3A_1317 : vector<16xf32> to vector<16xf32>
    %get3A_1319 = arith.constant 288 : index
    %get3A_1320 = tpu.vector_load %arg12[%get3A_1319] {strides = array<i32>} : memref<512xf32, #tpu.memory_space<vmem>>, vector<16xf32>,
    %get3A_1321 = vector.shape_cast %get3A_1320 : vector<16xf32> to vector<16xf32>
    %get3A_1322 = arith.constant 288 : index
    %get3A_1323 = tpu.vector_load %arg13[%get3A_1322] {strides = array<i32>} : memref<512xf32, #tpu.memory_space<vmem>>, vector<16xf32>,
    %get3A_1324 = vector.shape_cast %get3A_1323 : vector<16xf32> to vector<16xf32>
    %mul3A_1325 = arith.mulf %get3A_1324, %get3A_1315 : vector<16xf32>
    %get3A_1326 = arith.constant 288 : index
    %get3A_1327 = tpu.vector_load %arg14[%get3A_1326] {strides = array<i32>} : memref<512xf32, #tpu.memory_space<vmem>>, vector<16xf32>,
    %get3A_1328 = vector.shape_cast %get3A_1327 : vector<16xf32> to vector<16xf32>
    %mul3A_1329 = arith.mulf %get3A_1328, %get3A_1318 : vector<16xf32>
    %add3A_1330 = arith.addf %mul3A_1325, %mul3A_1329 : vector<16xf32>
    %get3A_1331 = arith.constant 288 : index
    %get3A_1332 = tpu.vector_load %arg15[%get3A_1331] {strides = array<i32>} : memref<512xf32, #tpu.memory_space<vmem>>, vector<16xf32>,
    %get3A_1333 = vector.shape_cast %get3A_1332 : vector<16xf32> to vector<16xf32>
    %mul3A_1334 = arith.mulf %get3A_1333, %get3A_1321 : vector<16xf32>
    %add3A_1335 = arith.addf %add3A_1330, %mul3A_1334 : vector<16xf32>
    %mul3A_1336 = arith.mulf %get3A_1315, %get3A_1315 : vector<16xf32>
    %mul3A_1337 = arith.mulf %get3A_1318, %get3A_1318 : vector<16xf32>
    %add3A_1338 = arith.addf %mul3A_1336, %mul3A_1337 : vector<16xf32>
    %mul3A_1339 = arith.mulf %get3A_1321, %get3A_1321 : vector<16xf32>
    %add3A_1340 = arith.addf %add3A_1338, %mul3A_1339 : vector<16xf32>
    %bitcast_convert_type3A_1341 = tpu.bitcast %add3A_1340 : vector<16xf32> -> vector<16xi32>
    %shift_right_arithmetic3A_1342 = arith.constant 1 : i32
    %shift_right_arithmetic3A_1343 = vector.broadcast %shift_right_arithmetic3A_1342 : i32 to vector<16xi32>
    %shift_right_arithmetic3A_1344 = arith.shrsi %bitcast_convert_type3A_1341, %shift_right_arithmetic3A_1343 : vector<16xi32>
    %sub3A_1345 = arith.constant 1597463007 : i32
    %sub3A_1346 = vector.broadcast %sub3A_1345 : i32 to vector<16xi32>
    %sub3A_1347 = arith.subi %sub3A_1346, %shift_right_arithmetic3A_1344 : vector<16xi32>
    %bitcast_convert_type3A_1348 = tpu.bitcast %sub3A_1347 : vector<16xi32> -> vector<16xf32>
    %mul3A_1349 = arith.constant 5.000000e-01 : f32
    %mul3A_1350 = vector.broadcast %mul3A_1349 : f32 to vector<16xf32>
    %mul3A_1351 = arith.mulf %mul3A_1350, %add3A_1340 : vector<16xf32>
    %mul3A_1352 = arith.mulf %mul3A_1351, %bitcast_convert_type3A_1348 : vector<16xf32>
    %mul3A_1353 = arith.mulf %mul3A_1352, %bitcast_convert_type3A_1348 : vector<16xf32>
    %sub3A_1354 = arith.constant 1.500000e+00 : f32
    %sub3A_1355 = vector.broadcast %sub3A_1354 : f32 to vector<16xf32>
    %sub3A_1356 = arith.subf %sub3A_1355, %mul3A_1353 : vector<16xf32>
    %mul3A_1357 = arith.mulf %bitcast_convert_type3A_1348, %sub3A_1356 : vector<16xf32>
    %mul3A_1358 = arith.constant 5.000000e-01 : f32
    %mul3A_1359 = vector.broadcast %mul3A_1358 : f32 to vector<16xf32>
    %mul3A_1360 = arith.mulf %mul3A_1359, %add3A_1340 : vector<16xf32>
    %mul3A_1361 = arith.mulf %mul3A_1360, %mul3A_1357 : vector<16xf32>
    %mul3A_1362 = arith.mulf %mul3A_1361, %mul3A_1357 : vector<16xf32>
    %sub3A_1363 = arith.constant 1.500000e+00 : f32
    %sub3A_1364 = vector.broadcast %sub3A_1363 : f32 to vector<16xf32>
    %sub3A_1365 = arith.subf %sub3A_1364, %mul3A_1362 : vector<16xf32>
    %mul3A_1366 = arith.mulf %mul3A_1357, %sub3A_1365 : vector<16xf32>
    %mul3A_1367 = arith.constant 5.000000e-01 : f32
    %mul3A_1368 = vector.broadcast %mul3A_1367 : f32 to vector<16xf32>
    %mul3A_1369 = arith.mulf %mul3A_1368, %add3A_1340 : vector<16xf32>
    %mul3A_1370 = arith.mulf %mul3A_1369, %mul3A_1366 : vector<16xf32>
    %mul3A_1371 = arith.mulf %mul3A_1370, %mul3A_1366 : vector<16xf32>
    %sub3A_1372 = arith.constant 1.500000e+00 : f32
    %sub3A_1373 = vector.broadcast %sub3A_1372 : f32 to vector<16xf32>
    %sub3A_1374 = arith.subf %sub3A_1373, %mul3A_1371 : vector<16xf32>
    %mul3A_1375 = arith.mulf %mul3A_1366, %sub3A_1374 : vector<16xf32>
    %get3A_1376 = arith.constant 288 : index
    %get3A_1377 = tpu.vector_load %arg16[%get3A_1376] {strides = array<i32>} : memref<512xf32, #tpu.memory_space<vmem>>, vector<16xf32>,
    %get3A_1378 = vector.shape_cast %get3A_1377 : vector<16xf32> to vector<16xf32>
    %mul3A_1379 = arith.constant 1.000000e-01 : f32
    %mul3A_1380 = vector.broadcast %mul3A_1379 : f32 to vector<16xf32>
    %mul3A_1381 = arith.mulf %get3A_1378, %mul3A_1380 : vector<16xf32>
    %mul3A_1382 = arith.mulf %add3A_1335, %mul3A_1375 : vector<16xf32>
    %sub3A_1383 = arith.subf %mul3A_1381, %mul3A_1382 : vector<16xf32>
    %abs3A_1384 = math.absf %sub3A_1383 : vector<16xf32>
    %add3A_1385 = arith.addf %add3A_1312, %abs3A_1384 : vector<16xf32>
    %get3A_1386 = arith.constant 304 : index
    %get3A_1387 = tpu.vector_load %arg10[%get3A_1386] {strides = array<i32>} : memref<512xf32, #tpu.memory_space<vmem>>, vector<16xf32>,
    %get3A_1388 = vector.shape_cast %get3A_1387 : vector<16xf32> to vector<16xf32>
    %get3A_1389 = arith.constant 304 : index
    %get3A_1390 = tpu.vector_load %arg11[%get3A_1389] {strides = array<i32>} : memref<512xf32, #tpu.memory_space<vmem>>, vector<16xf32>,
    %get3A_1391 = vector.shape_cast %get3A_1390 : vector<16xf32> to vector<16xf32>
    %get3A_1392 = arith.constant 304 : index
    %get3A_1393 = tpu.vector_load %arg12[%get3A_1392] {strides = array<i32>} : memref<512xf32, #tpu.memory_space<vmem>>, vector<16xf32>,
    %get3A_1394 = vector.shape_cast %get3A_1393 : vector<16xf32> to vector<16xf32>
    %get3A_1395 = arith.constant 304 : index
    %get3A_1396 = tpu.vector_load %arg13[%get3A_1395] {strides = array<i32>} : memref<512xf32, #tpu.memory_space<vmem>>, vector<16xf32>,
    %get3A_1397 = vector.shape_cast %get3A_1396 : vector<16xf32> to vector<16xf32>
    %mul3A_1398 = arith.mulf %get3A_1397, %get3A_1388 : vector<16xf32>
    %get3A_1399 = arith.constant 304 : index
    %get3A_1400 = tpu.vector_load %arg14[%get3A_1399] {strides = array<i32>} : memref<512xf32, #tpu.memory_space<vmem>>, vector<16xf32>,
    %get3A_1401 = vector.shape_cast %get3A_1400 : vector<16xf32> to vector<16xf32>
    %mul3A_1402 = arith.mulf %get3A_1401, %get3A_1391 : vector<16xf32>
    %add3A_1403 = arith.addf %mul3A_1398, %mul3A_1402 : vector<16xf32>
    %get3A_1404 = arith.constant 304 : index
    %get3A_1405 = tpu.vector_load %arg15[%get3A_1404] {strides = array<i32>} : memref<512xf32, #tpu.memory_space<vmem>>, vector<16xf32>,
    %get3A_1406 = vector.shape_cast %get3A_1405 : vector<16xf32> to vector<16xf32>
    %mul3A_1407 = arith.mulf %get3A_1406, %get3A_1394 : vector<16xf32>
    %add3A_1408 = arith.addf %add3A_1403, %mul3A_1407 : vector<16xf32>
    %mul3A_1409 = arith.mulf %get3A_1388, %get3A_1388 : vector<16xf32>
    %mul3A_1410 = arith.mulf %get3A_1391, %get3A_1391 : vector<16xf32>
    %add3A_1411 = arith.addf %mul3A_1409, %mul3A_1410 : vector<16xf32>
    %mul3A_1412 = arith.mulf %get3A_1394, %get3A_1394 : vector<16xf32>
    %add3A_1413 = arith.addf %add3A_1411, %mul3A_1412 : vector<16xf32>
    %bitcast_convert_type3A_1414 = tpu.bitcast %add3A_1413 : vector<16xf32> -> vector<16xi32>
    %shift_right_arithmetic3A_1415 = arith.constant 1 : i32
    %shift_right_arithmetic3A_1416 = vector.broadcast %shift_right_arithmetic3A_1415 : i32 to vector<16xi32>
    %shift_right_arithmetic3A_1417 = arith.shrsi %bitcast_convert_type3A_1414, %shift_right_arithmetic3A_1416 : vector<16xi32>
    %sub3A_1418 = arith.constant 1597463007 : i32
    %sub3A_1419 = vector.broadcast %sub3A_1418 : i32 to vector<16xi32>
    %sub3A_1420 = arith.subi %sub3A_1419, %shift_right_arithmetic3A_1417 : vector<16xi32>
    %bitcast_convert_type3A_1421 = tpu.bitcast %sub3A_1420 : vector<16xi32> -> vector<16xf32>
    %mul3A_1422 = arith.constant 5.000000e-01 : f32
    %mul3A_1423 = vector.broadcast %mul3A_1422 : f32 to vector<16xf32>
    %mul3A_1424 = arith.mulf %mul3A_1423, %add3A_1413 : vector<16xf32>
    %mul3A_1425 = arith.mulf %mul3A_1424, %bitcast_convert_type3A_1421 : vector<16xf32>
    %mul3A_1426 = arith.mulf %mul3A_1425, %bitcast_convert_type3A_1421 : vector<16xf32>
    %sub3A_1427 = arith.constant 1.500000e+00 : f32
    %sub3A_1428 = vector.broadcast %sub3A_1427 : f32 to vector<16xf32>
    %sub3A_1429 = arith.subf %sub3A_1428, %mul3A_1426 : vector<16xf32>
    %mul3A_1430 = arith.mulf %bitcast_convert_type3A_1421, %sub3A_1429 : vector<16xf32>
    %mul3A_1431 = arith.constant 5.000000e-01 : f32
    %mul3A_1432 = vector.broadcast %mul3A_1431 : f32 to vector<16xf32>
    %mul3A_1433 = arith.mulf %mul3A_1432, %add3A_1413 : vector<16xf32>
    %mul3A_1434 = arith.mulf %mul3A_1433, %mul3A_1430 : vector<16xf32>
    %mul3A_1435 = arith.mulf %mul3A_1434, %mul3A_1430 : vector<16xf32>
    %sub3A_1436 = arith.constant 1.500000e+00 : f32
    %sub3A_1437 = vector.broadcast %sub3A_1436 : f32 to vector<16xf32>
    %sub3A_1438 = arith.subf %sub3A_1437, %mul3A_1435 : vector<16xf32>
    %mul3A_1439 = arith.mulf %mul3A_1430, %sub3A_1438 : vector<16xf32>
    %mul3A_1440 = arith.constant 5.000000e-01 : f32
    %mul3A_1441 = vector.broadcast %mul3A_1440 : f32 to vector<16xf32>
    %mul3A_1442 = arith.mulf %mul3A_1441, %add3A_1413 : vector<16xf32>
    %mul3A_1443 = arith.mulf %mul3A_1442, %mul3A_1439 : vector<16xf32>
    %mul3A_1444 = arith.mulf %mul3A_1443, %mul3A_1439 : vector<16xf32>
    %sub3A_1445 = arith.constant 1.500000e+00 : f32
    %sub3A_1446 = vector.broadcast %sub3A_1445 : f32 to vector<16xf32>
    %sub3A_1447 = arith.subf %sub3A_1446, %mul3A_1444 : vector<16xf32>
    %mul3A_1448 = arith.mulf %mul3A_1439, %sub3A_1447 : vector<16xf32>
    %get3A_1449 = arith.constant 304 : index
    %get3A_1450 = tpu.vector_load %arg16[%get3A_1449] {strides = array<i32>} : memref<512xf32, #tpu.memory_space<vmem>>, vector<16xf32>,
    %get3A_1451 = vector.shape_cast %get3A_1450 : vector<16xf32> to vector<16xf32>
    %mul3A_1452 = arith.constant 1.000000e-01 : f32
    %mul3A_1453 = vector.broadcast %mul3A_1452 : f32 to vector<16xf32>
    %mul3A_1454 = arith.mulf %get3A_1451, %mul3A_1453 : vector<16xf32>
    %mul3A_1455 = arith.mulf %add3A_1408, %mul3A_1448 : vector<16xf32>
    %sub3A_1456 = arith.subf %mul3A_1454, %mul3A_1455 : vector<16xf32>
    %abs3A_1457 = math.absf %sub3A_1456 : vector<16xf32>
    %add3A_1458 = arith.addf %add3A_1385, %abs3A_1457 : vector<16xf32>
    %get3A_1459 = arith.constant 320 : index
    %get3A_1460 = tpu.vector_load %arg10[%get3A_1459] {strides = array<i32>} : memref<512xf32, #tpu.memory_space<vmem>>, vector<16xf32>,
    %get3A_1461 = vector.shape_cast %get3A_1460 : vector<16xf32> to vector<16xf32>
    %get3A_1462 = arith.constant 320 : index
    %get3A_1463 = tpu.vector_load %arg11[%get3A_1462] {strides = array<i32>} : memref<512xf32, #tpu.memory_space<vmem>>, vector<16xf32>,
    %get3A_1464 = vector.shape_cast %get3A_1463 : vector<16xf32> to vector<16xf32>
    %get3A_1465 = arith.constant 320 : index
    %get3A_1466 = tpu.vector_load %arg12[%get3A_1465] {strides = array<i32>} : memref<512xf32, #tpu.memory_space<vmem>>, vector<16xf32>,
    %get3A_1467 = vector.shape_cast %get3A_1466 : vector<16xf32> to vector<16xf32>
    %get3A_1468 = arith.constant 320 : index
    %get3A_1469 = tpu.vector_load %arg13[%get3A_1468] {strides = array<i32>} : memref<512xf32, #tpu.memory_space<vmem>>, vector<16xf32>,
    %get3A_1470 = vector.shape_cast %get3A_1469 : vector<16xf32> to vector<16xf32>
    %mul3A_1471 = arith.mulf %get3A_1470, %get3A_1461 : vector<16xf32>
    %get3A_1472 = arith.constant 320 : index
    %get3A_1473 = tpu.vector_load %arg14[%get3A_1472] {strides = array<i32>} : memref<512xf32, #tpu.memory_space<vmem>>, vector<16xf32>,
    %get3A_1474 = vector.shape_cast %get3A_1473 : vector<16xf32> to vector<16xf32>
    %mul3A_1475 = arith.mulf %get3A_1474, %get3A_1464 : vector<16xf32>
    %add3A_1476 = arith.addf %mul3A_1471, %mul3A_1475 : vector<16xf32>
    %get3A_1477 = arith.constant 320 : index
    %get3A_1478 = tpu.vector_load %arg15[%get3A_1477] {strides = array<i32>} : memref<512xf32, #tpu.memory_space<vmem>>, vector<16xf32>,
    %get3A_1479 = vector.shape_cast %get3A_1478 : vector<16xf32> to vector<16xf32>
    %mul3A_1480 = arith.mulf %get3A_1479, %get3A_1467 : vector<16xf32>
    %add3A_1481 = arith.addf %add3A_1476, %mul3A_1480 : vector<16xf32>
    %mul3A_1482 = arith.mulf %get3A_1461, %get3A_1461 : vector<16xf32>
    %mul3A_1483 = arith.mulf %get3A_1464, %get3A_1464 : vector<16xf32>
    %add3A_1484 = arith.addf %mul3A_1482, %mul3A_1483 : vector<16xf32>
    %mul3A_1485 = arith.mulf %get3A_1467, %get3A_1467 : vector<16xf32>
    %add3A_1486 = arith.addf %add3A_1484, %mul3A_1485 : vector<16xf32>
    %bitcast_convert_type3A_1487 = tpu.bitcast %add3A_1486 : vector<16xf32> -> vector<16xi32>
    %shift_right_arithmetic3A_1488 = arith.constant 1 : i32
    %shift_right_arithmetic3A_1489 = vector.broadcast %shift_right_arithmetic3A_1488 : i32 to vector<16xi32>
    %shift_right_arithmetic3A_1490 = arith.shrsi %bitcast_convert_type3A_1487, %shift_right_arithmetic3A_1489 : vector<16xi32>
    %sub3A_1491 = arith.constant 1597463007 : i32
    %sub3A_1492 = vector.broadcast %sub3A_1491 : i32 to vector<16xi32>
    %sub3A_1493 = arith.subi %sub3A_1492, %shift_right_arithmetic3A_1490 : vector<16xi32>
    %bitcast_convert_type3A_1494 = tpu.bitcast %sub3A_1493 : vector<16xi32> -> vector<16xf32>
    %mul3A_1495 = arith.constant 5.000000e-01 : f32
    %mul3A_1496 = vector.broadcast %mul3A_1495 : f32 to vector<16xf32>
    %mul3A_1497 = arith.mulf %mul3A_1496, %add3A_1486 : vector<16xf32>
    %mul3A_1498 = arith.mulf %mul3A_1497, %bitcast_convert_type3A_1494 : vector<16xf32>
    %mul3A_1499 = arith.mulf %mul3A_1498, %bitcast_convert_type3A_1494 : vector<16xf32>
    %sub3A_1500 = arith.constant 1.500000e+00 : f32
    %sub3A_1501 = vector.broadcast %sub3A_1500 : f32 to vector<16xf32>
    %sub3A_1502 = arith.subf %sub3A_1501, %mul3A_1499 : vector<16xf32>
    %mul3A_1503 = arith.mulf %bitcast_convert_type3A_1494, %sub3A_1502 : vector<16xf32>
    %mul3A_1504 = arith.constant 5.000000e-01 : f32
    %mul3A_1505 = vector.broadcast %mul3A_1504 : f32 to vector<16xf32>
    %mul3A_1506 = arith.mulf %mul3A_1505, %add3A_1486 : vector<16xf32>
    %mul3A_1507 = arith.mulf %mul3A_1506, %mul3A_1503 : vector<16xf32>
    %mul3A_1508 = arith.mulf %mul3A_1507, %mul3A_1503 : vector<16xf32>
    %sub3A_1509 = arith.constant 1.500000e+00 : f32
    %sub3A_1510 = vector.broadcast %sub3A_1509 : f32 to vector<16xf32>
    %sub3A_1511 = arith.subf %sub3A_1510, %mul3A_1508 : vector<16xf32>
    %mul3A_1512 = arith.mulf %mul3A_1503, %sub3A_1511 : vector<16xf32>
    %mul3A_1513 = arith.constant 5.000000e-01 : f32
    %mul3A_1514 = vector.broadcast %mul3A_1513 : f32 to vector<16xf32>
    %mul3A_1515 = arith.mulf %mul3A_1514, %add3A_1486 : vector<16xf32>
    %mul3A_1516 = arith.mulf %mul3A_1515, %mul3A_1512 : vector<16xf32>
    %mul3A_1517 = arith.mulf %mul3A_1516, %mul3A_1512 : vector<16xf32>
    %sub3A_1518 = arith.constant 1.500000e+00 : f32
    %sub3A_1519 = vector.broadcast %sub3A_1518 : f32 to vector<16xf32>
    %sub3A_1520 = arith.subf %sub3A_1519, %mul3A_1517 : vector<16xf32>
    %mul3A_1521 = arith.mulf %mul3A_1512, %sub3A_1520 : vector<16xf32>
    %get3A_1522 = arith.constant 320 : index
    %get3A_1523 = tpu.vector_load %arg16[%get3A_1522] {strides = array<i32>} : memref<512xf32, #tpu.memory_space<vmem>>, vector<16xf32>,
    %get3A_1524 = vector.shape_cast %get3A_1523 : vector<16xf32> to vector<16xf32>
    %mul3A_1525 = arith.constant 1.000000e-01 : f32
    %mul3A_1526 = vector.broadcast %mul3A_1525 : f32 to vector<16xf32>
    %mul3A_1527 = arith.mulf %get3A_1524, %mul3A_1526 : vector<16xf32>
    %mul3A_1528 = arith.mulf %add3A_1481, %mul3A_1521 : vector<16xf32>
    %sub3A_1529 = arith.subf %mul3A_1527, %mul3A_1528 : vector<16xf32>
    %abs3A_1530 = math.absf %sub3A_1529 : vector<16xf32>
    %add3A_1531 = arith.addf %add3A_1458, %abs3A_1530 : vector<16xf32>
    %get3A_1532 = arith.constant 336 : index
    %get3A_1533 = tpu.vector_load %arg10[%get3A_1532] {strides = array<i32>} : memref<512xf32, #tpu.memory_space<vmem>>, vector<16xf32>,
    %get3A_1534 = vector.shape_cast %get3A_1533 : vector<16xf32> to vector<16xf32>
    %get3A_1535 = arith.constant 336 : index
    %get3A_1536 = tpu.vector_load %arg11[%get3A_1535] {strides = array<i32>} : memref<512xf32, #tpu.memory_space<vmem>>, vector<16xf32>,
    %get3A_1537 = vector.shape_cast %get3A_1536 : vector<16xf32> to vector<16xf32>
    %get3A_1538 = arith.constant 336 : index
    %get3A_1539 = tpu.vector_load %arg12[%get3A_1538] {strides = array<i32>} : memref<512xf32, #tpu.memory_space<vmem>>, vector<16xf32>,
    %get3A_1540 = vector.shape_cast %get3A_1539 : vector<16xf32> to vector<16xf32>
    %get3A_1541 = arith.constant 336 : index
    %get3A_1542 = tpu.vector_load %arg13[%get3A_1541] {strides = array<i32>} : memref<512xf32, #tpu.memory_space<vmem>>, vector<16xf32>,
    %get3A_1543 = vector.shape_cast %get3A_1542 : vector<16xf32> to vector<16xf32>
    %mul3A_1544 = arith.mulf %get3A_1543, %get3A_1534 : vector<16xf32>
    %get3A_1545 = arith.constant 336 : index
    %get3A_1546 = tpu.vector_load %arg14[%get3A_1545] {strides = array<i32>} : memref<512xf32, #tpu.memory_space<vmem>>, vector<16xf32>,
    %get3A_1547 = vector.shape_cast %get3A_1546 : vector<16xf32> to vector<16xf32>
    %mul3A_1548 = arith.mulf %get3A_1547, %get3A_1537 : vector<16xf32>
    %add3A_1549 = arith.addf %mul3A_1544, %mul3A_1548 : vector<16xf32>
    %get3A_1550 = arith.constant 336 : index
    %get3A_1551 = tpu.vector_load %arg15[%get3A_1550] {strides = array<i32>} : memref<512xf32, #tpu.memory_space<vmem>>, vector<16xf32>,
    %get3A_1552 = vector.shape_cast %get3A_1551 : vector<16xf32> to vector<16xf32>
    %mul3A_1553 = arith.mulf %get3A_1552, %get3A_1540 : vector<16xf32>
    %add3A_1554 = arith.addf %add3A_1549, %mul3A_1553 : vector<16xf32>
    %mul3A_1555 = arith.mulf %get3A_1534, %get3A_1534 : vector<16xf32>
    %mul3A_1556 = arith.mulf %get3A_1537, %get3A_1537 : vector<16xf32>
    %add3A_1557 = arith.addf %mul3A_1555, %mul3A_1556 : vector<16xf32>
    %mul3A_1558 = arith.mulf %get3A_1540, %get3A_1540 : vector<16xf32>
    %add3A_1559 = arith.addf %add3A_1557, %mul3A_1558 : vector<16xf32>
    %bitcast_convert_type3A_1560 = tpu.bitcast %add3A_1559 : vector<16xf32> -> vector<16xi32>
    %shift_right_arithmetic3A_1561 = arith.constant 1 : i32
    %shift_right_arithmetic3A_1562 = vector.broadcast %shift_right_arithmetic3A_1561 : i32 to vector<16xi32>
    %shift_right_arithmetic3A_1563 = arith.shrsi %bitcast_convert_type3A_1560, %shift_right_arithmetic3A_1562 : vector<16xi32>
    %sub3A_1564 = arith.constant 1597463007 : i32
    %sub3A_1565 = vector.broadcast %sub3A_1564 : i32 to vector<16xi32>
    %sub3A_1566 = arith.subi %sub3A_1565, %shift_right_arithmetic3A_1563 : vector<16xi32>
    %bitcast_convert_type3A_1567 = tpu.bitcast %sub3A_1566 : vector<16xi32> -> vector<16xf32>
    %mul3A_1568 = arith.constant 5.000000e-01 : f32
    %mul3A_1569 = vector.broadcast %mul3A_1568 : f32 to vector<16xf32>
    %mul3A_1570 = arith.mulf %mul3A_1569, %add3A_1559 : vector<16xf32>
    %mul3A_1571 = arith.mulf %mul3A_1570, %bitcast_convert_type3A_1567 : vector<16xf32>
    %mul3A_1572 = arith.mulf %mul3A_1571, %bitcast_convert_type3A_1567 : vector<16xf32>
    %sub3A_1573 = arith.constant 1.500000e+00 : f32
    %sub3A_1574 = vector.broadcast %sub3A_1573 : f32 to vector<16xf32>
    %sub3A_1575 = arith.subf %sub3A_1574, %mul3A_1572 : vector<16xf32>
    %mul3A_1576 = arith.mulf %bitcast_convert_type3A_1567, %sub3A_1575 : vector<16xf32>
    %mul3A_1577 = arith.constant 5.000000e-01 : f32
    %mul3A_1578 = vector.broadcast %mul3A_1577 : f32 to vector<16xf32>
    %mul3A_1579 = arith.mulf %mul3A_1578, %add3A_1559 : vector<16xf32>
    %mul3A_1580 = arith.mulf %mul3A_1579, %mul3A_1576 : vector<16xf32>
    %mul3A_1581 = arith.mulf %mul3A_1580, %mul3A_1576 : vector<16xf32>
    %sub3A_1582 = arith.constant 1.500000e+00 : f32
    %sub3A_1583 = vector.broadcast %sub3A_1582 : f32 to vector<16xf32>
    %sub3A_1584 = arith.subf %sub3A_1583, %mul3A_1581 : vector<16xf32>
    %mul3A_1585 = arith.mulf %mul3A_1576, %sub3A_1584 : vector<16xf32>
    %mul3A_1586 = arith.constant 5.000000e-01 : f32
    %mul3A_1587 = vector.broadcast %mul3A_1586 : f32 to vector<16xf32>
    %mul3A_1588 = arith.mulf %mul3A_1587, %add3A_1559 : vector<16xf32>
    %mul3A_1589 = arith.mulf %mul3A_1588, %mul3A_1585 : vector<16xf32>
    %mul3A_1590 = arith.mulf %mul3A_1589, %mul3A_1585 : vector<16xf32>
    %sub3A_1591 = arith.constant 1.500000e+00 : f32
    %sub3A_1592 = vector.broadcast %sub3A_1591 : f32 to vector<16xf32>
    %sub3A_1593 = arith.subf %sub3A_1592, %mul3A_1590 : vector<16xf32>
    %mul3A_1594 = arith.mulf %mul3A_1585, %sub3A_1593 : vector<16xf32>
    %get3A_1595 = arith.constant 336 : index
    %get3A_1596 = tpu.vector_load %arg16[%get3A_1595] {strides = array<i32>} : memref<512xf32, #tpu.memory_space<vmem>>, vector<16xf32>,
    %get3A_1597 = vector.shape_cast %get3A_1596 : vector<16xf32> to vector<16xf32>
    %mul3A_1598 = arith.constant 1.000000e-01 : f32
    %mul3A_1599 = vector.broadcast %mul3A_1598 : f32 to vector<16xf32>
    %mul3A_1600 = arith.mulf %get3A_1597, %mul3A_1599 : vector<16xf32>
    %mul3A_1601 = arith.mulf %add3A_1554, %mul3A_1594 : vector<16xf32>
    %sub3A_1602 = arith.subf %mul3A_1600, %mul3A_1601 : vector<16xf32>
    %abs3A_1603 = math.absf %sub3A_1602 : vector<16xf32>
    %add3A_1604 = arith.addf %add3A_1531, %abs3A_1603 : vector<16xf32>
    %get3A_1605 = arith.constant 352 : index
    %get3A_1606 = tpu.vector_load %arg10[%get3A_1605] {strides = array<i32>} : memref<512xf32, #tpu.memory_space<vmem>>, vector<16xf32>,
    %get3A_1607 = vector.shape_cast %get3A_1606 : vector<16xf32> to vector<16xf32>
    %get3A_1608 = arith.constant 352 : index
    %get3A_1609 = tpu.vector_load %arg11[%get3A_1608] {strides = array<i32>} : memref<512xf32, #tpu.memory_space<vmem>>, vector<16xf32>,
    %get3A_1610 = vector.shape_cast %get3A_1609 : vector<16xf32> to vector<16xf32>
    %get3A_1611 = arith.constant 352 : index
    %get3A_1612 = tpu.vector_load %arg12[%get3A_1611] {strides = array<i32>} : memref<512xf32, #tpu.memory_space<vmem>>, vector<16xf32>,
    %get3A_1613 = vector.shape_cast %get3A_1612 : vector<16xf32> to vector<16xf32>
    %get3A_1614 = arith.constant 352 : index
    %get3A_1615 = tpu.vector_load %arg13[%get3A_1614] {strides = array<i32>} : memref<512xf32, #tpu.memory_space<vmem>>, vector<16xf32>,
    %get3A_1616 = vector.shape_cast %get3A_1615 : vector<16xf32> to vector<16xf32>
    %mul3A_1617 = arith.mulf %get3A_1616, %get3A_1607 : vector<16xf32>
    %get3A_1618 = arith.constant 352 : index
    %get3A_1619 = tpu.vector_load %arg14[%get3A_1618] {strides = array<i32>} : memref<512xf32, #tpu.memory_space<vmem>>, vector<16xf32>,
    %get3A_1620 = vector.shape_cast %get3A_1619 : vector<16xf32> to vector<16xf32>
    %mul3A_1621 = arith.mulf %get3A_1620, %get3A_1610 : vector<16xf32>
    %add3A_1622 = arith.addf %mul3A_1617, %mul3A_1621 : vector<16xf32>
    %get3A_1623 = arith.constant 352 : index
    %get3A_1624 = tpu.vector_load %arg15[%get3A_1623] {strides = array<i32>} : memref<512xf32, #tpu.memory_space<vmem>>, vector<16xf32>,
    %get3A_1625 = vector.shape_cast %get3A_1624 : vector<16xf32> to vector<16xf32>
    %mul3A_1626 = arith.mulf %get3A_1625, %get3A_1613 : vector<16xf32>
    %add3A_1627 = arith.addf %add3A_1622, %mul3A_1626 : vector<16xf32>
    %mul3A_1628 = arith.mulf %get3A_1607, %get3A_1607 : vector<16xf32>
    %mul3A_1629 = arith.mulf %get3A_1610, %get3A_1610 : vector<16xf32>
    %add3A_1630 = arith.addf %mul3A_1628, %mul3A_1629 : vector<16xf32>
    %mul3A_1631 = arith.mulf %get3A_1613, %get3A_1613 : vector<16xf32>
    %add3A_1632 = arith.addf %add3A_1630, %mul3A_1631 : vector<16xf32>
    %bitcast_convert_type3A_1633 = tpu.bitcast %add3A_1632 : vector<16xf32> -> vector<16xi32>
    %shift_right_arithmetic3A_1634 = arith.constant 1 : i32
    %shift_right_arithmetic3A_1635 = vector.broadcast %shift_right_arithmetic3A_1634 : i32 to vector<16xi32>
    %shift_right_arithmetic3A_1636 = arith.shrsi %bitcast_convert_type3A_1633, %shift_right_arithmetic3A_1635 : vector<16xi32>
    %sub3A_1637 = arith.constant 1597463007 : i32
    %sub3A_1638 = vector.broadcast %sub3A_1637 : i32 to vector<16xi32>
    %sub3A_1639 = arith.subi %sub3A_1638, %shift_right_arithmetic3A_1636 : vector<16xi32>
    %bitcast_convert_type3A_1640 = tpu.bitcast %sub3A_1639 : vector<16xi32> -> vector<16xf32>
    %mul3A_1641 = arith.constant 5.000000e-01 : f32
    %mul3A_1642 = vector.broadcast %mul3A_1641 : f32 to vector<16xf32>
    %mul3A_1643 = arith.mulf %mul3A_1642, %add3A_1632 : vector<16xf32>
    %mul3A_1644 = arith.mulf %mul3A_1643, %bitcast_convert_type3A_1640 : vector<16xf32>
    %mul3A_1645 = arith.mulf %mul3A_1644, %bitcast_convert_type3A_1640 : vector<16xf32>
    %sub3A_1646 = arith.constant 1.500000e+00 : f32
    %sub3A_1647 = vector.broadcast %sub3A_1646 : f32 to vector<16xf32>
    %sub3A_1648 = arith.subf %sub3A_1647, %mul3A_1645 : vector<16xf32>
    %mul3A_1649 = arith.mulf %bitcast_convert_type3A_1640, %sub3A_1648 : vector<16xf32>
    %mul3A_1650 = arith.constant 5.000000e-01 : f32
    %mul3A_1651 = vector.broadcast %mul3A_1650 : f32 to vector<16xf32>
    %mul3A_1652 = arith.mulf %mul3A_1651, %add3A_1632 : vector<16xf32>
    %mul3A_1653 = arith.mulf %mul3A_1652, %mul3A_1649 : vector<16xf32>
    %mul3A_1654 = arith.mulf %mul3A_1653, %mul3A_1649 : vector<16xf32>
    %sub3A_1655 = arith.constant 1.500000e+00 : f32
    %sub3A_1656 = vector.broadcast %sub3A_1655 : f32 to vector<16xf32>
    %sub3A_1657 = arith.subf %sub3A_1656, %mul3A_1654 : vector<16xf32>
    %mul3A_1658 = arith.mulf %mul3A_1649, %sub3A_1657 : vector<16xf32>
    %mul3A_1659 = arith.constant 5.000000e-01 : f32
    %mul3A_1660 = vector.broadcast %mul3A_1659 : f32 to vector<16xf32>
    %mul3A_1661 = arith.mulf %mul3A_1660, %add3A_1632 : vector<16xf32>
    %mul3A_1662 = arith.mulf %mul3A_1661, %mul3A_1658 : vector<16xf32>
    %mul3A_1663 = arith.mulf %mul3A_1662, %mul3A_1658 : vector<16xf32>
    %sub3A_1664 = arith.constant 1.500000e+00 : f32
    %sub3A_1665 = vector.broadcast %sub3A_1664 : f32 to vector<16xf32>
    %sub3A_1666 = arith.subf %sub3A_1665, %mul3A_1663 : vector<16xf32>
    %mul3A_1667 = arith.mulf %mul3A_1658, %sub3A_1666 : vector<16xf32>
    %get3A_1668 = arith.constant 352 : index
    %get3A_1669 = tpu.vector_load %arg16[%get3A_1668] {strides = array<i32>} : memref<512xf32, #tpu.memory_space<vmem>>, vector<16xf32>,
    %get3A_1670 = vector.shape_cast %get3A_1669 : vector<16xf32> to vector<16xf32>
    %mul3A_1671 = arith.constant 1.000000e-01 : f32
    %mul3A_1672 = vector.broadcast %mul3A_1671 : f32 to vector<16xf32>
    %mul3A_1673 = arith.mulf %get3A_1670, %mul3A_1672 : vector<16xf32>
    %mul3A_1674 = arith.mulf %add3A_1627, %mul3A_1667 : vector<16xf32>
    %sub3A_1675 = arith.subf %mul3A_1673, %mul3A_1674 : vector<16xf32>
    %abs3A_1676 = math.absf %sub3A_1675 : vector<16xf32>
    %add3A_1677 = arith.addf %add3A_1604, %abs3A_1676 : vector<16xf32>
    %get3A_1678 = arith.constant 368 : index
    %get3A_1679 = tpu.vector_load %arg10[%get3A_1678] {strides = array<i32>} : memref<512xf32, #tpu.memory_space<vmem>>, vector<16xf32>,
    %get3A_1680 = vector.shape_cast %get3A_1679 : vector<16xf32> to vector<16xf32>
    %get3A_1681 = arith.constant 368 : index
    %get3A_1682 = tpu.vector_load %arg11[%get3A_1681] {strides = array<i32>} : memref<512xf32, #tpu.memory_space<vmem>>, vector<16xf32>,
    %get3A_1683 = vector.shape_cast %get3A_1682 : vector<16xf32> to vector<16xf32>
    %get3A_1684 = arith.constant 368 : index
    %get3A_1685 = tpu.vector_load %arg12[%get3A_1684] {strides = array<i32>} : memref<512xf32, #tpu.memory_space<vmem>>, vector<16xf32>,
    %get3A_1686 = vector.shape_cast %get3A_1685 : vector<16xf32> to vector<16xf32>
    %get3A_1687 = arith.constant 368 : index
    %get3A_1688 = tpu.vector_load %arg13[%get3A_1687] {strides = array<i32>} : memref<512xf32, #tpu.memory_space<vmem>>, vector<16xf32>,
    %get3A_1689 = vector.shape_cast %get3A_1688 : vector<16xf32> to vector<16xf32>
    %mul3A_1690 = arith.mulf %get3A_1689, %get3A_1680 : vector<16xf32>
    %get3A_1691 = arith.constant 368 : index
    %get3A_1692 = tpu.vector_load %arg14[%get3A_1691] {strides = array<i32>} : memref<512xf32, #tpu.memory_space<vmem>>, vector<16xf32>,
    %get3A_1693 = vector.shape_cast %get3A_1692 : vector<16xf32> to vector<16xf32>
    %mul3A_1694 = arith.mulf %get3A_1693, %get3A_1683 : vector<16xf32>
    %add3A_1695 = arith.addf %mul3A_1690, %mul3A_1694 : vector<16xf32>
    %get3A_1696 = arith.constant 368 : index
    %get3A_1697 = tpu.vector_load %arg15[%get3A_1696] {strides = array<i32>} : memref<512xf32, #tpu.memory_space<vmem>>, vector<16xf32>,
    %get3A_1698 = vector.shape_cast %get3A_1697 : vector<16xf32> to vector<16xf32>
    %mul3A_1699 = arith.mulf %get3A_1698, %get3A_1686 : vector<16xf32>
    %add3A_1700 = arith.addf %add3A_1695, %mul3A_1699 : vector<16xf32>
    %mul3A_1701 = arith.mulf %get3A_1680, %get3A_1680 : vector<16xf32>
    %mul3A_1702 = arith.mulf %get3A_1683, %get3A_1683 : vector<16xf32>
    %add3A_1703 = arith.addf %mul3A_1701, %mul3A_1702 : vector<16xf32>
    %mul3A_1704 = arith.mulf %get3A_1686, %get3A_1686 : vector<16xf32>
    %add3A_1705 = arith.addf %add3A_1703, %mul3A_1704 : vector<16xf32>
    %bitcast_convert_type3A_1706 = tpu.bitcast %add3A_1705 : vector<16xf32> -> vector<16xi32>
    %shift_right_arithmetic3A_1707 = arith.constant 1 : i32
    %shift_right_arithmetic3A_1708 = vector.broadcast %shift_right_arithmetic3A_1707 : i32 to vector<16xi32>
    %shift_right_arithmetic3A_1709 = arith.shrsi %bitcast_convert_type3A_1706, %shift_right_arithmetic3A_1708 : vector<16xi32>
    %sub3A_1710 = arith.constant 1597463007 : i32
    %sub3A_1711 = vector.broadcast %sub3A_1710 : i32 to vector<16xi32>
    %sub3A_1712 = arith.subi %sub3A_1711, %shift_right_arithmetic3A_1709 : vector<16xi32>
    %bitcast_convert_type3A_1713 = tpu.bitcast %sub3A_1712 : vector<16xi32> -> vector<16xf32>
    %mul3A_1714 = arith.constant 5.000000e-01 : f32
    %mul3A_1715 = vector.broadcast %mul3A_1714 : f32 to vector<16xf32>
    %mul3A_1716 = arith.mulf %mul3A_1715, %add3A_1705 : vector<16xf32>
    %mul3A_1717 = arith.mulf %mul3A_1716, %bitcast_convert_type3A_1713 : vector<16xf32>
    %mul3A_1718 = arith.mulf %mul3A_1717, %bitcast_convert_type3A_1713 : vector<16xf32>
    %sub3A_1719 = arith.constant 1.500000e+00 : f32
    %sub3A_1720 = vector.broadcast %sub3A_1719 : f32 to vector<16xf32>
    %sub3A_1721 = arith.subf %sub3A_1720, %mul3A_1718 : vector<16xf32>
    %mul3A_1722 = arith.mulf %bitcast_convert_type3A_1713, %sub3A_1721 : vector<16xf32>
    %mul3A_1723 = arith.constant 5.000000e-01 : f32
    %mul3A_1724 = vector.broadcast %mul3A_1723 : f32 to vector<16xf32>
    %mul3A_1725 = arith.mulf %mul3A_1724, %add3A_1705 : vector<16xf32>
    %mul3A_1726 = arith.mulf %mul3A_1725, %mul3A_1722 : vector<16xf32>
    %mul3A_1727 = arith.mulf %mul3A_1726, %mul3A_1722 : vector<16xf32>
    %sub3A_1728 = arith.constant 1.500000e+00 : f32
    %sub3A_1729 = vector.broadcast %sub3A_1728 : f32 to vector<16xf32>
    %sub3A_1730 = arith.subf %sub3A_1729, %mul3A_1727 : vector<16xf32>
    %mul3A_1731 = arith.mulf %mul3A_1722, %sub3A_1730 : vector<16xf32>
    %mul3A_1732 = arith.constant 5.000000e-01 : f32
    %mul3A_1733 = vector.broadcast %mul3A_1732 : f32 to vector<16xf32>
    %mul3A_1734 = arith.mulf %mul3A_1733, %add3A_1705 : vector<16xf32>
    %mul3A_1735 = arith.mulf %mul3A_1734, %mul3A_1731 : vector<16xf32>
    %mul3A_1736 = arith.mulf %mul3A_1735, %mul3A_1731 : vector<16xf32>
    %sub3A_1737 = arith.constant 1.500000e+00 : f32
    %sub3A_1738 = vector.broadcast %sub3A_1737 : f32 to vector<16xf32>
    %sub3A_1739 = arith.subf %sub3A_1738, %mul3A_1736 : vector<16xf32>
    %mul3A_1740 = arith.mulf %mul3A_1731, %sub3A_1739 : vector<16xf32>
    %get3A_1741 = arith.constant 368 : index
    %get3A_1742 = tpu.vector_load %arg16[%get3A_1741] {strides = array<i32>} : memref<512xf32, #tpu.memory_space<vmem>>, vector<16xf32>,
    %get3A_1743 = vector.shape_cast %get3A_1742 : vector<16xf32> to vector<16xf32>
    %mul3A_1744 = arith.constant 1.000000e-01 : f32
    %mul3A_1745 = vector.broadcast %mul3A_1744 : f32 to vector<16xf32>
    %mul3A_1746 = arith.mulf %get3A_1743, %mul3A_1745 : vector<16xf32>
    %mul3A_1747 = arith.mulf %add3A_1700, %mul3A_1740 : vector<16xf32>
    %sub3A_1748 = arith.subf %mul3A_1746, %mul3A_1747 : vector<16xf32>
    %abs3A_1749 = math.absf %sub3A_1748 : vector<16xf32>
    %add3A_1750 = arith.addf %add3A_1677, %abs3A_1749 : vector<16xf32>
    %get3A_1751 = arith.constant 384 : index
    %get3A_1752 = tpu.vector_load %arg10[%get3A_1751] {strides = array<i32>} : memref<512xf32, #tpu.memory_space<vmem>>, vector<16xf32>,
    %get3A_1753 = vector.shape_cast %get3A_1752 : vector<16xf32> to vector<16xf32>
    %get3A_1754 = arith.constant 384 : index
    %get3A_1755 = tpu.vector_load %arg11[%get3A_1754] {strides = array<i32>} : memref<512xf32, #tpu.memory_space<vmem>>, vector<16xf32>,
    %get3A_1756 = vector.shape_cast %get3A_1755 : vector<16xf32> to vector<16xf32>
    %get3A_1757 = arith.constant 384 : index
    %get3A_1758 = tpu.vector_load %arg12[%get3A_1757] {strides = array<i32>} : memref<512xf32, #tpu.memory_space<vmem>>, vector<16xf32>,
    %get3A_1759 = vector.shape_cast %get3A_1758 : vector<16xf32> to vector<16xf32>
    %get3A_1760 = arith.constant 384 : index
    %get3A_1761 = tpu.vector_load %arg13[%get3A_1760] {strides = array<i32>} : memref<512xf32, #tpu.memory_space<vmem>>, vector<16xf32>,
    %get3A_1762 = vector.shape_cast %get3A_1761 : vector<16xf32> to vector<16xf32>
    %mul3A_1763 = arith.mulf %get3A_1762, %get3A_1753 : vector<16xf32>
    %get3A_1764 = arith.constant 384 : index
    %get3A_1765 = tpu.vector_load %arg14[%get3A_1764] {strides = array<i32>} : memref<512xf32, #tpu.memory_space<vmem>>, vector<16xf32>,
    %get3A_1766 = vector.shape_cast %get3A_1765 : vector<16xf32> to vector<16xf32>
    %mul3A_1767 = arith.mulf %get3A_1766, %get3A_1756 : vector<16xf32>
    %add3A_1768 = arith.addf %mul3A_1763, %mul3A_1767 : vector<16xf32>
    %get3A_1769 = arith.constant 384 : index
    %get3A_1770 = tpu.vector_load %arg15[%get3A_1769] {strides = array<i32>} : memref<512xf32, #tpu.memory_space<vmem>>, vector<16xf32>,
    %get3A_1771 = vector.shape_cast %get3A_1770 : vector<16xf32> to vector<16xf32>
    %mul3A_1772 = arith.mulf %get3A_1771, %get3A_1759 : vector<16xf32>
    %add3A_1773 = arith.addf %add3A_1768, %mul3A_1772 : vector<16xf32>
    %mul3A_1774 = arith.mulf %get3A_1753, %get3A_1753 : vector<16xf32>
    %mul3A_1775 = arith.mulf %get3A_1756, %get3A_1756 : vector<16xf32>
    %add3A_1776 = arith.addf %mul3A_1774, %mul3A_1775 : vector<16xf32>
    %mul3A_1777 = arith.mulf %get3A_1759, %get3A_1759 : vector<16xf32>
    %add3A_1778 = arith.addf %add3A_1776, %mul3A_1777 : vector<16xf32>
    %bitcast_convert_type3A_1779 = tpu.bitcast %add3A_1778 : vector<16xf32> -> vector<16xi32>
    %shift_right_arithmetic3A_1780 = arith.constant 1 : i32
    %shift_right_arithmetic3A_1781 = vector.broadcast %shift_right_arithmetic3A_1780 : i32 to vector<16xi32>
    %shift_right_arithmetic3A_1782 = arith.shrsi %bitcast_convert_type3A_1779, %shift_right_arithmetic3A_1781 : vector<16xi32>
    %sub3A_1783 = arith.constant 1597463007 : i32
    %sub3A_1784 = vector.broadcast %sub3A_1783 : i32 to vector<16xi32>
    %sub3A_1785 = arith.subi %sub3A_1784, %shift_right_arithmetic3A_1782 : vector<16xi32>
    %bitcast_convert_type3A_1786 = tpu.bitcast %sub3A_1785 : vector<16xi32> -> vector<16xf32>
    %mul3A_1787 = arith.constant 5.000000e-01 : f32
    %mul3A_1788 = vector.broadcast %mul3A_1787 : f32 to vector<16xf32>
    %mul3A_1789 = arith.mulf %mul3A_1788, %add3A_1778 : vector<16xf32>
    %mul3A_1790 = arith.mulf %mul3A_1789, %bitcast_convert_type3A_1786 : vector<16xf32>
    %mul3A_1791 = arith.mulf %mul3A_1790, %bitcast_convert_type3A_1786 : vector<16xf32>
    %sub3A_1792 = arith.constant 1.500000e+00 : f32
    %sub3A_1793 = vector.broadcast %sub3A_1792 : f32 to vector<16xf32>
    %sub3A_1794 = arith.subf %sub3A_1793, %mul3A_1791 : vector<16xf32>
    %mul3A_1795 = arith.mulf %bitcast_convert_type3A_1786, %sub3A_1794 : vector<16xf32>
    %mul3A_1796 = arith.constant 5.000000e-01 : f32
    %mul3A_1797 = vector.broadcast %mul3A_1796 : f32 to vector<16xf32>
    %mul3A_1798 = arith.mulf %mul3A_1797, %add3A_1778 : vector<16xf32>
    %mul3A_1799 = arith.mulf %mul3A_1798, %mul3A_1795 : vector<16xf32>
    %mul3A_1800 = arith.mulf %mul3A_1799, %mul3A_1795 : vector<16xf32>
    %sub3A_1801 = arith.constant 1.500000e+00 : f32
    %sub3A_1802 = vector.broadcast %sub3A_1801 : f32 to vector<16xf32>
    %sub3A_1803 = arith.subf %sub3A_1802, %mul3A_1800 : vector<16xf32>
    %mul3A_1804 = arith.mulf %mul3A_1795, %sub3A_1803 : vector<16xf32>
    %mul3A_1805 = arith.constant 5.000000e-01 : f32
    %mul3A_1806 = vector.broadcast %mul3A_1805 : f32 to vector<16xf32>
    %mul3A_1807 = arith.mulf %mul3A_1806, %add3A_1778 : vector<16xf32>
    %mul3A_1808 = arith.mulf %mul3A_1807, %mul3A_1804 : vector<16xf32>
    %mul3A_1809 = arith.mulf %mul3A_1808, %mul3A_1804 : vector<16xf32>
    %sub3A_1810 = arith.constant 1.500000e+00 : f32
    %sub3A_1811 = vector.broadcast %sub3A_1810 : f32 to vector<16xf32>
    %sub3A_1812 = arith.subf %sub3A_1811, %mul3A_1809 : vector<16xf32>
    %mul3A_1813 = arith.mulf %mul3A_1804, %sub3A_1812 : vector<16xf32>
    %get3A_1814 = arith.constant 384 : index
    %get3A_1815 = tpu.vector_load %arg16[%get3A_1814] {strides = array<i32>} : memref<512xf32, #tpu.memory_space<vmem>>, vector<16xf32>,
    %get3A_1816 = vector.shape_cast %get3A_1815 : vector<16xf32> to vector<16xf32>
    %mul3A_1817 = arith.constant 1.000000e-01 : f32
    %mul3A_1818 = vector.broadcast %mul3A_1817 : f32 to vector<16xf32>
    %mul3A_1819 = arith.mulf %get3A_1816, %mul3A_1818 : vector<16xf32>
    %mul3A_1820 = arith.mulf %add3A_1773, %mul3A_1813 : vector<16xf32>
    %sub3A_1821 = arith.subf %mul3A_1819, %mul3A_1820 : vector<16xf32>
    %abs3A_1822 = math.absf %sub3A_1821 : vector<16xf32>
    %add3A_1823 = arith.addf %add3A_1750, %abs3A_1822 : vector<16xf32>
    %get3A_1824 = arith.constant 400 : index
    %get3A_1825 = tpu.vector_load %arg10[%get3A_1824] {strides = array<i32>} : memref<512xf32, #tpu.memory_space<vmem>>, vector<16xf32>,
    %get3A_1826 = vector.shape_cast %get3A_1825 : vector<16xf32> to vector<16xf32>
    %get3A_1827 = arith.constant 400 : index
    %get3A_1828 = tpu.vector_load %arg11[%get3A_1827] {strides = array<i32>} : memref<512xf32, #tpu.memory_space<vmem>>, vector<16xf32>,
    %get3A_1829 = vector.shape_cast %get3A_1828 : vector<16xf32> to vector<16xf32>
    %get3A_1830 = arith.constant 400 : index
    %get3A_1831 = tpu.vector_load %arg12[%get3A_1830] {strides = array<i32>} : memref<512xf32, #tpu.memory_space<vmem>>, vector<16xf32>,
    %get3A_1832 = vector.shape_cast %get3A_1831 : vector<16xf32> to vector<16xf32>
    %get3A_1833 = arith.constant 400 : index
    %get3A_1834 = tpu.vector_load %arg13[%get3A_1833] {strides = array<i32>} : memref<512xf32, #tpu.memory_space<vmem>>, vector<16xf32>,
    %get3A_1835 = vector.shape_cast %get3A_1834 : vector<16xf32> to vector<16xf32>
    %mul3A_1836 = arith.mulf %get3A_1835, %get3A_1826 : vector<16xf32>
    %get3A_1837 = arith.constant 400 : index
    %get3A_1838 = tpu.vector_load %arg14[%get3A_1837] {strides = array<i32>} : memref<512xf32, #tpu.memory_space<vmem>>, vector<16xf32>,
    %get3A_1839 = vector.shape_cast %get3A_1838 : vector<16xf32> to vector<16xf32>
    %mul3A_1840 = arith.mulf %get3A_1839, %get3A_1829 : vector<16xf32>
    %add3A_1841 = arith.addf %mul3A_1836, %mul3A_1840 : vector<16xf32>
    %get3A_1842 = arith.constant 400 : index
    %get3A_1843 = tpu.vector_load %arg15[%get3A_1842] {strides = array<i32>} : memref<512xf32, #tpu.memory_space<vmem>>, vector<16xf32>,
    %get3A_1844 = vector.shape_cast %get3A_1843 : vector<16xf32> to vector<16xf32>
    %mul3A_1845 = arith.mulf %get3A_1844, %get3A_1832 : vector<16xf32>
    %add3A_1846 = arith.addf %add3A_1841, %mul3A_1845 : vector<16xf32>
    %mul3A_1847 = arith.mulf %get3A_1826, %get3A_1826 : vector<16xf32>
    %mul3A_1848 = arith.mulf %get3A_1829, %get3A_1829 : vector<16xf32>
    %add3A_1849 = arith.addf %mul3A_1847, %mul3A_1848 : vector<16xf32>
    %mul3A_1850 = arith.mulf %get3A_1832, %get3A_1832 : vector<16xf32>
    %add3A_1851 = arith.addf %add3A_1849, %mul3A_1850 : vector<16xf32>
    %bitcast_convert_type3A_1852 = tpu.bitcast %add3A_1851 : vector<16xf32> -> vector<16xi32>
    %shift_right_arithmetic3A_1853 = arith.constant 1 : i32
    %shift_right_arithmetic3A_1854 = vector.broadcast %shift_right_arithmetic3A_1853 : i32 to vector<16xi32>
    %shift_right_arithmetic3A_1855 = arith.shrsi %bitcast_convert_type3A_1852, %shift_right_arithmetic3A_1854 : vector<16xi32>
    %sub3A_1856 = arith.constant 1597463007 : i32
    %sub3A_1857 = vector.broadcast %sub3A_1856 : i32 to vector<16xi32>
    %sub3A_1858 = arith.subi %sub3A_1857, %shift_right_arithmetic3A_1855 : vector<16xi32>
    %bitcast_convert_type3A_1859 = tpu.bitcast %sub3A_1858 : vector<16xi32> -> vector<16xf32>
    %mul3A_1860 = arith.constant 5.000000e-01 : f32
    %mul3A_1861 = vector.broadcast %mul3A_1860 : f32 to vector<16xf32>
    %mul3A_1862 = arith.mulf %mul3A_1861, %add3A_1851 : vector<16xf32>
    %mul3A_1863 = arith.mulf %mul3A_1862, %bitcast_convert_type3A_1859 : vector<16xf32>
    %mul3A_1864 = arith.mulf %mul3A_1863, %bitcast_convert_type3A_1859 : vector<16xf32>
    %sub3A_1865 = arith.constant 1.500000e+00 : f32
    %sub3A_1866 = vector.broadcast %sub3A_1865 : f32 to vector<16xf32>
    %sub3A_1867 = arith.subf %sub3A_1866, %mul3A_1864 : vector<16xf32>
    %mul3A_1868 = arith.mulf %bitcast_convert_type3A_1859, %sub3A_1867 : vector<16xf32>
    %mul3A_1869 = arith.constant 5.000000e-01 : f32
    %mul3A_1870 = vector.broadcast %mul3A_1869 : f32 to vector<16xf32>
    %mul3A_1871 = arith.mulf %mul3A_1870, %add3A_1851 : vector<16xf32>
    %mul3A_1872 = arith.mulf %mul3A_1871, %mul3A_1868 : vector<16xf32>
    %mul3A_1873 = arith.mulf %mul3A_1872, %mul3A_1868 : vector<16xf32>
    %sub3A_1874 = arith.constant 1.500000e+00 : f32
    %sub3A_1875 = vector.broadcast %sub3A_1874 : f32 to vector<16xf32>
    %sub3A_1876 = arith.subf %sub3A_1875, %mul3A_1873 : vector<16xf32>
    %mul3A_1877 = arith.mulf %mul3A_1868, %sub3A_1876 : vector<16xf32>
    %mul3A_1878 = arith.constant 5.000000e-01 : f32
    %mul3A_1879 = vector.broadcast %mul3A_1878 : f32 to vector<16xf32>
    %mul3A_1880 = arith.mulf %mul3A_1879, %add3A_1851 : vector<16xf32>
    %mul3A_1881 = arith.mulf %mul3A_1880, %mul3A_1877 : vector<16xf32>
    %mul3A_1882 = arith.mulf %mul3A_1881, %mul3A_1877 : vector<16xf32>
    %sub3A_1883 = arith.constant 1.500000e+00 : f32
    %sub3A_1884 = vector.broadcast %sub3A_1883 : f32 to vector<16xf32>
    %sub3A_1885 = arith.subf %sub3A_1884, %mul3A_1882 : vector<16xf32>
    %mul3A_1886 = arith.mulf %mul3A_1877, %sub3A_1885 : vector<16xf32>
    %get3A_1887 = arith.constant 400 : index
    %get3A_1888 = tpu.vector_load %arg16[%get3A_1887] {strides = array<i32>} : memref<512xf32, #tpu.memory_space<vmem>>, vector<16xf32>,
    %get3A_1889 = vector.shape_cast %get3A_1888 : vector<16xf32> to vector<16xf32>
    %mul3A_1890 = arith.constant 1.000000e-01 : f32
    %mul3A_1891 = vector.broadcast %mul3A_1890 : f32 to vector<16xf32>
    %mul3A_1892 = arith.mulf %get3A_1889, %mul3A_1891 : vector<16xf32>
    %mul3A_1893 = arith.mulf %add3A_1846, %mul3A_1886 : vector<16xf32>
    %sub3A_1894 = arith.subf %mul3A_1892, %mul3A_1893 : vector<16xf32>
    %abs3A_1895 = math.absf %sub3A_1894 : vector<16xf32>
    %add3A_1896 = arith.addf %add3A_1823, %abs3A_1895 : vector<16xf32>
    %get3A_1897 = arith.constant 416 : index
    %get3A_1898 = tpu.vector_load %arg10[%get3A_1897] {strides = array<i32>} : memref<512xf32, #tpu.memory_space<vmem>>, vector<16xf32>,
    %get3A_1899 = vector.shape_cast %get3A_1898 : vector<16xf32> to vector<16xf32>
    %get3A_1900 = arith.constant 416 : index
    %get3A_1901 = tpu.vector_load %arg11[%get3A_1900] {strides = array<i32>} : memref<512xf32, #tpu.memory_space<vmem>>, vector<16xf32>,
    %get3A_1902 = vector.shape_cast %get3A_1901 : vector<16xf32> to vector<16xf32>
    %get3A_1903 = arith.constant 416 : index
    %get3A_1904 = tpu.vector_load %arg12[%get3A_1903] {strides = array<i32>} : memref<512xf32, #tpu.memory_space<vmem>>, vector<16xf32>,
    %get3A_1905 = vector.shape_cast %get3A_1904 : vector<16xf32> to vector<16xf32>
    %get3A_1906 = arith.constant 416 : index
    %get3A_1907 = tpu.vector_load %arg13[%get3A_1906] {strides = array<i32>} : memref<512xf32, #tpu.memory_space<vmem>>, vector<16xf32>,
    %get3A_1908 = vector.shape_cast %get3A_1907 : vector<16xf32> to vector<16xf32>
    %mul3A_1909 = arith.mulf %get3A_1908, %get3A_1899 : vector<16xf32>
    %get3A_1910 = arith.constant 416 : index
    %get3A_1911 = tpu.vector_load %arg14[%get3A_1910] {strides = array<i32>} : memref<512xf32, #tpu.memory_space<vmem>>, vector<16xf32>,
    %get3A_1912 = vector.shape_cast %get3A_1911 : vector<16xf32> to vector<16xf32>
    %mul3A_1913 = arith.mulf %get3A_1912, %get3A_1902 : vector<16xf32>
    %add3A_1914 = arith.addf %mul3A_1909, %mul3A_1913 : vector<16xf32>
    %get3A_1915 = arith.constant 416 : index
    %get3A_1916 = tpu.vector_load %arg15[%get3A_1915] {strides = array<i32>} : memref<512xf32, #tpu.memory_space<vmem>>, vector<16xf32>,
    %get3A_1917 = vector.shape_cast %get3A_1916 : vector<16xf32> to vector<16xf32>
    %mul3A_1918 = arith.mulf %get3A_1917, %get3A_1905 : vector<16xf32>
    %add3A_1919 = arith.addf %add3A_1914, %mul3A_1918 : vector<16xf32>
    %mul3A_1920 = arith.mulf %get3A_1899, %get3A_1899 : vector<16xf32>
    %mul3A_1921 = arith.mulf %get3A_1902, %get3A_1902 : vector<16xf32>
    %add3A_1922 = arith.addf %mul3A_1920, %mul3A_1921 : vector<16xf32>
    %mul3A_1923 = arith.mulf %get3A_1905, %get3A_1905 : vector<16xf32>
    %add3A_1924 = arith.addf %add3A_1922, %mul3A_1923 : vector<16xf32>
    %bitcast_convert_type3A_1925 = tpu.bitcast %add3A_1924 : vector<16xf32> -> vector<16xi32>
    %shift_right_arithmetic3A_1926 = arith.constant 1 : i32
    %shift_right_arithmetic3A_1927 = vector.broadcast %shift_right_arithmetic3A_1926 : i32 to vector<16xi32>
    %shift_right_arithmetic3A_1928 = arith.shrsi %bitcast_convert_type3A_1925, %shift_right_arithmetic3A_1927 : vector<16xi32>
    %sub3A_1929 = arith.constant 1597463007 : i32
    %sub3A_1930 = vector.broadcast %sub3A_1929 : i32 to vector<16xi32>
    %sub3A_1931 = arith.subi %sub3A_1930, %shift_right_arithmetic3A_1928 : vector<16xi32>
    %bitcast_convert_type3A_1932 = tpu.bitcast %sub3A_1931 : vector<16xi32> -> vector<16xf32>
    %mul3A_1933 = arith.constant 5.000000e-01 : f32
    %mul3A_1934 = vector.broadcast %mul3A_1933 : f32 to vector<16xf32>
    %mul3A_1935 = arith.mulf %mul3A_1934, %add3A_1924 : vector<16xf32>
    %mul3A_1936 = arith.mulf %mul3A_1935, %bitcast_convert_type3A_1932 : vector<16xf32>
    %mul3A_1937 = arith.mulf %mul3A_1936, %bitcast_convert_type3A_1932 : vector<16xf32>
    %sub3A_1938 = arith.constant 1.500000e+00 : f32
    %sub3A_1939 = vector.broadcast %sub3A_1938 : f32 to vector<16xf32>
    %sub3A_1940 = arith.subf %sub3A_1939, %mul3A_1937 : vector<16xf32>
    %mul3A_1941 = arith.mulf %bitcast_convert_type3A_1932, %sub3A_1940 : vector<16xf32>
    %mul3A_1942 = arith.constant 5.000000e-01 : f32
    %mul3A_1943 = vector.broadcast %mul3A_1942 : f32 to vector<16xf32>
    %mul3A_1944 = arith.mulf %mul3A_1943, %add3A_1924 : vector<16xf32>
    %mul3A_1945 = arith.mulf %mul3A_1944, %mul3A_1941 : vector<16xf32>
    %mul3A_1946 = arith.mulf %mul3A_1945, %mul3A_1941 : vector<16xf32>
    %sub3A_1947 = arith.constant 1.500000e+00 : f32
    %sub3A_1948 = vector.broadcast %sub3A_1947 : f32 to vector<16xf32>
    %sub3A_1949 = arith.subf %sub3A_1948, %mul3A_1946 : vector<16xf32>
    %mul3A_1950 = arith.mulf %mul3A_1941, %sub3A_1949 : vector<16xf32>
    %mul3A_1951 = arith.constant 5.000000e-01 : f32
    %mul3A_1952 = vector.broadcast %mul3A_1951 : f32 to vector<16xf32>
    %mul3A_1953 = arith.mulf %mul3A_1952, %add3A_1924 : vector<16xf32>
    %mul3A_1954 = arith.mulf %mul3A_1953, %mul3A_1950 : vector<16xf32>
    %mul3A_1955 = arith.mulf %mul3A_1954, %mul3A_1950 : vector<16xf32>
    %sub3A_1956 = arith.constant 1.500000e+00 : f32
    %sub3A_1957 = vector.broadcast %sub3A_1956 : f32 to vector<16xf32>
    %sub3A_1958 = arith.subf %sub3A_1957, %mul3A_1955 : vector<16xf32>
    %mul3A_1959 = arith.mulf %mul3A_1950, %sub3A_1958 : vector<16xf32>
    %get3A_1960 = arith.constant 416 : index
    %get3A_1961 = tpu.vector_load %arg16[%get3A_1960] {strides = array<i32>} : memref<512xf32, #tpu.memory_space<vmem>>, vector<16xf32>,
    %get3A_1962 = vector.shape_cast %get3A_1961 : vector<16xf32> to vector<16xf32>
    %mul3A_1963 = arith.constant 1.000000e-01 : f32
    %mul3A_1964 = vector.broadcast %mul3A_1963 : f32 to vector<16xf32>
    %mul3A_1965 = arith.mulf %get3A_1962, %mul3A_1964 : vector<16xf32>
    %mul3A_1966 = arith.mulf %add3A_1919, %mul3A_1959 : vector<16xf32>
    %sub3A_1967 = arith.subf %mul3A_1965, %mul3A_1966 : vector<16xf32>
    %abs3A_1968 = math.absf %sub3A_1967 : vector<16xf32>
    %add3A_1969 = arith.addf %add3A_1896, %abs3A_1968 : vector<16xf32>
    %get3A_1970 = arith.constant 432 : index
    %get3A_1971 = tpu.vector_load %arg10[%get3A_1970] {strides = array<i32>} : memref<512xf32, #tpu.memory_space<vmem>>, vector<16xf32>,
    %get3A_1972 = vector.shape_cast %get3A_1971 : vector<16xf32> to vector<16xf32>
    %get3A_1973 = arith.constant 432 : index
    %get3A_1974 = tpu.vector_load %arg11[%get3A_1973] {strides = array<i32>} : memref<512xf32, #tpu.memory_space<vmem>>, vector<16xf32>,
    %get3A_1975 = vector.shape_cast %get3A_1974 : vector<16xf32> to vector<16xf32>
    %get3A_1976 = arith.constant 432 : index
    %get3A_1977 = tpu.vector_load %arg12[%get3A_1976] {strides = array<i32>} : memref<512xf32, #tpu.memory_space<vmem>>, vector<16xf32>,
    %get3A_1978 = vector.shape_cast %get3A_1977 : vector<16xf32> to vector<16xf32>
    %get3A_1979 = arith.constant 432 : index
    %get3A_1980 = tpu.vector_load %arg13[%get3A_1979] {strides = array<i32>} : memref<512xf32, #tpu.memory_space<vmem>>, vector<16xf32>,
    %get3A_1981 = vector.shape_cast %get3A_1980 : vector<16xf32> to vector<16xf32>
    %mul3A_1982 = arith.mulf %get3A_1981, %get3A_1972 : vector<16xf32>
    %get3A_1983 = arith.constant 432 : index
    %get3A_1984 = tpu.vector_load %arg14[%get3A_1983] {strides = array<i32>} : memref<512xf32, #tpu.memory_space<vmem>>, vector<16xf32>,
    %get3A_1985 = vector.shape_cast %get3A_1984 : vector<16xf32> to vector<16xf32>
    %mul3A_1986 = arith.mulf %get3A_1985, %get3A_1975 : vector<16xf32>
    %add3A_1987 = arith.addf %mul3A_1982, %mul3A_1986 : vector<16xf32>
    %get3A_1988 = arith.constant 432 : index
    %get3A_1989 = tpu.vector_load %arg15[%get3A_1988] {strides = array<i32>} : memref<512xf32, #tpu.memory_space<vmem>>, vector<16xf32>,
    %get3A_1990 = vector.shape_cast %get3A_1989 : vector<16xf32> to vector<16xf32>
    %mul3A_1991 = arith.mulf %get3A_1990, %get3A_1978 : vector<16xf32>
    %add3A_1992 = arith.addf %add3A_1987, %mul3A_1991 : vector<16xf32>
    %mul3A_1993 = arith.mulf %get3A_1972, %get3A_1972 : vector<16xf32>
    %mul3A_1994 = arith.mulf %get3A_1975, %get3A_1975 : vector<16xf32>
    %add3A_1995 = arith.addf %mul3A_1993, %mul3A_1994 : vector<16xf32>
    %mul3A_1996 = arith.mulf %get3A_1978, %get3A_1978 : vector<16xf32>
    %add3A_1997 = arith.addf %add3A_1995, %mul3A_1996 : vector<16xf32>
    %bitcast_convert_type3A_1998 = tpu.bitcast %add3A_1997 : vector<16xf32> -> vector<16xi32>
    %shift_right_arithmetic3A_1999 = arith.constant 1 : i32
    %shift_right_arithmetic3A_2000 = vector.broadcast %shift_right_arithmetic3A_1999 : i32 to vector<16xi32>
    %shift_right_arithmetic3A_2001 = arith.shrsi %bitcast_convert_type3A_1998, %shift_right_arithmetic3A_2000 : vector<16xi32>
    %sub3A_2002 = arith.constant 1597463007 : i32
    %sub3A_2003 = vector.broadcast %sub3A_2002 : i32 to vector<16xi32>
    %sub3A_2004 = arith.subi %sub3A_2003, %shift_right_arithmetic3A_2001 : vector<16xi32>
    %bitcast_convert_type3A_2005 = tpu.bitcast %sub3A_2004 : vector<16xi32> -> vector<16xf32>
    %mul3A_2006 = arith.constant 5.000000e-01 : f32
    %mul3A_2007 = vector.broadcast %mul3A_2006 : f32 to vector<16xf32>
    %mul3A_2008 = arith.mulf %mul3A_2007, %add3A_1997 : vector<16xf32>
    %mul3A_2009 = arith.mulf %mul3A_2008, %bitcast_convert_type3A_2005 : vector<16xf32>
    %mul3A_2010 = arith.mulf %mul3A_2009, %bitcast_convert_type3A_2005 : vector<16xf32>
    %sub3A_2011 = arith.constant 1.500000e+00 : f32
    %sub3A_2012 = vector.broadcast %sub3A_2011 : f32 to vector<16xf32>
    %sub3A_2013 = arith.subf %sub3A_2012, %mul3A_2010 : vector<16xf32>
    %mul3A_2014 = arith.mulf %bitcast_convert_type3A_2005, %sub3A_2013 : vector<16xf32>
    %mul3A_2015 = arith.constant 5.000000e-01 : f32
    %mul3A_2016 = vector.broadcast %mul3A_2015 : f32 to vector<16xf32>
    %mul3A_2017 = arith.mulf %mul3A_2016, %add3A_1997 : vector<16xf32>
    %mul3A_2018 = arith.mulf %mul3A_2017, %mul3A_2014 : vector<16xf32>
    %mul3A_2019 = arith.mulf %mul3A_2018, %mul3A_2014 : vector<16xf32>
    %sub3A_2020 = arith.constant 1.500000e+00 : f32
    %sub3A_2021 = vector.broadcast %sub3A_2020 : f32 to vector<16xf32>
    %sub3A_2022 = arith.subf %sub3A_2021, %mul3A_2019 : vector<16xf32>
    %mul3A_2023 = arith.mulf %mul3A_2014, %sub3A_2022 : vector<16xf32>
    %mul3A_2024 = arith.constant 5.000000e-01 : f32
    %mul3A_2025 = vector.broadcast %mul3A_2024 : f32 to vector<16xf32>
    %mul3A_2026 = arith.mulf %mul3A_2025, %add3A_1997 : vector<16xf32>
    %mul3A_2027 = arith.mulf %mul3A_2026, %mul3A_2023 : vector<16xf32>
    %mul3A_2028 = arith.mulf %mul3A_2027, %mul3A_2023 : vector<16xf32>
    %sub3A_2029 = arith.constant 1.500000e+00 : f32
    %sub3A_2030 = vector.broadcast %sub3A_2029 : f32 to vector<16xf32>
    %sub3A_2031 = arith.subf %sub3A_2030, %mul3A_2028 : vector<16xf32>
    %mul3A_2032 = arith.mulf %mul3A_2023, %sub3A_2031 : vector<16xf32>
    %get3A_2033 = arith.constant 432 : index
    %get3A_2034 = tpu.vector_load %arg16[%get3A_2033] {strides = array<i32>} : memref<512xf32, #tpu.memory_space<vmem>>, vector<16xf32>,
    %get3A_2035 = vector.shape_cast %get3A_2034 : vector<16xf32> to vector<16xf32>
    %mul3A_2036 = arith.constant 1.000000e-01 : f32
    %mul3A_2037 = vector.broadcast %mul3A_2036 : f32 to vector<16xf32>
    %mul3A_2038 = arith.mulf %get3A_2035, %mul3A_2037 : vector<16xf32>
    %mul3A_2039 = arith.mulf %add3A_1992, %mul3A_2032 : vector<16xf32>
    %sub3A_2040 = arith.subf %mul3A_2038, %mul3A_2039 : vector<16xf32>
    %abs3A_2041 = math.absf %sub3A_2040 : vector<16xf32>
    %add3A_2042 = arith.addf %add3A_1969, %abs3A_2041 : vector<16xf32>
    %get3A_2043 = arith.constant 448 : index
    %get3A_2044 = tpu.vector_load %arg10[%get3A_2043] {strides = array<i32>} : memref<512xf32, #tpu.memory_space<vmem>>, vector<16xf32>,
    %get3A_2045 = vector.shape_cast %get3A_2044 : vector<16xf32> to vector<16xf32>
    %get3A_2046 = arith.constant 448 : index
    %get3A_2047 = tpu.vector_load %arg11[%get3A_2046] {strides = array<i32>} : memref<512xf32, #tpu.memory_space<vmem>>, vector<16xf32>,
    %get3A_2048 = vector.shape_cast %get3A_2047 : vector<16xf32> to vector<16xf32>
    %get3A_2049 = arith.constant 448 : index
    %get3A_2050 = tpu.vector_load %arg12[%get3A_2049] {strides = array<i32>} : memref<512xf32, #tpu.memory_space<vmem>>, vector<16xf32>,
    %get3A_2051 = vector.shape_cast %get3A_2050 : vector<16xf32> to vector<16xf32>
    %get3A_2052 = arith.constant 448 : index
    %get3A_2053 = tpu.vector_load %arg13[%get3A_2052] {strides = array<i32>} : memref<512xf32, #tpu.memory_space<vmem>>, vector<16xf32>,
    %get3A_2054 = vector.shape_cast %get3A_2053 : vector<16xf32> to vector<16xf32>
    %mul3A_2055 = arith.mulf %get3A_2054, %get3A_2045 : vector<16xf32>
    %get3A_2056 = arith.constant 448 : index
    %get3A_2057 = tpu.vector_load %arg14[%get3A_2056] {strides = array<i32>} : memref<512xf32, #tpu.memory_space<vmem>>, vector<16xf32>,
    %get3A_2058 = vector.shape_cast %get3A_2057 : vector<16xf32> to vector<16xf32>
    %mul3A_2059 = arith.mulf %get3A_2058, %get3A_2048 : vector<16xf32>
    %add3A_2060 = arith.addf %mul3A_2055, %mul3A_2059 : vector<16xf32>
    %get3A_2061 = arith.constant 448 : index
    %get3A_2062 = tpu.vector_load %arg15[%get3A_2061] {strides = array<i32>} : memref<512xf32, #tpu.memory_space<vmem>>, vector<16xf32>,
    %get3A_2063 = vector.shape_cast %get3A_2062 : vector<16xf32> to vector<16xf32>
    %mul3A_2064 = arith.mulf %get3A_2063, %get3A_2051 : vector<16xf32>
    %add3A_2065 = arith.addf %add3A_2060, %mul3A_2064 : vector<16xf32>
    %mul3A_2066 = arith.mulf %get3A_2045, %get3A_2045 : vector<16xf32>
    %mul3A_2067 = arith.mulf %get3A_2048, %get3A_2048 : vector<16xf32>
    %add3A_2068 = arith.addf %mul3A_2066, %mul3A_2067 : vector<16xf32>
    %mul3A_2069 = arith.mulf %get3A_2051, %get3A_2051 : vector<16xf32>
    %add3A_2070 = arith.addf %add3A_2068, %mul3A_2069 : vector<16xf32>
    %bitcast_convert_type3A_2071 = tpu.bitcast %add3A_2070 : vector<16xf32> -> vector<16xi32>
    %shift_right_arithmetic3A_2072 = arith.constant 1 : i32
    %shift_right_arithmetic3A_2073 = vector.broadcast %shift_right_arithmetic3A_2072 : i32 to vector<16xi32>
    %shift_right_arithmetic3A_2074 = arith.shrsi %bitcast_convert_type3A_2071, %shift_right_arithmetic3A_2073 : vector<16xi32>
    %sub3A_2075 = arith.constant 1597463007 : i32
    %sub3A_2076 = vector.broadcast %sub3A_2075 : i32 to vector<16xi32>
    %sub3A_2077 = arith.subi %sub3A_2076, %shift_right_arithmetic3A_2074 : vector<16xi32>
    %bitcast_convert_type3A_2078 = tpu.bitcast %sub3A_2077 : vector<16xi32> -> vector<16xf32>
    %mul3A_2079 = arith.constant 5.000000e-01 : f32
    %mul3A_2080 = vector.broadcast %mul3A_2079 : f32 to vector<16xf32>
    %mul3A_2081 = arith.mulf %mul3A_2080, %add3A_2070 : vector<16xf32>
    %mul3A_2082 = arith.mulf %mul3A_2081, %bitcast_convert_type3A_2078 : vector<16xf32>
    %mul3A_2083 = arith.mulf %mul3A_2082, %bitcast_convert_type3A_2078 : vector<16xf32>
    %sub3A_2084 = arith.constant 1.500000e+00 : f32
    %sub3A_2085 = vector.broadcast %sub3A_2084 : f32 to vector<16xf32>
    %sub3A_2086 = arith.subf %sub3A_2085, %mul3A_2083 : vector<16xf32>
    %mul3A_2087 = arith.mulf %bitcast_convert_type3A_2078, %sub3A_2086 : vector<16xf32>
    %mul3A_2088 = arith.constant 5.000000e-01 : f32
    %mul3A_2089 = vector.broadcast %mul3A_2088 : f32 to vector<16xf32>
    %mul3A_2090 = arith.mulf %mul3A_2089, %add3A_2070 : vector<16xf32>
    %mul3A_2091 = arith.mulf %mul3A_2090, %mul3A_2087 : vector<16xf32>
    %mul3A_2092 = arith.mulf %mul3A_2091, %mul3A_2087 : vector<16xf32>
    %sub3A_2093 = arith.constant 1.500000e+00 : f32
    %sub3A_2094 = vector.broadcast %sub3A_2093 : f32 to vector<16xf32>
    %sub3A_2095 = arith.subf %sub3A_2094, %mul3A_2092 : vector<16xf32>
    %mul3A_2096 = arith.mulf %mul3A_2087, %sub3A_2095 : vector<16xf32>
    %mul3A_2097 = arith.constant 5.000000e-01 : f32
    %mul3A_2098 = vector.broadcast %mul3A_2097 : f32 to vector<16xf32>
    %mul3A_2099 = arith.mulf %mul3A_2098, %add3A_2070 : vector<16xf32>
    %mul3A_2100 = arith.mulf %mul3A_2099, %mul3A_2096 : vector<16xf32>
    %mul3A_2101 = arith.mulf %mul3A_2100, %mul3A_2096 : vector<16xf32>
    %sub3A_2102 = arith.constant 1.500000e+00 : f32
    %sub3A_2103 = vector.broadcast %sub3A_2102 : f32 to vector<16xf32>
    %sub3A_2104 = arith.subf %sub3A_2103, %mul3A_2101 : vector<16xf32>
    %mul3A_2105 = arith.mulf %mul3A_2096, %sub3A_2104 : vector<16xf32>
    %get3A_2106 = arith.constant 448 : index
    %get3A_2107 = tpu.vector_load %arg16[%get3A_2106] {strides = array<i32>} : memref<512xf32, #tpu.memory_space<vmem>>, vector<16xf32>,
    %get3A_2108 = vector.shape_cast %get3A_2107 : vector<16xf32> to vector<16xf32>
    %mul3A_2109 = arith.constant 1.000000e-01 : f32
    %mul3A_2110 = vector.broadcast %mul3A_2109 : f32 to vector<16xf32>
    %mul3A_2111 = arith.mulf %get3A_2108, %mul3A_2110 : vector<16xf32>
    %mul3A_2112 = arith.mulf %add3A_2065, %mul3A_2105 : vector<16xf32>
    %sub3A_2113 = arith.subf %mul3A_2111, %mul3A_2112 : vector<16xf32>
    %abs3A_2114 = math.absf %sub3A_2113 : vector<16xf32>
    %add3A_2115 = arith.addf %add3A_2042, %abs3A_2114 : vector<16xf32>
    %get3A_2116 = arith.constant 464 : index
    %get3A_2117 = tpu.vector_load %arg10[%get3A_2116] {strides = array<i32>} : memref<512xf32, #tpu.memory_space<vmem>>, vector<16xf32>,
    %get3A_2118 = vector.shape_cast %get3A_2117 : vector<16xf32> to vector<16xf32>
    %get3A_2119 = arith.constant 464 : index
    %get3A_2120 = tpu.vector_load %arg11[%get3A_2119] {strides = array<i32>} : memref<512xf32, #tpu.memory_space<vmem>>, vector<16xf32>,
    %get3A_2121 = vector.shape_cast %get3A_2120 : vector<16xf32> to vector<16xf32>
    %get3A_2122 = arith.constant 464 : index
    %get3A_2123 = tpu.vector_load %arg12[%get3A_2122] {strides = array<i32>} : memref<512xf32, #tpu.memory_space<vmem>>, vector<16xf32>,
    %get3A_2124 = vector.shape_cast %get3A_2123 : vector<16xf32> to vector<16xf32>
    %get3A_2125 = arith.constant 464 : index
    %get3A_2126 = tpu.vector_load %arg13[%get3A_2125] {strides = array<i32>} : memref<512xf32, #tpu.memory_space<vmem>>, vector<16xf32>,
    %get3A_2127 = vector.shape_cast %get3A_2126 : vector<16xf32> to vector<16xf32>
    %mul3A_2128 = arith.mulf %get3A_2127, %get3A_2118 : vector<16xf32>
    %get3A_2129 = arith.constant 464 : index
    %get3A_2130 = tpu.vector_load %arg14[%get3A_2129] {strides = array<i32>} : memref<512xf32, #tpu.memory_space<vmem>>, vector<16xf32>,
    %get3A_2131 = vector.shape_cast %get3A_2130 : vector<16xf32> to vector<16xf32>
    %mul3A_2132 = arith.mulf %get3A_2131, %get3A_2121 : vector<16xf32>
    %add3A_2133 = arith.addf %mul3A_2128, %mul3A_2132 : vector<16xf32>
    %get3A_2134 = arith.constant 464 : index
    %get3A_2135 = tpu.vector_load %arg15[%get3A_2134] {strides = array<i32>} : memref<512xf32, #tpu.memory_space<vmem>>, vector<16xf32>,
    %get3A_2136 = vector.shape_cast %get3A_2135 : vector<16xf32> to vector<16xf32>
    %mul3A_2137 = arith.mulf %get3A_2136, %get3A_2124 : vector<16xf32>
    %add3A_2138 = arith.addf %add3A_2133, %mul3A_2137 : vector<16xf32>
    %mul3A_2139 = arith.mulf %get3A_2118, %get3A_2118 : vector<16xf32>
    %mul3A_2140 = arith.mulf %get3A_2121, %get3A_2121 : vector<16xf32>
    %add3A_2141 = arith.addf %mul3A_2139, %mul3A_2140 : vector<16xf32>
    %mul3A_2142 = arith.mulf %get3A_2124, %get3A_2124 : vector<16xf32>
    %add3A_2143 = arith.addf %add3A_2141, %mul3A_2142 : vector<16xf32>
    %bitcast_convert_type3A_2144 = tpu.bitcast %add3A_2143 : vector<16xf32> -> vector<16xi32>
    %shift_right_arithmetic3A_2145 = arith.constant 1 : i32
    %shift_right_arithmetic3A_2146 = vector.broadcast %shift_right_arithmetic3A_2145 : i32 to vector<16xi32>
    %shift_right_arithmetic3A_2147 = arith.shrsi %bitcast_convert_type3A_2144, %shift_right_arithmetic3A_2146 : vector<16xi32>
    %sub3A_2148 = arith.constant 1597463007 : i32
    %sub3A_2149 = vector.broadcast %sub3A_2148 : i32 to vector<16xi32>
    %sub3A_2150 = arith.subi %sub3A_2149, %shift_right_arithmetic3A_2147 : vector<16xi32>
    %bitcast_convert_type3A_2151 = tpu.bitcast %sub3A_2150 : vector<16xi32> -> vector<16xf32>
    %mul3A_2152 = arith.constant 5.000000e-01 : f32
    %mul3A_2153 = vector.broadcast %mul3A_2152 : f32 to vector<16xf32>
    %mul3A_2154 = arith.mulf %mul3A_2153, %add3A_2143 : vector<16xf32>
    %mul3A_2155 = arith.mulf %mul3A_2154, %bitcast_convert_type3A_2151 : vector<16xf32>
    %mul3A_2156 = arith.mulf %mul3A_2155, %bitcast_convert_type3A_2151 : vector<16xf32>
    %sub3A_2157 = arith.constant 1.500000e+00 : f32
    %sub3A_2158 = vector.broadcast %sub3A_2157 : f32 to vector<16xf32>
    %sub3A_2159 = arith.subf %sub3A_2158, %mul3A_2156 : vector<16xf32>
    %mul3A_2160 = arith.mulf %bitcast_convert_type3A_2151, %sub3A_2159 : vector<16xf32>
    %mul3A_2161 = arith.constant 5.000000e-01 : f32
    %mul3A_2162 = vector.broadcast %mul3A_2161 : f32 to vector<16xf32>
    %mul3A_2163 = arith.mulf %mul3A_2162, %add3A_2143 : vector<16xf32>
    %mul3A_2164 = arith.mulf %mul3A_2163, %mul3A_2160 : vector<16xf32>
    %mul3A_2165 = arith.mulf %mul3A_2164, %mul3A_2160 : vector<16xf32>
    %sub3A_2166 = arith.constant 1.500000e+00 : f32
    %sub3A_2167 = vector.broadcast %sub3A_2166 : f32 to vector<16xf32>
    %sub3A_2168 = arith.subf %sub3A_2167, %mul3A_2165 : vector<16xf32>
    %mul3A_2169 = arith.mulf %mul3A_2160, %sub3A_2168 : vector<16xf32>
    %mul3A_2170 = arith.constant 5.000000e-01 : f32
    %mul3A_2171 = vector.broadcast %mul3A_2170 : f32 to vector<16xf32>
    %mul3A_2172 = arith.mulf %mul3A_2171, %add3A_2143 : vector<16xf32>
    %mul3A_2173 = arith.mulf %mul3A_2172, %mul3A_2169 : vector<16xf32>
    %mul3A_2174 = arith.mulf %mul3A_2173, %mul3A_2169 : vector<16xf32>
    %sub3A_2175 = arith.constant 1.500000e+00 : f32
    %sub3A_2176 = vector.broadcast %sub3A_2175 : f32 to vector<16xf32>
    %sub3A_2177 = arith.subf %sub3A_2176, %mul3A_2174 : vector<16xf32>
    %mul3A_2178 = arith.mulf %mul3A_2169, %sub3A_2177 : vector<16xf32>
    %get3A_2179 = arith.constant 464 : index
    %get3A_2180 = tpu.vector_load %arg16[%get3A_2179] {strides = array<i32>} : memref<512xf32, #tpu.memory_space<vmem>>, vector<16xf32>,
    %get3A_2181 = vector.shape_cast %get3A_2180 : vector<16xf32> to vector<16xf32>
    %mul3A_2182 = arith.constant 1.000000e-01 : f32
    %mul3A_2183 = vector.broadcast %mul3A_2182 : f32 to vector<16xf32>
    %mul3A_2184 = arith.mulf %get3A_2181, %mul3A_2183 : vector<16xf32>
    %mul3A_2185 = arith.mulf %add3A_2138, %mul3A_2178 : vector<16xf32>
    %sub3A_2186 = arith.subf %mul3A_2184, %mul3A_2185 : vector<16xf32>
    %abs3A_2187 = math.absf %sub3A_2186 : vector<16xf32>
    %add3A_2188 = arith.addf %add3A_2115, %abs3A_2187 : vector<16xf32>
    %get3A_2189 = arith.constant 480 : index
    %get3A_2190 = tpu.vector_load %arg10[%get3A_2189] {strides = array<i32>} : memref<512xf32, #tpu.memory_space<vmem>>, vector<16xf32>,
    %get3A_2191 = vector.shape_cast %get3A_2190 : vector<16xf32> to vector<16xf32>
    %get3A_2192 = arith.constant 480 : index
    %get3A_2193 = tpu.vector_load %arg11[%get3A_2192] {strides = array<i32>} : memref<512xf32, #tpu.memory_space<vmem>>, vector<16xf32>,
    %get3A_2194 = vector.shape_cast %get3A_2193 : vector<16xf32> to vector<16xf32>
    %get3A_2195 = arith.constant 480 : index
    %get3A_2196 = tpu.vector_load %arg12[%get3A_2195] {strides = array<i32>} : memref<512xf32, #tpu.memory_space<vmem>>, vector<16xf32>,
    %get3A_2197 = vector.shape_cast %get3A_2196 : vector<16xf32> to vector<16xf32>
    %get3A_2198 = arith.constant 480 : index
    %get3A_2199 = tpu.vector_load %arg13[%get3A_2198] {strides = array<i32>} : memref<512xf32, #tpu.memory_space<vmem>>, vector<16xf32>,
    %get3A_2200 = vector.shape_cast %get3A_2199 : vector<16xf32> to vector<16xf32>
    %mul3A_2201 = arith.mulf %get3A_2200, %get3A_2191 : vector<16xf32>
    %get3A_2202 = arith.constant 480 : index
    %get3A_2203 = tpu.vector_load %arg14[%get3A_2202] {strides = array<i32>} : memref<512xf32, #tpu.memory_space<vmem>>, vector<16xf32>,
    %get3A_2204 = vector.shape_cast %get3A_2203 : vector<16xf32> to vector<16xf32>
    %mul3A_2205 = arith.mulf %get3A_2204, %get3A_2194 : vector<16xf32>
    %add3A_2206 = arith.addf %mul3A_2201, %mul3A_2205 : vector<16xf32>
    %get3A_2207 = arith.constant 480 : index
    %get3A_2208 = tpu.vector_load %arg15[%get3A_2207] {strides = array<i32>} : memref<512xf32, #tpu.memory_space<vmem>>, vector<16xf32>,
    %get3A_2209 = vector.shape_cast %get3A_2208 : vector<16xf32> to vector<16xf32>
    %mul3A_2210 = arith.mulf %get3A_2209, %get3A_2197 : vector<16xf32>
    %add3A_2211 = arith.addf %add3A_2206, %mul3A_2210 : vector<16xf32>
    %mul3A_2212 = arith.mulf %get3A_2191, %get3A_2191 : vector<16xf32>
    %mul3A_2213 = arith.mulf %get3A_2194, %get3A_2194 : vector<16xf32>
    %add3A_2214 = arith.addf %mul3A_2212, %mul3A_2213 : vector<16xf32>
    %mul3A_2215 = arith.mulf %get3A_2197, %get3A_2197 : vector<16xf32>
    %add3A_2216 = arith.addf %add3A_2214, %mul3A_2215 : vector<16xf32>
    %bitcast_convert_type3A_2217 = tpu.bitcast %add3A_2216 : vector<16xf32> -> vector<16xi32>
    %shift_right_arithmetic3A_2218 = arith.constant 1 : i32
    %shift_right_arithmetic3A_2219 = vector.broadcast %shift_right_arithmetic3A_2218 : i32 to vector<16xi32>
    %shift_right_arithmetic3A_2220 = arith.shrsi %bitcast_convert_type3A_2217, %shift_right_arithmetic3A_2219 : vector<16xi32>
    %sub3A_2221 = arith.constant 1597463007 : i32
    %sub3A_2222 = vector.broadcast %sub3A_2221 : i32 to vector<16xi32>
    %sub3A_2223 = arith.subi %sub3A_2222, %shift_right_arithmetic3A_2220 : vector<16xi32>
    %bitcast_convert_type3A_2224 = tpu.bitcast %sub3A_2223 : vector<16xi32> -> vector<16xf32>
    %mul3A_2225 = arith.constant 5.000000e-01 : f32
    %mul3A_2226 = vector.broadcast %mul3A_2225 : f32 to vector<16xf32>
    %mul3A_2227 = arith.mulf %mul3A_2226, %add3A_2216 : vector<16xf32>
    %mul3A_2228 = arith.mulf %mul3A_2227, %bitcast_convert_type3A_2224 : vector<16xf32>
    %mul3A_2229 = arith.mulf %mul3A_2228, %bitcast_convert_type3A_2224 : vector<16xf32>
    %sub3A_2230 = arith.constant 1.500000e+00 : f32
    %sub3A_2231 = vector.broadcast %sub3A_2230 : f32 to vector<16xf32>
    %sub3A_2232 = arith.subf %sub3A_2231, %mul3A_2229 : vector<16xf32>
    %mul3A_2233 = arith.mulf %bitcast_convert_type3A_2224, %sub3A_2232 : vector<16xf32>
    %mul3A_2234 = arith.constant 5.000000e-01 : f32
    %mul3A_2235 = vector.broadcast %mul3A_2234 : f32 to vector<16xf32>
    %mul3A_2236 = arith.mulf %mul3A_2235, %add3A_2216 : vector<16xf32>
    %mul3A_2237 = arith.mulf %mul3A_2236, %mul3A_2233 : vector<16xf32>
    %mul3A_2238 = arith.mulf %mul3A_2237, %mul3A_2233 : vector<16xf32>
    %sub3A_2239 = arith.constant 1.500000e+00 : f32
    %sub3A_2240 = vector.broadcast %sub3A_2239 : f32 to vector<16xf32>
    %sub3A_2241 = arith.subf %sub3A_2240, %mul3A_2238 : vector<16xf32>
    %mul3A_2242 = arith.mulf %mul3A_2233, %sub3A_2241 : vector<16xf32>
    %mul3A_2243 = arith.constant 5.000000e-01 : f32
    %mul3A_2244 = vector.broadcast %mul3A_2243 : f32 to vector<16xf32>
    %mul3A_2245 = arith.mulf %mul3A_2244, %add3A_2216 : vector<16xf32>
    %mul3A_2246 = arith.mulf %mul3A_2245, %mul3A_2242 : vector<16xf32>
    %mul3A_2247 = arith.mulf %mul3A_2246, %mul3A_2242 : vector<16xf32>
    %sub3A_2248 = arith.constant 1.500000e+00 : f32
    %sub3A_2249 = vector.broadcast %sub3A_2248 : f32 to vector<16xf32>
    %sub3A_2250 = arith.subf %sub3A_2249, %mul3A_2247 : vector<16xf32>
    %mul3A_2251 = arith.mulf %mul3A_2242, %sub3A_2250 : vector<16xf32>
    %get3A_2252 = arith.constant 480 : index
    %get3A_2253 = tpu.vector_load %arg16[%get3A_2252] {strides = array<i32>} : memref<512xf32, #tpu.memory_space<vmem>>, vector<16xf32>,
    %get3A_2254 = vector.shape_cast %get3A_2253 : vector<16xf32> to vector<16xf32>
    %mul3A_2255 = arith.constant 1.000000e-01 : f32
    %mul3A_2256 = vector.broadcast %mul3A_2255 : f32 to vector<16xf32>
    %mul3A_2257 = arith.mulf %get3A_2254, %mul3A_2256 : vector<16xf32>
    %mul3A_2258 = arith.mulf %add3A_2211, %mul3A_2251 : vector<16xf32>
    %sub3A_2259 = arith.subf %mul3A_2257, %mul3A_2258 : vector<16xf32>
    %abs3A_2260 = math.absf %sub3A_2259 : vector<16xf32>
    %add3A_2261 = arith.addf %add3A_2188, %abs3A_2260 : vector<16xf32>
    %get3A_2262 = arith.constant 496 : index
    %get3A_2263 = tpu.vector_load %arg10[%get3A_2262] {strides = array<i32>} : memref<512xf32, #tpu.memory_space<vmem>>, vector<16xf32>,
    %get3A_2264 = vector.shape_cast %get3A_2263 : vector<16xf32> to vector<16xf32>
    %get3A_2265 = arith.constant 496 : index
    %get3A_2266 = tpu.vector_load %arg11[%get3A_2265] {strides = array<i32>} : memref<512xf32, #tpu.memory_space<vmem>>, vector<16xf32>,
    %get3A_2267 = vector.shape_cast %get3A_2266 : vector<16xf32> to vector<16xf32>
    %get3A_2268 = arith.constant 496 : index
    %get3A_2269 = tpu.vector_load %arg12[%get3A_2268] {strides = array<i32>} : memref<512xf32, #tpu.memory_space<vmem>>, vector<16xf32>,
    %get3A_2270 = vector.shape_cast %get3A_2269 : vector<16xf32> to vector<16xf32>
    %get3A_2271 = arith.constant 496 : index
    %get3A_2272 = tpu.vector_load %arg13[%get3A_2271] {strides = array<i32>} : memref<512xf32, #tpu.memory_space<vmem>>, vector<16xf32>,
    %get3A_2273 = vector.shape_cast %get3A_2272 : vector<16xf32> to vector<16xf32>
    %mul3A_2274 = arith.mulf %get3A_2273, %get3A_2264 : vector<16xf32>
    %get3A_2275 = arith.constant 496 : index
    %get3A_2276 = tpu.vector_load %arg14[%get3A_2275] {strides = array<i32>} : memref<512xf32, #tpu.memory_space<vmem>>, vector<16xf32>,
    %get3A_2277 = vector.shape_cast %get3A_2276 : vector<16xf32> to vector<16xf32>
    %mul3A_2278 = arith.mulf %get3A_2277, %get3A_2267 : vector<16xf32>
    %add3A_2279 = arith.addf %mul3A_2274, %mul3A_2278 : vector<16xf32>
    %get3A_2280 = arith.constant 496 : index
    %get3A_2281 = tpu.vector_load %arg15[%get3A_2280] {strides = array<i32>} : memref<512xf32, #tpu.memory_space<vmem>>, vector<16xf32>,
    %get3A_2282 = vector.shape_cast %get3A_2281 : vector<16xf32> to vector<16xf32>
    %mul3A_2283 = arith.mulf %get3A_2282, %get3A_2270 : vector<16xf32>
    %add3A_2284 = arith.addf %add3A_2279, %mul3A_2283 : vector<16xf32>
    %mul3A_2285 = arith.mulf %get3A_2264, %get3A_2264 : vector<16xf32>
    %mul3A_2286 = arith.mulf %get3A_2267, %get3A_2267 : vector<16xf32>
    %add3A_2287 = arith.addf %mul3A_2285, %mul3A_2286 : vector<16xf32>
    %mul3A_2288 = arith.mulf %get3A_2270, %get3A_2270 : vector<16xf32>
    %add3A_2289 = arith.addf %add3A_2287, %mul3A_2288 : vector<16xf32>
    %bitcast_convert_type3A_2290 = tpu.bitcast %add3A_2289 : vector<16xf32> -> vector<16xi32>
    %shift_right_arithmetic3A_2291 = arith.constant 1 : i32
    %shift_right_arithmetic3A_2292 = vector.broadcast %shift_right_arithmetic3A_2291 : i32 to vector<16xi32>
    %shift_right_arithmetic3A_2293 = arith.shrsi %bitcast_convert_type3A_2290, %shift_right_arithmetic3A_2292 : vector<16xi32>
    %sub3A_2294 = arith.constant 1597463007 : i32
    %sub3A_2295 = vector.broadcast %sub3A_2294 : i32 to vector<16xi32>
    %sub3A_2296 = arith.subi %sub3A_2295, %shift_right_arithmetic3A_2293 : vector<16xi32>
    %bitcast_convert_type3A_2297 = tpu.bitcast %sub3A_2296 : vector<16xi32> -> vector<16xf32>
    %mul3A_2298 = arith.constant 5.000000e-01 : f32
    %mul3A_2299 = vector.broadcast %mul3A_2298 : f32 to vector<16xf32>
    %mul3A_2300 = arith.mulf %mul3A_2299, %add3A_2289 : vector<16xf32>
    %mul3A_2301 = arith.mulf %mul3A_2300, %bitcast_convert_type3A_2297 : vector<16xf32>
    %mul3A_2302 = arith.mulf %mul3A_2301, %bitcast_convert_type3A_2297 : vector<16xf32>
    %sub3A_2303 = arith.constant 1.500000e+00 : f32
    %sub3A_2304 = vector.broadcast %sub3A_2303 : f32 to vector<16xf32>
    %sub3A_2305 = arith.subf %sub3A_2304, %mul3A_2302 : vector<16xf32>
    %mul3A_2306 = arith.mulf %bitcast_convert_type3A_2297, %sub3A_2305 : vector<16xf32>
    %mul3A_2307 = arith.constant 5.000000e-01 : f32
    %mul3A_2308 = vector.broadcast %mul3A_2307 : f32 to vector<16xf32>
    %mul3A_2309 = arith.mulf %mul3A_2308, %add3A_2289 : vector<16xf32>
    %mul3A_2310 = arith.mulf %mul3A_2309, %mul3A_2306 : vector<16xf32>
    %mul3A_2311 = arith.mulf %mul3A_2310, %mul3A_2306 : vector<16xf32>
    %sub3A_2312 = arith.constant 1.500000e+00 : f32
    %sub3A_2313 = vector.broadcast %sub3A_2312 : f32 to vector<16xf32>
    %sub3A_2314 = arith.subf %sub3A_2313, %mul3A_2311 : vector<16xf32>
    %mul3A_2315 = arith.mulf %mul3A_2306, %sub3A_2314 : vector<16xf32>
    %mul3A_2316 = arith.constant 5.000000e-01 : f32
    %mul3A_2317 = vector.broadcast %mul3A_2316 : f32 to vector<16xf32>
    %mul3A_2318 = arith.mulf %mul3A_2317, %add3A_2289 : vector<16xf32>
    %mul3A_2319 = arith.mulf %mul3A_2318, %mul3A_2315 : vector<16xf32>
    %mul3A_2320 = arith.mulf %mul3A_2319, %mul3A_2315 : vector<16xf32>
    %sub3A_2321 = arith.constant 1.500000e+00 : f32
    %sub3A_2322 = vector.broadcast %sub3A_2321 : f32 to vector<16xf32>
    %sub3A_2323 = arith.subf %sub3A_2322, %mul3A_2320 : vector<16xf32>
    %mul3A_2324 = arith.mulf %mul3A_2315, %sub3A_2323 : vector<16xf32>
    %get3A_2325 = arith.constant 496 : index
    %get3A_2326 = tpu.vector_load %arg16[%get3A_2325] {strides = array<i32>} : memref<512xf32, #tpu.memory_space<vmem>>, vector<16xf32>,
    %get3A_2327 = vector.shape_cast %get3A_2326 : vector<16xf32> to vector<16xf32>
    %mul3A_2328 = arith.constant 1.000000e-01 : f32
    %mul3A_2329 = vector.broadcast %mul3A_2328 : f32 to vector<16xf32>
    %mul3A_2330 = arith.mulf %get3A_2327, %mul3A_2329 : vector<16xf32>
    %mul3A_2331 = arith.mulf %add3A_2284, %mul3A_2324 : vector<16xf32>
    %sub3A_2332 = arith.subf %mul3A_2330, %mul3A_2331 : vector<16xf32>
    %abs3A_2333 = math.absf %sub3A_2332 : vector<16xf32>
    %add3A_2334 = arith.addf %add3A_2261, %abs3A_2333 : vector<16xf32>
    %swap3A = arith.constant 0 : index
    %swap3A_2335 = tpu.vector_load %arg17[%swap3A] {strides = array<i32>} : memref<16xf32, #tpu.memory_space<vmem>>, vector<16xf32>,
    %swap3A_2336 = vector.shape_cast %swap3A_2335 : vector<16xf32> to vector<16xf32>
    %swap3A_2337 = vector.shape_cast %add3A_2334 : vector<16xf32> to vector<16xf32>
    tpu.vector_store %arg17[%swap3A], %swap3A_2337 {strides = array<i32>} : memref<16xf32, #tpu.memory_space<vmem>>, vector<16xf32>,
    %mul3A_2338 = arith.constant 16 : i32
    %mul3A_2339 = arith.muli %add3A, %mul3A_2338 : i32
    "tpu.region"() ({
      %run_scoped3A = tpu.sem_alloc : memref<!tpu.dma_semaphore, #tpu.memory_space<semaphore_mem>>
      %dma_start3A = tpu.memref_slice %arg9[%mul3A_2339] : memref<512xf32, #tpu.memory_space<hbm>> -> memref<16xf32, #tpu.memory_space<hbm>>
      %dma_start3A_2340 = tpu.memref_slice %arg9[%mul3A_2339] : memref<512xf32, #tpu.memory_space<hbm>> -> memref<16xf32, #tpu.memory_space<hbm>>
      tpu.enqueue_dma source(%arg17 : memref<16xf32, #tpu.memory_space<vmem>>) target(%dma_start3A_2340 : memref<16xf32, #tpu.memory_space<hbm>>) target_semaphore(%run_scoped3A : memref<!tpu.dma_semaphore, #tpu.memory_space<semaphore_mem>>)
      %dma_wait3A = tpu.memref_slice %arg9[%mul3A_2339] : memref<512xf32, #tpu.memory_space<hbm>> -> memref<16xf32, #tpu.memory_space<hbm>>
      %dma_wait3A_2341 = tpu.memref_slice %arg9[%mul3A_2339] : memref<512xf32, #tpu.memory_space<hbm>> -> memref<16xf32, #tpu.memory_space<hbm>>
      tpu.wait_dma2 semaphore(%run_scoped3A : memref<!tpu.dma_semaphore, #tpu.memory_space<semaphore_mem>>) src(%arg17 : memref<16xf32, #tpu.memory_space<vmem>>) dst(%dma_wait3A_2341 : memref<16xf32, #tpu.memory_space<hbm>>)
      tpu.yield
    }) : () -> ()
    return
  }
}

module attributes {stable_mosaic.version = 14 : i64} {
  func.func @_loss_kernel(%arg0: i32, %arg1: i32, %arg2: memref<1x3x2048xf32, #tpu.memory_space<vmem>>, %arg3: memref<1x3x2048xf32, #tpu.memory_space<vmem>>, %arg4: memref<1x3x2048xf32, #tpu.memory_space<vmem>>, %arg5: memref<1x2048x3xf32, #tpu.memory_space<vmem>>, %arg6: memref<1x2048x3xf32, #tpu.memory_space<vmem>>, %arg7: memref<1x1xf32, #tpu.memory_space<smem>>, %arg8: memref<1x2048xf32, #tpu.memory_space<vmem>>, %arg9: memref<1x2048xf32, #tpu.memory_space<vmem>>, %arg10: memref<2xf32, #tpu.memory_space<smem>>) attributes {dimension_semantics = [#tpu.dimension_semantics<arbitrary>, #tpu.dimension_semantics<arbitrary>], iteration_bounds = array<i64: 8, 8>, scalar_prefetch = 0 : i64, scratch_operands = 3 : i64, tpu.core_type = #tpu.core_type<tc>, window_params = [{transform_indices = @transform_0, window_bounds = array<i64: 1, 3, 2048>}, {transform_indices = @transform_1, window_bounds = array<i64: 1, 3, 2048>}, {transform_indices = @transform_2, window_bounds = array<i64: 1, 3, 2048>}, {transform_indices = @transform_3, window_bounds = array<i64: 1, 2048, 3>}, {transform_indices = @transform_4, window_bounds = array<i64: 1, 2048, 3>}, {transform_indices = @transform_5, window_bounds = array<i64: 1, 1>}]} {
    %eq3A = arith.constant 0 : i32
    %eq3A_0 = arith.cmpi eq, %arg0, %eq3A : i32
    %eq3A_1 = arith.constant 0 : i32
    %eq3A_2 = arith.cmpi eq, %arg1, %eq3A_1 : i32
    %and3A = arith.andi %eq3A_0, %eq3A_2 : i1
    %convert_element_type3A = arith.extui %and3A : i1 to i32
    %cond3A = arith.constant 0 : i32
    %cond3A_3 = arith.cmpi ne, %convert_element_type3A, %cond3A : i32
    scf.if %cond3A_3 {
      %swap3A_265 = arith.constant 0.000000e+00 : f32
      %swap3A_266 = arith.constant 0 : index
      %swap3A_267 = arith.constant 0 : index
      %swap3A_268 = memref.load %arg7[%swap3A_266, %swap3A_267] : memref<1x1xf32, #tpu.memory_space<smem>>
      memref.store %swap3A_265, %arg7[%swap3A_266, %swap3A_267] : memref<1x1xf32, #tpu.memory_space<smem>>
    } else {
    }
    %get3A = arith.constant 0 : index
    %get3A_4 = arith.constant 0 : index
    %get3A_5 = arith.constant 0 : index
    %get3A_6 = vector.load %arg2[%get3A, %get3A_4, %get3A_5] : memref<1x3x2048xf32, #tpu.memory_space<vmem>>, vector<1x3x2048xf32>
    %get3A_7 = vector.shape_cast %get3A_6 : vector<1x3x2048xf32> to vector<3x2048xf32>
    %get3A_8 = arith.constant 0 : index
    %get3A_9 = arith.constant 0 : index
    %get3A_10 = arith.constant 0 : index
    %get3A_11 = vector.load %arg3[%get3A_8, %get3A_9, %get3A_10] : memref<1x3x2048xf32, #tpu.memory_space<vmem>>, vector<1x3x2048xf32>
    %get3A_12 = vector.shape_cast %get3A_11 : vector<1x3x2048xf32> to vector<3x2048xf32>
    %get3A_13 = arith.constant 0 : index
    %get3A_14 = arith.constant 0 : index
    %get3A_15 = arith.constant 0 : index
    %get3A_16 = vector.load %arg4[%get3A_13, %get3A_14, %get3A_15] : memref<1x3x2048xf32, #tpu.memory_space<vmem>>, vector<1x3x2048xf32>
    %get3A_17 = vector.shape_cast %get3A_16 : vector<1x3x2048xf32> to vector<3x2048xf32>
    %mul3A = arith.constant 256 : i32
    %mul3A_18 = arith.muli %arg1, %mul3A : i32
    %get3A_19 = arith.constant 0 : index
    %get3A_20 = arith.index_cast %mul3A_18 : i32 to index
    %get3A_21 = arith.constant 0 : index
    %get3A_22 = vector.load %arg5[%get3A_19, %get3A_20, %get3A_21] : memref<1x2048x3xf32, #tpu.memory_space<vmem>>, vector<1x256x3xf32>
    %get3A_23 = vector.shape_cast %get3A_22 : vector<1x256x3xf32> to vector<256x3xf32>
    %mul3A_24 = arith.constant 256 : i32
    %mul3A_25 = arith.muli %arg1, %mul3A_24 : i32
    %get3A_26 = arith.constant 0 : index
    %get3A_27 = arith.index_cast %mul3A_25 : i32 to index
    %get3A_28 = arith.constant 0 : index
    %get3A_29 = vector.load %arg6[%get3A_26, %get3A_27, %get3A_28] : memref<1x2048x3xf32, #tpu.memory_space<vmem>>, vector<1x256x3xf32>
    %get3A_30 = vector.shape_cast %get3A_29 : vector<1x256x3xf32> to vector<256x3xf32>
    %eq3A_31 = arith.constant 0 : i32
    %eq3A_32 = arith.cmpi eq, %arg1, %eq3A_31 : i32
    %convert_element_type3A_33 = arith.extui %eq3A_32 : i1 to i32
    %cond3A_34 = arith.constant 0 : i32
    %cond3A_35 = arith.cmpi ne, %convert_element_type3A_33, %cond3A_34 : i32
    scf.if %cond3A_35 {
      %swap3A_265 = arith.constant 0.000000e+00 : f32
      %swap3A_266 = arith.constant 0 : index
      %swap3A_267 = memref.load %arg10[%swap3A_266] : memref<2xf32, #tpu.memory_space<smem>>
      memref.store %swap3A_265, %arg10[%swap3A_266] : memref<2xf32, #tpu.memory_space<smem>>
      %swap3A_268 = arith.constant 0.000000e+00 : f32
      %swap3A_269 = arith.constant 1 : index
      %swap3A_270 = memref.load %arg10[%swap3A_269] : memref<2xf32, #tpu.memory_space<smem>>
      memref.store %swap3A_268, %arg10[%swap3A_269] : memref<2xf32, #tpu.memory_space<smem>>
    } else {
    }
    %slice3A = vector.extract_strided_slice %get3A_23 {offsets = [0, 0], sizes = [256, 1], strides = [1, 1]} : vector<256x3xf32> to vector<256x1xf32>
    %slice3A_36 = vector.extract_strided_slice %get3A_12 {offsets = [0, 0], sizes = [1, 2048], strides = [1, 1]} : vector<3x2048xf32> to vector<1x2048xf32>
    %sub3A = vector.broadcast %slice3A : vector<256x1xf32> to vector<256x2048xf32>
    %sub3A_37 = vector.broadcast %slice3A_36 : vector<1x2048xf32> to vector<256x2048xf32>
    %sub3A_38 = arith.subf %sub3A, %sub3A_37 : vector<256x2048xf32>
    %mul3A_39 = arith.mulf %sub3A_38, %sub3A_38 : vector<256x2048xf32>
    %slice3A_40 = vector.extract_strided_slice %get3A_23 {offsets = [0, 1], sizes = [256, 1], strides = [1, 1]} : vector<256x3xf32> to vector<256x1xf32>
    %slice3A_41 = vector.extract_strided_slice %get3A_12 {offsets = [1, 0], sizes = [1, 2048], strides = [1, 1]} : vector<3x2048xf32> to vector<1x2048xf32>
    %sub3A_42 = vector.broadcast %slice3A_40 : vector<256x1xf32> to vector<256x2048xf32>
    %sub3A_43 = vector.broadcast %slice3A_41 : vector<1x2048xf32> to vector<256x2048xf32>
    %sub3A_44 = arith.subf %sub3A_42, %sub3A_43 : vector<256x2048xf32>
    %mul3A_45 = arith.mulf %sub3A_44, %sub3A_44 : vector<256x2048xf32>
    %add3A = arith.addf %mul3A_39, %mul3A_45 : vector<256x2048xf32>
    %slice3A_46 = vector.extract_strided_slice %get3A_23 {offsets = [0, 2], sizes = [256, 1], strides = [1, 1]} : vector<256x3xf32> to vector<256x1xf32>
    %slice3A_47 = vector.extract_strided_slice %get3A_12 {offsets = [2, 0], sizes = [1, 2048], strides = [1, 1]} : vector<3x2048xf32> to vector<1x2048xf32>
    %sub3A_48 = vector.broadcast %slice3A_46 : vector<256x1xf32> to vector<256x2048xf32>
    %sub3A_49 = vector.broadcast %slice3A_47 : vector<1x2048xf32> to vector<256x2048xf32>
    %sub3A_50 = arith.subf %sub3A_48, %sub3A_49 : vector<256x2048xf32>
    %mul3A_51 = arith.mulf %sub3A_50, %sub3A_50 : vector<256x2048xf32>
    %add3A_52 = arith.addf %add3A, %mul3A_51 : vector<256x2048xf32>
    %mul3A_53 = arith.constant -5.000000e-01 : f32
    %mul3A_54 = vector.broadcast %mul3A_53 : f32 to vector<256x2048xf32>
    %mul3A_55 = arith.mulf %add3A_52, %mul3A_54 : vector<256x2048xf32>
    %exp3A = math.exp %mul3A_55 : vector<256x2048xf32>
    %reduce_sum3A = arith.constant dense<0.000000e+00> : vector<256xf32>
    %reduce_sum3A_56 = vector.multi_reduction <add>, %exp3A, %reduce_sum3A [1] : vector<256x2048xf32> to vector<256xf32>
    %broadcast_in_dim3A = vector.shape_cast %reduce_sum3A_56 : vector<256xf32> to vector<256x1xf32>
    %reduce_sum3A_57 = arith.constant dense<0.000000e+00> : vector<2048xf32>
    %reduce_sum3A_58 = vector.multi_reduction <add>, %exp3A, %reduce_sum3A_57 [0] : vector<256x2048xf32> to vector<2048xf32>
    %broadcast_in_dim3A_59 = vector.shape_cast %reduce_sum3A_58 : vector<2048xf32> to vector<1x2048xf32>
    %add3A_60 = arith.addf %get3A_23, %get3A_30 : vector<256x3xf32>
    %slice3A_61 = vector.extract_strided_slice %add3A_60 {offsets = [0, 0], sizes = [256, 1], strides = [1, 1]} : vector<256x3xf32> to vector<256x1xf32>
    %slice3A_62 = vector.extract_strided_slice %get3A_12 {offsets = [0, 0], sizes = [1, 2048], strides = [1, 1]} : vector<3x2048xf32> to vector<1x2048xf32>
    %sub3A_63 = vector.broadcast %slice3A_61 : vector<256x1xf32> to vector<256x2048xf32>
    %sub3A_64 = vector.broadcast %slice3A_62 : vector<1x2048xf32> to vector<256x2048xf32>
    %sub3A_65 = arith.subf %sub3A_63, %sub3A_64 : vector<256x2048xf32>
    %mul3A_66 = arith.mulf %sub3A_65, %sub3A_65 : vector<256x2048xf32>
    %slice3A_67 = vector.extract_strided_slice %add3A_60 {offsets = [0, 1], sizes = [256, 1], strides = [1, 1]} : vector<256x3xf32> to vector<256x1xf32>
    %slice3A_68 = vector.extract_strided_slice %get3A_12 {offsets = [1, 0], sizes = [1, 2048], strides = [1, 1]} : vector<3x2048xf32> to vector<1x2048xf32>
    %sub3A_69 = vector.broadcast %slice3A_67 : vector<256x1xf32> to vector<256x2048xf32>
    %sub3A_70 = vector.broadcast %slice3A_68 : vector<1x2048xf32> to vector<256x2048xf32>
    %sub3A_71 = arith.subf %sub3A_69, %sub3A_70 : vector<256x2048xf32>
    %mul3A_72 = arith.mulf %sub3A_71, %sub3A_71 : vector<256x2048xf32>
    %add3A_73 = arith.addf %mul3A_66, %mul3A_72 : vector<256x2048xf32>
    %slice3A_74 = vector.extract_strided_slice %add3A_60 {offsets = [0, 2], sizes = [256, 1], strides = [1, 1]} : vector<256x3xf32> to vector<256x1xf32>
    %slice3A_75 = vector.extract_strided_slice %get3A_12 {offsets = [2, 0], sizes = [1, 2048], strides = [1, 1]} : vector<3x2048xf32> to vector<1x2048xf32>
    %sub3A_76 = vector.broadcast %slice3A_74 : vector<256x1xf32> to vector<256x2048xf32>
    %sub3A_77 = vector.broadcast %slice3A_75 : vector<1x2048xf32> to vector<256x2048xf32>
    %sub3A_78 = arith.subf %sub3A_76, %sub3A_77 : vector<256x2048xf32>
    %mul3A_79 = arith.mulf %sub3A_78, %sub3A_78 : vector<256x2048xf32>
    %add3A_80 = arith.addf %add3A_73, %mul3A_79 : vector<256x2048xf32>
    %reduce_min3A = arith.constant dense<0x7F800000> : vector<256xf32>
    %reduce_min3A_81 = vector.multi_reduction <minimumf>, %add3A_80, %reduce_min3A [1] : vector<256x2048xf32> to vector<256xf32>
    %broadcast_in_dim3A_82 = vector.shape_cast %reduce_min3A_81 : vector<256xf32> to vector<256x1xf32>
    %reduce_min3A_83 = arith.constant dense<0x7F800000> : vector<2048xf32>
    %reduce_min3A_84 = vector.multi_reduction <minimumf>, %add3A_80, %reduce_min3A_83 [0] : vector<256x2048xf32> to vector<2048xf32>
    %broadcast_in_dim3A_85 = vector.shape_cast %reduce_min3A_84 : vector<2048xf32> to vector<1x2048xf32>
    %eq3A_86 = arith.constant 0 : i32
    %eq3A_87 = arith.cmpi eq, %arg1, %eq3A_86 : i32
    %convert_element_type3A_88 = arith.extui %eq3A_87 : i1 to i32
    %cond3A_89 = arith.constant 0 : i32
    %cond3A_90 = arith.cmpi ne, %convert_element_type3A_88, %cond3A_89 : i32
    scf.if %cond3A_90 {
      %swap3A_265 = arith.constant 0 : index
      %swap3A_266 = arith.constant 0 : index
      %swap3A_267 = vector.load %arg8[%swap3A_265, %swap3A_266] : memref<1x2048xf32, #tpu.memory_space<vmem>>, vector<1x2048xf32>
      tpu.vector_store %arg8[%swap3A_265, %swap3A_266], %broadcast_in_dim3A_85 {strides = array<i32>} : memref<1x2048xf32, #tpu.memory_space<vmem>>, vector<1x2048xf32>,
      %swap3A_268 = arith.constant 0 : index
      %swap3A_269 = arith.constant 0 : index
      %swap3A_270 = vector.load %arg9[%swap3A_268, %swap3A_269] : memref<1x2048xf32, #tpu.memory_space<vmem>>, vector<1x2048xf32>
      tpu.vector_store %arg9[%swap3A_268, %swap3A_269], %broadcast_in_dim3A_59 {strides = array<i32>} : memref<1x2048xf32, #tpu.memory_space<vmem>>, vector<1x2048xf32>,
    } else {
    }
    %gt3A = arith.constant 0 : i32
    %gt3A_91 = arith.cmpi sgt, %arg1, %gt3A : i32
    %convert_element_type3A_92 = arith.extui %gt3A_91 : i1 to i32
    %cond3A_93 = arith.constant 0 : i32
    %cond3A_94 = arith.cmpi ne, %convert_element_type3A_92, %cond3A_93 : i32
    scf.if %cond3A_94 {
      %get3A_265 = arith.constant 0 : index
      %get3A_266 = arith.constant 0 : index
      %get3A_267 = vector.load %arg8[%get3A_265, %get3A_266] : memref<1x2048xf32, #tpu.memory_space<vmem>>, vector<1x2048xf32>
      %min3A = arith.minimumf %get3A_267, %broadcast_in_dim3A_85 : vector<1x2048xf32>
      %swap3A_268 = arith.constant 0 : index
      %swap3A_269 = arith.constant 0 : index
      %swap3A_270 = vector.load %arg8[%swap3A_268, %swap3A_269] : memref<1x2048xf32, #tpu.memory_space<vmem>>, vector<1x2048xf32>
      tpu.vector_store %arg8[%swap3A_268, %swap3A_269], %min3A {strides = array<i32>} : memref<1x2048xf32, #tpu.memory_space<vmem>>, vector<1x2048xf32>,
      %get3A_271 = arith.constant 0 : index
      %get3A_272 = arith.constant 0 : index
      %get3A_273 = vector.load %arg9[%get3A_271, %get3A_272] : memref<1x2048xf32, #tpu.memory_space<vmem>>, vector<1x2048xf32>
      %add3A_274 = arith.addf %get3A_273, %broadcast_in_dim3A_59 : vector<1x2048xf32>
      %swap3A_275 = arith.constant 0 : index
      %swap3A_276 = arith.constant 0 : index
      %swap3A_277 = vector.load %arg9[%swap3A_275, %swap3A_276] : memref<1x2048xf32, #tpu.memory_space<vmem>>, vector<1x2048xf32>
      tpu.vector_store %arg9[%swap3A_275, %swap3A_276], %add3A_274 {strides = array<i32>} : memref<1x2048xf32, #tpu.memory_space<vmem>>, vector<1x2048xf32>,
    } else {
    }
    %gt3A_95 = arith.constant 2.560000e+01 : f32
    %gt3A_96 = vector.broadcast %gt3A_95 : f32 to vector<256x1xf32>
    %gt3A_97 = arith.cmpf ogt, %broadcast_in_dim3A, %gt3A_96 : vector<256x1xf32>
    %sub3A_98 = arith.constant 0.00999999977 : f32
    %sub3A_99 = vector.broadcast %sub3A_98 : f32 to vector<256x1xf32>
    %sub3A_100 = arith.subf %broadcast_in_dim3A_82, %sub3A_99 : vector<256x1xf32>
    %max3A = arith.constant 0.000000e+00 : f32
    %max3A_101 = vector.broadcast %max3A : f32 to vector<256x1xf32>
    %max3A_102 = arith.maximumf %sub3A_100, %max3A_101 : vector<256x1xf32>
    %jit3A = arith.constant 0.000000e+00 : f32
    %broadcast_in_dim3A_103 = vector.broadcast %jit3A : f32 to vector<256x1xf32>
    %select_n3A = arith.select %gt3A_97, %max3A_102, %broadcast_in_dim3A_103 : vector<256x1xi1>, vector<256x1xf32>
    %reduce_sum3A_104 = vector.shape_cast %select_n3A : vector<256x1xf32> to vector<1x256x1xf32>
    %reduce_sum3A_105 = arith.constant dense<0.000000e+00> : vector<1xf32>
    %reduce_sum3A_106 = vector.multi_reduction <add>, %reduce_sum3A_104, %reduce_sum3A_105 [1, 2] : vector<1x256x1xf32> to vector<1xf32>
    %reduce_sum3A_107 = vector.shape_cast %reduce_sum3A_106 : vector<1xf32> to vector<1x1x1xf32>
    %reduce_sum3A_108 = vector.extract %reduce_sum3A_107[0, 0, 0] : f32 from vector<1x1x1xf32>
    %get3A_109 = arith.constant 0 : index
    %get3A_110 = arith.constant 0 : index
    %get3A_111 = memref.load %arg7[%get3A_109, %get3A_110] : memref<1x1xf32, #tpu.memory_space<smem>>
    %mul3A_112 = arith.constant 6.10351563E-5 : f32
    %mul3A_113 = arith.mulf %mul3A_112, %reduce_sum3A_108 : f32
    %add3A_114 = arith.addf %get3A_111, %mul3A_113 : f32
    %swap3A = arith.constant 0 : index
    %swap3A_115 = arith.constant 0 : index
    %swap3A_116 = memref.load %arg7[%swap3A, %swap3A_115] : memref<1x1xf32, #tpu.memory_space<smem>>
    memref.store %add3A_114, %arg7[%swap3A, %swap3A_115] : memref<1x1xf32, #tpu.memory_space<smem>>
    %slice3A_117 = vector.extract_strided_slice %get3A_23 {offsets = [0, 0], sizes = [256, 1], strides = [1, 1]} : vector<256x3xf32> to vector<256x1xf32>
    %slice3A_118 = vector.extract_strided_slice %get3A_7 {offsets = [0, 0], sizes = [1, 2048], strides = [1, 1]} : vector<3x2048xf32> to vector<1x2048xf32>
    %sub3A_119 = vector.broadcast %slice3A_117 : vector<256x1xf32> to vector<256x2048xf32>
    %sub3A_120 = vector.broadcast %slice3A_118 : vector<1x2048xf32> to vector<256x2048xf32>
    %sub3A_121 = arith.subf %sub3A_119, %sub3A_120 : vector<256x2048xf32>
    %mul3A_122 = arith.mulf %sub3A_121, %sub3A_121 : vector<256x2048xf32>
    %slice3A_123 = vector.extract_strided_slice %get3A_23 {offsets = [0, 1], sizes = [256, 1], strides = [1, 1]} : vector<256x3xf32> to vector<256x1xf32>
    %slice3A_124 = vector.extract_strided_slice %get3A_7 {offsets = [1, 0], sizes = [1, 2048], strides = [1, 1]} : vector<3x2048xf32> to vector<1x2048xf32>
    %sub3A_125 = vector.broadcast %slice3A_123 : vector<256x1xf32> to vector<256x2048xf32>
    %sub3A_126 = vector.broadcast %slice3A_124 : vector<1x2048xf32> to vector<256x2048xf32>
    %sub3A_127 = arith.subf %sub3A_125, %sub3A_126 : vector<256x2048xf32>
    %mul3A_128 = arith.mulf %sub3A_127, %sub3A_127 : vector<256x2048xf32>
    %add3A_129 = arith.addf %mul3A_122, %mul3A_128 : vector<256x2048xf32>
    %slice3A_130 = vector.extract_strided_slice %get3A_23 {offsets = [0, 2], sizes = [256, 1], strides = [1, 1]} : vector<256x3xf32> to vector<256x1xf32>
    %slice3A_131 = vector.extract_strided_slice %get3A_7 {offsets = [2, 0], sizes = [1, 2048], strides = [1, 1]} : vector<3x2048xf32> to vector<1x2048xf32>
    %sub3A_132 = vector.broadcast %slice3A_130 : vector<256x1xf32> to vector<256x2048xf32>
    %sub3A_133 = vector.broadcast %slice3A_131 : vector<1x2048xf32> to vector<256x2048xf32>
    %sub3A_134 = arith.subf %sub3A_132, %sub3A_133 : vector<256x2048xf32>
    %mul3A_135 = arith.mulf %sub3A_134, %sub3A_134 : vector<256x2048xf32>
    %add3A_136 = arith.addf %add3A_129, %mul3A_135 : vector<256x2048xf32>
    %slice3A_137 = vector.extract_strided_slice %get3A_30 {offsets = [0, 0], sizes = [256, 1], strides = [1, 1]} : vector<256x3xf32> to vector<256x1xf32>
    %slice3A_138 = vector.extract_strided_slice %get3A_17 {offsets = [0, 0], sizes = [1, 2048], strides = [1, 1]} : vector<3x2048xf32> to vector<1x2048xf32>
    %sub3A_139 = vector.broadcast %slice3A_137 : vector<256x1xf32> to vector<256x2048xf32>
    %sub3A_140 = vector.broadcast %slice3A_138 : vector<1x2048xf32> to vector<256x2048xf32>
    %sub3A_141 = arith.subf %sub3A_139, %sub3A_140 : vector<256x2048xf32>
    %mul3A_142 = arith.mulf %sub3A_141, %sub3A_141 : vector<256x2048xf32>
    %slice3A_143 = vector.extract_strided_slice %get3A_30 {offsets = [0, 1], sizes = [256, 1], strides = [1, 1]} : vector<256x3xf32> to vector<256x1xf32>
    %slice3A_144 = vector.extract_strided_slice %get3A_17 {offsets = [1, 0], sizes = [1, 2048], strides = [1, 1]} : vector<3x2048xf32> to vector<1x2048xf32>
    %sub3A_145 = vector.broadcast %slice3A_143 : vector<256x1xf32> to vector<256x2048xf32>
    %sub3A_146 = vector.broadcast %slice3A_144 : vector<1x2048xf32> to vector<256x2048xf32>
    %sub3A_147 = arith.subf %sub3A_145, %sub3A_146 : vector<256x2048xf32>
    %mul3A_148 = arith.mulf %sub3A_147, %sub3A_147 : vector<256x2048xf32>
    %add3A_149 = arith.addf %mul3A_142, %mul3A_148 : vector<256x2048xf32>
    %slice3A_150 = vector.extract_strided_slice %get3A_30 {offsets = [0, 2], sizes = [256, 1], strides = [1, 1]} : vector<256x3xf32> to vector<256x1xf32>
    %slice3A_151 = vector.extract_strided_slice %get3A_17 {offsets = [2, 0], sizes = [1, 2048], strides = [1, 1]} : vector<3x2048xf32> to vector<1x2048xf32>
    %sub3A_152 = vector.broadcast %slice3A_150 : vector<256x1xf32> to vector<256x2048xf32>
    %sub3A_153 = vector.broadcast %slice3A_151 : vector<1x2048xf32> to vector<256x2048xf32>
    %sub3A_154 = arith.subf %sub3A_152, %sub3A_153 : vector<256x2048xf32>
    %mul3A_155 = arith.mulf %sub3A_154, %sub3A_154 : vector<256x2048xf32>
    %add3A_156 = arith.addf %add3A_149, %mul3A_155 : vector<256x2048xf32>
    %sqrt3A = math.sqrt %add3A_156 : vector<256x2048xf32>
    %iota3A = tpu.iota {dimensions = array<i32: 1>} : vector<256x2048xi32>
    %iota3A_157 = tpu.iota {dimensions = array<i32: 0>} : vector<256x1xi32>
    %mul3A_158 = arith.constant 256 : i32
    %mul3A_159 = arith.muli %arg1, %mul3A_158 : i32
    %add3A_160 = vector.broadcast %mul3A_159 : i32 to vector<256x1xi32>
    %add3A_161 = arith.addi %iota3A_157, %add3A_160 : vector<256x1xi32>
    %bitcast_convert_type3A = tpu.bitcast %add3A_136 : vector<256x2048xf32> -> vector<256x2048xi32>
    %and3A_162 = arith.constant -2048 : i32
    %and3A_163 = vector.broadcast %and3A_162 : i32 to vector<256x2048xi32>
    %and3A_164 = arith.andi %bitcast_convert_type3A, %and3A_163 : vector<256x2048xi32>
    %or3A = arith.ori %and3A_164, %iota3A : vector<256x2048xi32>
    %eq3A_165 = vector.broadcast %add3A_161 : vector<256x1xi32> to vector<256x2048xi32>
    %eq3A_166 = arith.cmpi eq, %iota3A, %eq3A_165 : vector<256x2048xi32>
    %jit3A_167 = arith.constant 2139095040 : i32
    %broadcast_in_dim3A_168 = vector.broadcast %jit3A_167 : i32 to vector<256x2048xi32>
    %select_n3A_169 = arith.select %eq3A_166, %broadcast_in_dim3A_168, %or3A : vector<256x2048xi1>, vector<256x2048xi32>
    %bitcast_convert_type3A_170 = tpu.bitcast %select_n3A_169 : vector<256x2048xi32> -> vector<256x2048xf32>
    %reduce_min3A_171 = arith.constant dense<0x7F800000> : vector<256xf32>
    %reduce_min3A_172 = vector.multi_reduction <minimumf>, %bitcast_convert_type3A_170, %reduce_min3A_171 [1] : vector<256x2048xf32> to vector<256xf32>
    %broadcast_in_dim3A_173 = vector.shape_cast %reduce_min3A_172 : vector<256xf32> to vector<256x1xf32>
    %gt3A_174 = vector.broadcast %broadcast_in_dim3A_173 : vector<256x1xf32> to vector<256x2048xf32>
    %gt3A_175 = arith.cmpf ogt, %bitcast_convert_type3A_170, %gt3A_174 : vector<256x2048xf32>
    %jit3A_176 = arith.constant 0x7F800000 : f32
    %broadcast_in_dim3A_177 = vector.broadcast %jit3A_176 : f32 to vector<256x2048xf32>
    %select_n3A_178 = arith.select %gt3A_175, %bitcast_convert_type3A_170, %broadcast_in_dim3A_177 : vector<256x2048xi1>, vector<256x2048xf32>
    %reduce_min3A_179 = arith.constant dense<0x7F800000> : vector<256xf32>
    %reduce_min3A_180 = vector.multi_reduction <minimumf>, %select_n3A_178, %reduce_min3A_179 [1] : vector<256x2048xf32> to vector<256xf32>
    %broadcast_in_dim3A_181 = vector.shape_cast %reduce_min3A_180 : vector<256xf32> to vector<256x1xf32>
    %gt3A_182 = vector.broadcast %broadcast_in_dim3A_181 : vector<256x1xf32> to vector<256x2048xf32>
    %gt3A_183 = arith.cmpf ogt, %bitcast_convert_type3A_170, %gt3A_182 : vector<256x2048xf32>
    %jit3A_184 = arith.constant 0x7F800000 : f32
    %broadcast_in_dim3A_185 = vector.broadcast %jit3A_184 : f32 to vector<256x2048xf32>
    %select_n3A_186 = arith.select %gt3A_183, %bitcast_convert_type3A_170, %broadcast_in_dim3A_185 : vector<256x2048xi1>, vector<256x2048xf32>
    %reduce_min3A_187 = arith.constant dense<0x7F800000> : vector<256xf32>
    %reduce_min3A_188 = vector.multi_reduction <minimumf>, %select_n3A_186, %reduce_min3A_187 [1] : vector<256x2048xf32> to vector<256xf32>
    %broadcast_in_dim3A_189 = vector.shape_cast %reduce_min3A_188 : vector<256xf32> to vector<256x1xf32>
    %gt3A_190 = vector.broadcast %broadcast_in_dim3A_189 : vector<256x1xf32> to vector<256x2048xf32>
    %gt3A_191 = arith.cmpf ogt, %bitcast_convert_type3A_170, %gt3A_190 : vector<256x2048xf32>
    %jit3A_192 = arith.constant 0x7F800000 : f32
    %broadcast_in_dim3A_193 = vector.broadcast %jit3A_192 : f32 to vector<256x2048xf32>
    %select_n3A_194 = arith.select %gt3A_191, %bitcast_convert_type3A_170, %broadcast_in_dim3A_193 : vector<256x2048xi1>, vector<256x2048xf32>
    %reduce_min3A_195 = arith.constant dense<0x7F800000> : vector<256xf32>
    %reduce_min3A_196 = vector.multi_reduction <minimumf>, %select_n3A_194, %reduce_min3A_195 [1] : vector<256x2048xf32> to vector<256xf32>
    %broadcast_in_dim3A_197 = vector.shape_cast %reduce_min3A_196 : vector<256xf32> to vector<256x1xf32>
    %gt3A_198 = vector.broadcast %broadcast_in_dim3A_197 : vector<256x1xf32> to vector<256x2048xf32>
    %gt3A_199 = arith.cmpf ogt, %bitcast_convert_type3A_170, %gt3A_198 : vector<256x2048xf32>
    %jit3A_200 = arith.constant 0x7F800000 : f32
    %broadcast_in_dim3A_201 = vector.broadcast %jit3A_200 : f32 to vector<256x2048xf32>
    %select_n3A_202 = arith.select %gt3A_199, %bitcast_convert_type3A_170, %broadcast_in_dim3A_201 : vector<256x2048xi1>, vector<256x2048xf32>
    %reduce_min3A_203 = arith.constant dense<0x7F800000> : vector<256xf32>
    %reduce_min3A_204 = vector.multi_reduction <minimumf>, %select_n3A_202, %reduce_min3A_203 [1] : vector<256x2048xf32> to vector<256xf32>
    %broadcast_in_dim3A_205 = vector.shape_cast %reduce_min3A_204 : vector<256xf32> to vector<256x1xf32>
    %gt3A_206 = vector.broadcast %broadcast_in_dim3A_205 : vector<256x1xf32> to vector<256x2048xf32>
    %gt3A_207 = arith.cmpf ogt, %bitcast_convert_type3A_170, %gt3A_206 : vector<256x2048xf32>
    %jit3A_208 = arith.constant 0x7F800000 : f32
    %broadcast_in_dim3A_209 = vector.broadcast %jit3A_208 : f32 to vector<256x2048xf32>
    %select_n3A_210 = arith.select %gt3A_207, %bitcast_convert_type3A_170, %broadcast_in_dim3A_209 : vector<256x2048xi1>, vector<256x2048xf32>
    %reduce_min3A_211 = arith.constant dense<0x7F800000> : vector<256xf32>
    %reduce_min3A_212 = vector.multi_reduction <minimumf>, %select_n3A_210, %reduce_min3A_211 [1] : vector<256x2048xf32> to vector<256xf32>
    %broadcast_in_dim3A_213 = vector.shape_cast %reduce_min3A_212 : vector<256xf32> to vector<256x1xf32>
    %gt3A_214 = vector.broadcast %broadcast_in_dim3A_213 : vector<256x1xf32> to vector<256x2048xf32>
    %gt3A_215 = arith.cmpf ogt, %bitcast_convert_type3A_170, %gt3A_214 : vector<256x2048xf32>
    %jit3A_216 = arith.constant 0x7F800000 : f32
    %broadcast_in_dim3A_217 = vector.broadcast %jit3A_216 : f32 to vector<256x2048xf32>
    %select_n3A_218 = arith.select %gt3A_215, %bitcast_convert_type3A_170, %broadcast_in_dim3A_217 : vector<256x2048xi1>, vector<256x2048xf32>
    %reduce_min3A_219 = arith.constant dense<0x7F800000> : vector<256xf32>
    %reduce_min3A_220 = vector.multi_reduction <minimumf>, %select_n3A_218, %reduce_min3A_219 [1] : vector<256x2048xf32> to vector<256xf32>
    %broadcast_in_dim3A_221 = vector.shape_cast %reduce_min3A_220 : vector<256xf32> to vector<256x1xf32>
    %gt3A_222 = vector.broadcast %broadcast_in_dim3A_221 : vector<256x1xf32> to vector<256x2048xf32>
    %gt3A_223 = arith.cmpf ogt, %bitcast_convert_type3A_170, %gt3A_222 : vector<256x2048xf32>
    %jit3A_224 = arith.constant 0x7F800000 : f32
    %broadcast_in_dim3A_225 = vector.broadcast %jit3A_224 : f32 to vector<256x2048xf32>
    %select_n3A_226 = arith.select %gt3A_223, %bitcast_convert_type3A_170, %broadcast_in_dim3A_225 : vector<256x2048xi1>, vector<256x2048xf32>
    %reduce_min3A_227 = arith.constant dense<0x7F800000> : vector<256xf32>
    %reduce_min3A_228 = vector.multi_reduction <minimumf>, %select_n3A_226, %reduce_min3A_227 [1] : vector<256x2048xf32> to vector<256xf32>
    %broadcast_in_dim3A_229 = vector.shape_cast %reduce_min3A_228 : vector<256xf32> to vector<256x1xf32>
    %le3A = vector.broadcast %broadcast_in_dim3A_229 : vector<256x1xf32> to vector<256x2048xf32>
    %le3A_230 = arith.cmpf ole, %bitcast_convert_type3A_170, %le3A : vector<256x2048xf32>
    %mul3A_231 = arith.constant -2.000000e+00 : f32
    %mul3A_232 = vector.broadcast %mul3A_231 : f32 to vector<256x2048xf32>
    %mul3A_233 = arith.mulf %add3A_136, %mul3A_232 : vector<256x2048xf32>
    %exp3A_234 = math.exp %mul3A_233 : vector<256x2048xf32>
    %exp3A_235 = math.exp %exp3A_234 : vector<256x2048xf32>
    %jit3A_236 = arith.constant 0.000000e+00 : f32
    %broadcast_in_dim3A_237 = vector.broadcast %jit3A_236 : f32 to vector<256x2048xf32>
    %select_n3A_238 = arith.select %le3A_230, %exp3A_235, %broadcast_in_dim3A_237 : vector<256x2048xi1>, vector<256x2048xf32>
    %get3A_239 = arith.constant 0 : index
    %get3A_240 = memref.load %arg10[%get3A_239] : memref<2xf32, #tpu.memory_space<smem>>
    %reduce_sum3A_241 = vector.shape_cast %select_n3A_238 : vector<256x2048xf32> to vector<1x256x2048xf32>
    %reduce_sum3A_242 = arith.constant dense<0.000000e+00> : vector<1xf32>
    %reduce_sum3A_243 = vector.multi_reduction <add>, %reduce_sum3A_241, %reduce_sum3A_242 [1, 2] : vector<1x256x2048xf32> to vector<1xf32>
    %reduce_sum3A_244 = vector.shape_cast %reduce_sum3A_243 : vector<1xf32> to vector<1x1x1xf32>
    %reduce_sum3A_245 = vector.extract %reduce_sum3A_244[0, 0, 0] : f32 from vector<1x1x1xf32>
    %add3A_246 = arith.addf %get3A_240, %reduce_sum3A_245 : f32
    %swap3A_247 = arith.constant 0 : index
    %swap3A_248 = memref.load %arg10[%swap3A_247] : memref<2xf32, #tpu.memory_space<smem>>
    memref.store %add3A_246, %arg10[%swap3A_247] : memref<2xf32, #tpu.memory_space<smem>>
    %get3A_249 = arith.constant 1 : index
    %get3A_250 = memref.load %arg10[%get3A_249] : memref<2xf32, #tpu.memory_space<smem>>
    %mul3A_251 = arith.mulf %select_n3A_238, %sqrt3A : vector<256x2048xf32>
    %reduce_sum3A_252 = vector.shape_cast %mul3A_251 : vector<256x2048xf32> to vector<1x256x2048xf32>
    %reduce_sum3A_253 = arith.constant dense<0.000000e+00> : vector<1xf32>
    %reduce_sum3A_254 = vector.multi_reduction <add>, %reduce_sum3A_252, %reduce_sum3A_253 [1, 2] : vector<1x256x2048xf32> to vector<1xf32>
    %reduce_sum3A_255 = vector.shape_cast %reduce_sum3A_254 : vector<1xf32> to vector<1x1x1xf32>
    %reduce_sum3A_256 = vector.extract %reduce_sum3A_255[0, 0, 0] : f32 from vector<1x1x1xf32>
    %add3A_257 = arith.addf %get3A_250, %reduce_sum3A_256 : f32
    %swap3A_258 = arith.constant 1 : index
    %swap3A_259 = memref.load %arg10[%swap3A_258] : memref<2xf32, #tpu.memory_space<smem>>
    memref.store %add3A_257, %arg10[%swap3A_258] : memref<2xf32, #tpu.memory_space<smem>>
    %eq3A_260 = arith.constant 7 : i32
    %eq3A_261 = arith.cmpi eq, %arg1, %eq3A_260 : i32
    %convert_element_type3A_262 = arith.extui %eq3A_261 : i1 to i32
    %cond3A_263 = arith.constant 0 : i32
    %cond3A_264 = arith.cmpi ne, %convert_element_type3A_262, %cond3A_263 : i32
    scf.if %cond3A_264 {
      %get3A_265 = arith.constant 0 : index
      %get3A_266 = arith.constant 0 : index
      %get3A_267 = vector.load %arg9[%get3A_265, %get3A_266] : memref<1x2048xf32, #tpu.memory_space<vmem>>, vector<1x2048xf32>
      %gt3A_268 = arith.constant 2.560000e+01 : f32
      %gt3A_269 = vector.broadcast %gt3A_268 : f32 to vector<1x2048xf32>
      %gt3A_270 = arith.cmpf ogt, %get3A_267, %gt3A_269 : vector<1x2048xf32>
      %get3A_271 = arith.constant 0 : index
      %get3A_272 = arith.constant 0 : index
      %get3A_273 = vector.load %arg8[%get3A_271, %get3A_272] : memref<1x2048xf32, #tpu.memory_space<vmem>>, vector<1x2048xf32>
      %sub3A_274 = arith.constant 0.00999999977 : f32
      %sub3A_275 = vector.broadcast %sub3A_274 : f32 to vector<1x2048xf32>
      %sub3A_276 = arith.subf %get3A_273, %sub3A_275 : vector<1x2048xf32>
      %max3A_277 = arith.constant 0.000000e+00 : f32
      %max3A_278 = vector.broadcast %max3A_277 : f32 to vector<1x2048xf32>
      %max3A_279 = arith.maximumf %sub3A_276, %max3A_278 : vector<1x2048xf32>
      %jit3A_280 = arith.constant 0.000000e+00 : f32
      %broadcast_in_dim3A_281 = vector.broadcast %jit3A_280 : f32 to vector<1x2048xf32>
      %select_n3A_282 = arith.select %gt3A_270, %max3A_279, %broadcast_in_dim3A_281 : vector<1x2048xi1>, vector<1x2048xf32>
      %reduce_sum3A_283 = vector.shape_cast %select_n3A_282 : vector<1x2048xf32> to vector<1x1x2048xf32>
      %reduce_sum3A_284 = arith.constant dense<0.000000e+00> : vector<1xf32>
      %reduce_sum3A_285 = vector.multi_reduction <add>, %reduce_sum3A_283, %reduce_sum3A_284 [1, 2] : vector<1x1x2048xf32> to vector<1xf32>
      %reduce_sum3A_286 = vector.shape_cast %reduce_sum3A_285 : vector<1xf32> to vector<1x1x1xf32>
      %reduce_sum3A_287 = vector.extract %reduce_sum3A_286[0, 0, 0] : f32 from vector<1x1x1xf32>
      %get3A_288 = arith.constant 0 : index
      %get3A_289 = arith.constant 0 : index
      %get3A_290 = memref.load %arg7[%get3A_288, %get3A_289] : memref<1x1xf32, #tpu.memory_space<smem>>
      %mul3A_291 = arith.constant 6.10351563E-5 : f32
      %mul3A_292 = arith.mulf %mul3A_291, %reduce_sum3A_287 : f32
      %add3A_293 = arith.addf %get3A_290, %mul3A_292 : f32
      %swap3A_294 = arith.constant 0 : index
      %swap3A_295 = arith.constant 0 : index
      %swap3A_296 = memref.load %arg7[%swap3A_294, %swap3A_295] : memref<1x1xf32, #tpu.memory_space<smem>>
      memref.store %add3A_293, %arg7[%swap3A_294, %swap3A_295] : memref<1x1xf32, #tpu.memory_space<smem>>
      %get3A_297 = arith.constant 0 : index
      %get3A_298 = arith.constant 0 : index
      %get3A_299 = memref.load %arg7[%get3A_297, %get3A_298] : memref<1x1xf32, #tpu.memory_space<smem>>
      %get3A_300 = arith.constant 1 : index
      %get3A_301 = memref.load %arg10[%get3A_300] : memref<2xf32, #tpu.memory_space<smem>>
      %mul3A_302 = arith.constant 1.250000e-01 : f32
      %mul3A_303 = arith.mulf %mul3A_302, %get3A_301 : f32
      %get3A_304 = arith.constant 0 : index
      %get3A_305 = memref.load %arg10[%get3A_304] : memref<2xf32, #tpu.memory_space<smem>>
      %div3A = arith.divf %mul3A_303, %get3A_305 : f32
      %add3A_306 = arith.addf %get3A_299, %div3A : f32
      %swap3A_307 = arith.constant 0 : index
      %swap3A_308 = arith.constant 0 : index
      %swap3A_309 = memref.load %arg7[%swap3A_307, %swap3A_308] : memref<1x1xf32, #tpu.memory_space<smem>>
      memref.store %add3A_306, %arg7[%swap3A_307, %swap3A_308] : memref<1x1xf32, #tpu.memory_space<smem>>
    } else {
    }
    return
  }
  func.func @transform_0(%arg0: i32, %arg1: i32) -> (i32, i32, i32) {
    %c0_i32 = arith.constant 0 : i32
    %c0_i32_0 = arith.constant 0 : i32
    %c0_i32_1 = arith.constant 0 : i32
    return %arg0, %c0_i32, %c0_i32_0 : i32, i32, i32
  }
  func.func @transform_1(%arg0: i32, %arg1: i32) -> (i32, i32, i32) {
    %c0_i32 = arith.constant 0 : i32
    %c0_i32_0 = arith.constant 0 : i32
    %c0_i32_1 = arith.constant 0 : i32
    return %arg0, %c0_i32, %c0_i32_0 : i32, i32, i32
  }
  func.func @transform_2(%arg0: i32, %arg1: i32) -> (i32, i32, i32) {
    %c0_i32 = arith.constant 0 : i32
    %c0_i32_0 = arith.constant 0 : i32
    %c0_i32_1 = arith.constant 0 : i32
    return %arg0, %c0_i32, %c0_i32_0 : i32, i32, i32
  }
  func.func @transform_3(%arg0: i32, %arg1: i32) -> (i32, i32, i32) {
    %c0_i32 = arith.constant 0 : i32
    %c0_i32_0 = arith.constant 0 : i32
    %c0_i32_1 = arith.constant 0 : i32
    return %arg0, %c0_i32, %c0_i32_0 : i32, i32, i32
  }
  func.func @transform_4(%arg0: i32, %arg1: i32) -> (i32, i32, i32) {
    %c0_i32 = arith.constant 0 : i32
    %c0_i32_0 = arith.constant 0 : i32
    %c0_i32_1 = arith.constant 0 : i32
    return %arg0, %c0_i32, %c0_i32_0 : i32, i32, i32
  }
  func.func @transform_5(%arg0: i32, %arg1: i32) -> (i32, i32) {
    %c0_i32 = arith.constant 0 : i32
    %c0_i32_0 = arith.constant 0 : i32
    %c0_i32_1 = arith.constant 0 : i32
    return %c0_i32, %c0_i32_0 : i32, i32
  }
}

</mosaic_0001>

<sc_bundles>
// kernel: kernel.4.cloned.1.call-start
scs
__scs_entry_jumppad:
0x0: {  	(pc) =	sbr.rel $0x88, $3  }
0x1: {  	(tag) =	ssettag $0x0;
	lr =	simm.s32 $0x1  }
0x2: {  	[smem:$0x3F9D] =	sst lr;
	_ =	strace $0xD0000000  }
0x3: {  	_ = 	snop  }
0x4: {  	_ = 	snop  }
0x5: {  	_ = 	snop  }
0x6: {  	_ = 	snop  }
0x7: {  	_ = 	snop  }
__scs_overlays_trampoline_lowered:
0x8: {  	[smem:$0x3FAC] =	sst s0  }
0x9: {  	[smem:$0x3FAD] =	sst s1  }
0xa: {  	[smem:$0x3FAE] =	sst s2  }
0xb: {  	[smem:$0x3FAF] =	sst s3  }
0xc: {  	[smem:$0x3FB0] =	sst s4  }
0xd: {  	[smem:$0x3FB1] =	sst s5  }
0xe: {  	[smem:$0x3FB2] =	sst s6  }
0xf: {  	[smem:$0x3FB3] =	sst s7  }
0x10: {  	[smem:$0x3FB4] =	sst s8  }
0x11: {  	[smem:$0x3FB5] =	sst s9;
	s0 =	simm.s32 @!p0 $0x0  }
0x12: {  	s1 =	sld [smem:$0x3F9B];
	s0 =	simm.s32 @p0 $0x1  }
0x13: {  	[smem:$0x3FB6] =	sst s0;
	s0 =	simm.s32 @!p1 $0x0  }
0x14: {  	s2 =	sld [smem:$0x3F9A];
	s0 =	simm.s32 @p1 $0x1  }
0x15: {  	[smem:$0x3FB7] =	sst s0;
	s0 =	simm.s32 @!p2 $0x0  }
0x16: {  	s3 =	sld [smem:$0x3FDB];
	s0 =	simm.s32 @p2 $0x1  }
0x17: {  	s4 =	simm.s32 $0x1BF5;
	[smem:$0x3FB9] =	sst s0  }
0x18: {  	s0 =	sld [smem:$0x3F9C];
	_ =	swait.ge [sflag:s4], $0x0  }
0x19: {  	s7 =	sld [smem:$0x3F9D]  }
0x1a: {  	s8 =	sadd.s32 $0xFFFFE003, lr  }
0x1b: {  	s9 =	sadd.s32 $0xFFFFFEF7, lr;
	s5 =	simm.s32 $0xFFFFFFFF;
	p2 =	slt.u32 s8, $0xFFFFF086  }
0x1c: {  	p1 =	slt.u32 s9, $0xF7A;
	s5 =	simm.s32 @!p2 $0x0  }
0x1d: {  	s5 =	simm.s32 @p1 $0x1;
	p0 =	seq.s32 s7, s2  }
0x1e: {  	s7 =	smul.u32 @!p0 $0xF7A, s2;
	p2 =	seq.s32 @!p0 s5, $0x0  }
0x1f: {  	s9 =	smul.u32 $0xF7A, s1;
	s8 =	simm.s32 @!p0 $0x1BF5;
	p2 =	por !p2, p0  }
0x20: {  	[sflag:s8] =	ssyncset.s32 @!p0 $0xFFFFF086;
	s6 =	sadd.s32 @!p0 s3, s7;
	s7 =	simm.s32 @!p0 $0x108  }
0x21: {  	s3 =	sadd.s32 s3, s9;
	s6 =	sadd.s32 @!p0 $0x88, s6;
	s7 =	simm.s32 @p2 $0x1082  }
0x22: {  	[simem:s7], [sflag:s8] =	dma.local @!p0 [hbm:s6], $0xF7A  }
0x23: {  	s9 =	sor.u32 $0xD0000000, s2;
	s6 =	simm.s32 $0x108;
	_ =	swait.ge @!p0 [sflag:s8], $0x0  }
0x24: {  	s3 =	sadd.s32 $0x88, s3;
	s6 =	simm.s32 @!p1 $0x1082;
	[sflag:s4] =	ssyncset.s32 $0xFFFFF086  }
0x25: {  	[simem:s6], [sflag:s4] =	dma.local [hbm:s3], $0xF7A  }
0x26: {  	[smem:$0x3F9D] =	sst s1;
	(tag) =	ssettag s2;
	_ =	strace s9  }
0x27: {  	s1 =	sld [smem:$0x3FAD]  }
0x28: {  	s2 =	sld [smem:$0x3FAE]  }
0x29: {  	s4 =	sld [smem:$0x3FB0]  }
0x2a: {  	p0 =	seq.s32 s5, $0x0;
	s5 =	sld [smem:$0x3FB1]  }
0x2b: {  	s6 =	sld [smem:$0x3FB2]  }
0x2c: {  	s7 =	sld [smem:$0x3FB3]  }
0x2d: {  	s3 =	simm.s32 $0x108;
	s8 =	sld [smem:$0x3FB4]  }
0x2e: {  	s3 =	simm.s32 @!p0 $0x1082;
	s9 =	sld [smem:$0x3FB5]  }
0x2f: {  	lr =	sadd.s32 s0, s3;
	s0 =	sld [smem:$0x3FAC]  }
0x30: {  	s3 =	sld [smem:$0x3FAF]  }
0x31: {  	[smem:$0x3FB8] =	sst s10  }
0x32: {  	s10 =	sld [smem:$0x3FB6];
	_ =	sdelay $0x3  }
0x33: {  	p0 =	seq.s32 s10, $0x1;
	s10 =	sld [smem:$0x3FB8];
	_ =	sdelay $0x3  }
0x34: {  	[smem:$0x3FB8] =	sst s10  }
0x35: {  	s10 =	sld [smem:$0x3FB7];
	_ =	sdelay $0x3  }
0x36: {  	p1 =	seq.s32 s10, $0x1;
	s10 =	sld [smem:$0x3FB8];
	_ =	sdelay $0x3  }
0x37: {  	[smem:$0x3FB8] =	sst s10  }
0x38: {  	s10 =	sld [smem:$0x3FB9]  }
0x39: {  	_ = 	snop;
	(pc) =	sbr.ind lr, $3  }
0x3a: {  	_ = 	snop  }
0x3b: {  	_ = 	snop  }
0x3c: {  	p2 =	seq.s32 s10, $0x1;
	s10 =	sld [smem:$0x3FB8]  }
0x3d: {  	_ =	shalt  }
0x3e: {  	_ =	shalt  }
0x3f: {  	_ =	shalt  }
0x40: {  	_ =	shalt  }
0x41: {  	_ =	shalt  }
0x42: {  	_ =	shalt  }
0x43: {  	_ =	shalt  }
0x44: {  	_ =	shalt  }
0x45: {  	_ =	shalt  }
0x46: {  	_ =	shalt  }
0x47: {  	_ =	shalt  }
0x48: {  	_ =	shalt  }
0x49: {  	_ =	shalt  }
0x4a: {  	_ =	shalt  }
0x4b: {  	_ =	shalt  }
0x4c: {  	_ =	shalt  }
0x4d: {  	_ =	shalt  }
0x4e: {  	_ =	shalt  }
0x4f: {  	_ =	shalt  }
0x50: {  	_ =	shalt  }
0x51: {  	_ =	shalt  }
0x52: {  	_ =	shalt  }
0x53: {  	_ =	shalt  }
0x54: {  	_ =	shalt  }
0x55: {  	_ =	shalt  }
0x56: {  	_ =	shalt  }
0x57: {  	_ =	shalt  }
0x58: {  	_ =	shalt  }
0x59: {  	_ =	shalt  }
0x5a: {  	_ =	shalt  }
0x5b: {  	_ =	shalt  }
0x5c: {  	_ =	shalt  }
0x5d: {  	_ =	shalt  }
0x5e: {  	_ =	shalt  }
0x5f: {  	_ =	shalt  }
0x60: {  	_ =	shalt  }
0x61: {  	_ =	shalt  }
0x62: {  	_ =	shalt  }
0x63: {  	_ =	shalt  }
0x64: {  	_ =	shalt  }
0x65: {  	_ =	shalt  }
0x66: {  	_ =	shalt  }
0x67: {  	_ =	shalt  }
0x68: {  	_ =	shalt  }
0x69: {  	_ =	shalt  }
0x6a: {  	_ =	shalt  }
0x6b: {  	_ =	shalt  }
0x6c: {  	_ =	shalt  }
0x6d: {  	_ =	shalt  }
0x6e: {  	_ =	shalt  }
0x6f: {  	_ =	shalt  }
0x70: {  	_ =	shalt  }
0x71: {  	_ =	shalt  }
0x72: {  	_ =	shalt  }
0x73: {  	_ =	shalt  }
0x74: {  	_ =	shalt  }
0x75: {  	_ =	shalt  }
0x76: {  	_ =	shalt  }
0x77: {  	_ =	shalt  }
0x78: {  	_ =	shalt  }
0x79: {  	_ =	shalt  }
0x7a: {  	_ =	shalt  }
0x7b: {  	_ =	shalt  }
0x7c: {  	_ =	shalt  }
0x7d: {  	_ =	shalt  }
0x7e: {  	_ =	shalt  }
0x7f: {  	_ =	shalt  }
0x80: {  	_ =	shalt  }
0x81: {  	_ =	shalt  }
0x82: {  	_ =	shalt  }
0x83: {  	_ =	shalt  }
0x84: {  	_ =	shalt  }
0x85: {  	_ =	shalt  }
0x86: {  	_ =	shalt  }
0x87: {  	_ =	shalt  }
.Lfunc_end0:
.L_simem_size_0:
called_computation_lowered:
.L_overlay_start_0:
0x88: {  	s2 =	sld [smem:$0x3FD9]  }
0x89: {  	s3 =	sld [smem:$0x3FFE];
	_ =	sdelay $0x1  }
0x8a: {  	s1 =	srdreg.scid  }
0x8b: {  	s0 =	sand.u32 $0x1, s1  }
0x8c: {  	s16 =	sshll.u32 s0, $0xA;
	s2 =	sadd.s32 s3, s2  }
0x8d: {  	s2 =	sadd.s32 s2, s16  }
0x8e: {  	[smem:$0x3FC4] =	sst s2  }
0x8f: {  	_ = 	snop  }
0x90: {  	(tm) =	ssettm $0x1  }
0x91: {  	s17 =	sld [smem:$0x3FFB];
	_ =	sdelay $0x3  }
0x92: {  	_ =	strace s17  }
0x93: {  	s2 =	sld [smem:$0x3FFC];
	_ =	sdelay $0x3  }
0x94: {  	_ =	strace s2  }
0x95: {  	s2 =	sld [smem:$0x3FFD];
	_ =	sdelay $0x3  }
0x96: {  	_ =	strace s2  }
0x97: {  	_ =	strace $0x8FFFFFFF  }
0x98: {  	s18 =	sld [smem:$0x3FDB];
	_ =	sdelay $0x1  }
0x99: {  	s19 =	simm.s32 $_scs_section_size  }
0x9a: {  	s4 =	simm.s32 $_size__tile_overlayer_lowered;
	s5 =	simm.s32 $_tile_overlayer_lowered  }
0x9b: {  	s22 =	simm.s32 $0x1BFF;
	s21 =	sshll.u32 s5, $0x1;
	s2 =	sadd.s32 s19, s18  }
0x9c: {  	s6 =	simm.s32 $0x0;
	s20 =	sshll.u32 s4, $0x1;
	s4 =	sadd.s32 s21, s2  }
0x9d: {  	[timem:s6], [sflag:s22] =	dma.local [hbm:s4], s20  }
0x9e: {  	_ =	swait.ge [sflag:s22], s20  }
0x9f: {  	s3 =	ssub.s32 $0x0, s20;
	[sflag:s22] =	ssyncset.done $0x0  }
0xa0: {  	[sflag:s22] =	ssyncadd.s32 s3;
	_ =	sdelay $0x1  }
0xa1: {  	s23 =	simm.s32 $0x1B8B  }
0xa2: {  	_ =	swait.ge [sflag:s23], $0x1  }
0xa3: {  	[sflag:s23] =	ssyncset.done $0x0  }
0xa4: {  	s25 =	simm.s32 $0x1B8E;
	s24 =	sld [smem:$0x3FFE];
	[sflag:s23] =	ssyncadd.s32 $0xFFFFFFFF  }
0xa5: {  	s26 =	simm.s32 $execute0_lowered;
	[smem:$0x3FD2] =	sst s25  }
0xa6: {  	s4 =	sshll.u32 s26, $0x1;
	_ =	strace $0x80000046;
	[dreg:$0x1] =	wrdreg $0xFFFFFFFF  }
0xa7: {  	s28 =	simm.s32 $_size_execute0_lowered;
	s2 =	sadd.s32 s2, s4;
	[dreg:$0x0] =	wrdreg $0x0  }
0xa8: {  	s4 =	sshll.u32 s28, $0x1;
	[dreg:$0x2] =	wrdreg s2  }
0xa9: {  	[dreg:$0x3] =	wrdreg s4  }
0xaa: {  	[dreg:$0x4] =	wrdreg $0xC0  }
0xab: {  	_ =	task [dreg:s6], $0x5FFFF  }
0xac: {  	[dreg:$0x1] =	wrdreg $0xFFFFFFFF  }
0xad: {  	[dreg:$0x0] =	wrdreg $0x60  }
0xae: {  	[dreg:$0x2] =	wrdreg s24  }
0xaf: {  	[dreg:$0x3] =	wrdreg $0x9  }
0xb0: {  	_ =	task.clear_ibuf [dreg:s6], $0x4FFFF;
	_ =	strace $0x90000046  }
0xb1: {  	s29 =	simm.s32 $0x9;
	_ =	strace $0x80000048  }
0xb2: {  	_ =	swait.ge [sflag:s29], $0x1  }
0xb3: {  	[sflag:s29] =	ssyncadd.s32 $0xFFFFFFFF  }
0xb4: {  	_ =	strace $0x90000048  }
0xb5: {  	_ =	sfence  }
0xb6: {  	s30 =	sld [smem:$0x0];
	_ =	sdelay $0x2  }
0xb7: {  	s31 =	sshll.u32 s1, $0xD;
	s1 =	sshrl.u32 s1, $0x2  }
0xb8: {  	s3 =	sand.u32 $0x4000, s31;
	s1 =	sadd.s32 s1, s30  }
0xb9: {  	s0 =	sor.u32 s3, s0;
	s1 =	sshll.u32 s1, $0x11  }
0xba: {  	s0 =	sor.u32 s1, s0  }
0xbb: {  	s0 =	sadd.s32 $0x8F2B, s0  }
0xbc: {  	[sflag:s0] =	ssyncadd.remote.s32 $0x1  }
0xbd: {  	_ =	sfence.sel $0xFFFF  }
0xbe: {  	[dreg:$0x0] =	wrdreg $0xFFFFFFFF;
	(pc) =	sbr.abs _section_cstart, $3  }
0xbf: {  	[dreg:$0x1] =	wrdreg $0xFFFFFFFF  }
0xc0: {  	_ =	task.clear_ibuf [dreg:s6], $0x2FFFF;
	_ =	strace $0x9FFFFFFF  }
0xc1: {  	(tm) =	ssettm $0x7FFFFFFF  }
tec
execute0_lowered:
.L_overlay_start_1:
0x0: {  	(tag) =	ssettag $0x1  }
0x1: {  	s3 =	rddreg [dreg:$0x0]  }
0x2: {  	s0 =	rddreg [dreg:$0x1];
	s2 =	simm.s32 $0x0;
	s4 =	srdreg.scid  }
0x3: {  	s1 =	stileid.u32;
	s12 =	simm.s32 $0x1;
	s13 =	simm.s32 $0x200  }
0x4: {  	s14 =	simm.s32 $0x400;
	s15 =	simm.s32 $0x600;
	s16 =	simm.s32 $0x800  }
0x5: {  	s17 =	simm.s32 $0xA00;
	s18 =	simm.s32 $0xC00;
	s19 =	simm.s32 $0xE00  }
0x6: {  	[smem:$0x7FF] =	sst s2;
	s4 =	sand.u32 $0x1, s4;
	s5 =	sshll.u32 s1, $0x1  }
0x7: {  	_ =	strace $0x80000047;
	s5 =	sor.u32 s4, s5;
	s4 =	ssub.s32 $0x2, s4  }
0x8: {  	s6 =	sshll.u32 s5, $0x6;
	s5 =	sshll.u32 s5, $0x1;
	s31 =	sshrl.u32 s4, $0x1  }
0x9: {  	s9 =	sadd.s32 s6, s3;
	s10 =	sadd.s32 s5, s3;
	s11 =	ssub.s32 s4, s31  }
0xa: {  	s3 =	sadd.s32 $0x800, s9;
	s4 =	sadd.s32 $0x1000, s9;
	s5 =	sadd.s32 $0x1800, s9  }
0xb: {  	s6 =	sadd.s32 $0x2000, s9;
	s7 =	sadd.s32 $0x2800, s9;
	s8 =	sadd.s32 $0x3000, s9  }
0xc: {  	s9 =	sadd.s32 $0x3800, s9;
	s10 =	sadd.s32 $0x4000, s10;
	s11 =	smax.u32 s11, $0x1  }
.LBB2_1:
0xd: {  	[tilespmem:s2], [sflag:$0x1] =	stream.linear.gather [hbm4b:s3+s2], $0x200, $0x38;
	[tilespmem:$0xE80] =	vst v63  }
0xe: {  	_ =	swait.ge [sflag:s12], $0x200  }
0xf: {  	[sflag:s12] =	ssyncset.done $0x0  }
0x10: {  	[sflag:s12] =	ssyncadd.s32 $0xFFFFFE00  }
0x11: {  	[tilespmem:s13], [sflag:$0x1] =	stream.linear.gather [hbm4b:s4+s2], $0x200, $0x38;
	[tilespmem:$0xE80] =	vst v63  }
0x12: {  	_ =	swait.ge [sflag:s12], $0x200  }
0x13: {  	[sflag:s12] =	ssyncset.done $0x0  }
0x14: {  	[sflag:s12] =	ssyncadd.s32 $0xFFFFFE00  }
0x15: {  	[tilespmem:s14], [sflag:$0x1] =	stream.linear.gather [hbm4b:s5+s2], $0x200, $0x38;
	[tilespmem:$0xE80] =	vst v63  }
0x16: {  	_ =	swait.ge [sflag:s12], $0x200  }
0x17: {  	[sflag:s12] =	ssyncset.done $0x0  }
0x18: {  	[sflag:s12] =	ssyncadd.s32 $0xFFFFFE00  }
0x19: {  	[tilespmem:s15], [sflag:$0x1] =	stream.linear.gather [hbm4b:s6+s2], $0x200, $0x38;
	[tilespmem:$0xE80] =	vst v63  }
0x1a: {  	_ =	swait.ge [sflag:s12], $0x200  }
0x1b: {  	[sflag:s12] =	ssyncset.done $0x0  }
0x1c: {  	[sflag:s12] =	ssyncadd.s32 $0xFFFFFE00  }
0x1d: {  	[tilespmem:s16], [sflag:$0x1] =	stream.linear.gather [hbm4b:s7+s2], $0x200, $0x38;
	[tilespmem:$0xE80] =	vst v63  }
0x1e: {  	_ =	swait.ge [sflag:s12], $0x200  }
0x1f: {  	[sflag:s12] =	ssyncset.done $0x0  }
0x20: {  	[sflag:s12] =	ssyncadd.s32 $0xFFFFFE00  }
0x21: {  	[tilespmem:s17], [sflag:$0x1] =	stream.linear.gather [hbm4b:s8+s2], $0x200, $0x38;
	[tilespmem:$0xE80] =	vst v63  }
0x22: {  	_ =	swait.ge [sflag:s12], $0x200  }
0x23: {  	[sflag:s12] =	ssyncset.done $0x0  }
0x24: {  	[sflag:s12] =	ssyncadd.s32 $0xFFFFFE00  }
0x25: {  	[tilespmem:s18], [sflag:$0x1] =	stream.linear.gather [hbm4b:s9+s2], $0x200, $0x38;
	[tilespmem:$0xE80] =	vst v63  }
0x26: {  	_ =	swait.ge [sflag:s12], $0x200  }
0x27: {  	[sflag:s12] =	ssyncset.done $0x0  }
0x28: {  	[sflag:s12] =	ssyncadd.s32 $0xFFFFFE00  }
0x29: {  	v0 =	vld [tilespmem:$0x0]  }
0x2a: {  	v1 =	vld [tilespmem:$0x200];
	_ =	sdelay $0x1  }
0x2b: {  	v2 =	vld [tilespmem:$0x400];
	_ =	sdelay $0x2  }
0x2c: {  	v3 =	vmul.f32 v0, v0;
	v4 =	vmul.f32 v1, v1  }
0x2d: {  	v63 =	vld [tilespmem:$0x20]  }
0x2e: {  	v12 =	vld [tilespmem:$0x220];
	v59 =	vmul.f32 v2, v2;
	v3 =	vadd.f32 v4, v3  }
0x2f: {  	v60 =	vld [tilespmem:$0x10]  }
0x30: {  	v15 =	vld [tilespmem:$0x420];
	v3 =	vadd.f32 v59, v3  }
0x31: {  	v6 =	vld [tilespmem:$0x210]  }
0x32: {  	v5 =	vshra.s32 v3, $0x1;
	v3 =	vmul.f32 $5.000000000e-01, v3  }
0x33: {  	v8 =	vld [tilespmem:$0x410];
	v17 =	vmul.f32 v63, v63;
	v18 =	vmul.f32 v12, v12;
	v5 =	vsub.s32 $0x5F3759DF, v5  }
0x34: {  	v13 =	vld [tilespmem:$0x600];
	v7 =	vmul.f32 v5, v3  }
0x35: {  	v9 =	vmul.f32 v60, v60;
	v26 =	vmul.f32 v15, v15;
	v25 =	vadd.f32 v18, v17  }
0x36: {  	v10 =	vmul.f32 v6, v6;
	v7 =	vmul.f32 v5, v7  }
0x37: {  	v28 =	vadd.f32 v26, v25  }
0x38: {  	v61 =	vmul.f32 v8, v8;
	v9 =	vadd.f32 v10, v9;
	v7 =	vsub.f32 $1.500000000e+00, v7  }
0x39: {  	v16 =	vld [tilespmem:$0x800];
	v0 =	vmul.f32 v13, v0;
	v17 =	vshra.s32 v28, $0x1;
	v13 =	vmul.f32 $5.000000000e-01, v28  }
0x3a: {  	v23 =	vld [tilespmem:$0xA00];
	v62 =	vadd.f32 v61, v9;
	v31 =	vsub.s32 $0x5F3759DF, v17;
	v5 =	vmul.f32 v5, v7  }
0x3b: {  	v27 =	vld [tilespmem:$0xC00];
	v17 =	vmul.f32 v31, v13  }
0x3c: {  	v19 =	vld [tilespmem:$0x430];
	v11 =	vshra.s32 v62, $0x1;
	v7 =	vmul.f32 $5.000000000e-01, v62;
	v22 =	vmul.f32 v5, v3  }
0x3d: {  	v32 =	vld [tilespmem:$0x610];
	v11 =	vsub.s32 $0x5F3759DF, v11;
	v17 =	vmul.f32 v31, v17  }
0x3e: {  	v34 =	vld [tilespmem:$0x810];
	v14 =	vmul.f32 v11, v7;
	v10 =	vmul.f32 v22, v5  }
0x3f: {  	v20 =	vld [tilespmem:$0xA10];
	v1 =	vmul.f32 v16, v1;
	v36 =	vsub.f32 $1.500000000e+00, v17  }
0x40: {  	v42 =	vld [tilespmem:$0xC10];
	v2 =	vmul.f32 v23, v2;
	v14 =	vmul.f32 v11, v14;
	v10 =	vsub.f32 $1.500000000e+00, v10  }
0x41: {  	v48 =	vld [tilespmem:$0x820];
	v33 =	vmul.f32 $1.000000010e-01, v27;
	v40 =	vmul.f32 v31, v36  }
0x42: {  	v53 =	vld [tilespmem:$0xA20];
	v38 =	vmul.f32 v19, v19;
	v24 =	vsub.f32 $1.500000000e+00, v14;
	v5 =	vmul.f32 v10, v5  }
0x43: {  	v6 =	vmul.f32 v34, v6;
	v23 =	vld [tilespmem:$0x620];
	v0 =	vadd.f32 v1, v0;
	v43 =	vmul.f32 v40, v13  }
0x44: {  	v18 =	vld [tilespmem:$0x230];
	v11 =	vmul.f32 v11, v24;
	v3 =	vmul.f32 v5, v3  }
0x45: {  	v0 =	vadd.f32 v2, v0;
	v2 =	vmul.f32 v32, v60;
	v26 =	vld [tilespmem:$0x460];
	v16 =	vmul.f32 v43, v40  }
0x46: {  	v30 =	vmul.f32 v11, v7;
	v29 =	vmul.f32 v3, v5;
	v3 =	vld [tilespmem:$0x30]  }
0x47: {  	v8 =	vmul.f32 v20, v8;
	v15 =	vmul.f32 v53, v15;
	v2 =	vadd.f32 v6, v2  }
0x48: {  	v9 =	vmul.f32 v23, v63;
	v63 =	vld [tilespmem:$0x830];
	v47 =	vsub.f32 $1.500000000e+00, v16;
	v14 =	vmul.f32 v30, v11  }
0x49: {  	v6 =	vmul.f32 $1.000000010e-01, v42;
	v2 =	vadd.f32 v8, v2;
	v8 =	vmul.f32 v48, v12  }
0x4a: {  	v57 =	vld [tilespmem:$0xC20];
	v42 =	vmul.f32 v26, v26;
	v50 =	vmul.f32 v47, v40;
	v14 =	vsub.f32 $1.500000000e+00, v14  }
0x4b: {  	v61 =	vld [tilespmem:$0x630];
	v22 =	vmul.f32 v18, v18;
	v21 =	vmul.f32 v3, v3  }
0x4c: {  	v13 =	vmul.f32 v50, v13;
	v1 =	vsub.f32 $1.500000000e+00, v29;
	v35 =	vmul.f32 v14, v11;
	v11 =	vld [tilespmem:$0x40]  }
0x4d: {  	v8 =	vadd.f32 v8, v9;
	v34 =	vmul.f32 v63, v18;
	v37 =	vadd.f32 v22, v21;
	v22 =	vld [tilespmem:$0x240]  }
0x4e: {  	v56 =	vmul.f32 v13, v50;
	v1 =	vmul.f32 v1, v5;
	v14 =	vld [tilespmem:$0x440]  }
0x4f: {  	v32 =	vld [tilespmem:$0x640];
	v8 =	vadd.f32 v15, v8;
	v13 =	vmul.f32 $1.000000010e-01, v57;
	v39 =	vmul.f32 v35, v7  }
0x50: {  	v3 =	vmul.f32 v61, v3;
	v0 =	vmul.f32 v1, v0;
	v21 =	vld [tilespmem:$0x250];
	v41 =	vadd.f32 v38, v37  }
0x51: {  	v12 =	vsub.f32 $1.500000000e+00, v56;
	v29 =	vld [tilespmem:$0xA30];
	v4 =	vmul.f32 v39, v35;
	v44 =	vmul.f32 v11, v11  }
0x52: {  	v36 =	vld [tilespmem:$0x840];
	v17 =	vmul.f32 $5.000000000e-01, v41;
	v10 =	vshra.s32 v41, $0x1;
	v45 =	vmul.f32 v22, v22  }
0x53: {  	v46 =	vmul.f32 v14, v14;
	v4 =	vsub.f32 $1.500000000e+00, v4;
	v10 =	vsub.s32 $0x5F3759DF, v10  }
0x54: {  	v56 =	vld [tilespmem:$0x850];
	v11 =	vmul.f32 v32, v11;
	v24 =	vmul.f32 v10, v17;
	v20 =	vadd.f32 v45, v44  }
0x55: {  	v18 =	vld [tilespmem:$0x70];
	v0 =	vsub.f32 v33, v0;
	v1 =	vmul.f32 v4, v35;
	v25 =	vmul.f32 v21, v21  }
0x56: {  	v4 =	vld [tilespmem:$0x50];
	v35 =	vmul.f32 v29, v19;
	v49 =	vmul.f32 v10, v24;
	v20 =	vadd.f32 v46, v20  }
0x57: {  	v38 =	vld [tilespmem:$0xC30];
	v0 =	vand.u32 $0x7FFFFFFF, v0;
	v43 =	vmul.f32 v36, v22;
	v1 =	vmul.f32 v1, v2  }
0x58: {  	v22 =	vld [tilespmem:$0x470];
	v51 =	vsub.f32 $1.500000000e+00, v49;
	v52 =	vshra.s32 v20, $0x1;
	v20 =	vmul.f32 $5.000000000e-01, v20  }
0x59: {  	v32 =	vmul.f32 v56, v21;
	v56 =	vld [tilespmem:$0x670];
	v2 =	vmul.f32 v12, v50;
	v16 =	vsub.s32 $0x5F3759DF, v52  }
0x5a: {  	v1 =	vsub.f32 v6, v1;
	v54 =	vmul.f32 v10, v51;
	v10 =	vld [tilespmem:$0x450];
	v55 =	vmul.f32 v16, v20  }
0x5b: {  	v45 =	vld [tilespmem:$0xC40];
	v11 =	vadd.f32 v43, v11;
	v2 =	vmul.f32 v2, v8;
	v59 =	vmul.f32 v4, v4  }
0x5c: {  	v6 =	vld [tilespmem:$0x60];
	v1 =	vand.u32 $0x7FFFFFFF, v1;
	v58 =	vmul.f32 v54, v17;
	v7 =	vmul.f32 v16, v55  }
0x5d: {  	v29 =	vmul.f32 v22, v22;
	v0 =	vadd.f32 v1, v0;
	v1 =	vadd.f32 v34, v3  }
0x5e: {  	v3 =	vmul.f32 $1.000000010e-01, v38;
	v38 =	vld [tilespmem:$0x660];
	v60 =	vmul.f32 v58, v54;
	v7 =	vsub.f32 $1.500000000e+00, v7  }
0x5f: {  	v9 =	vadd.f32 v25, v59;
	v59 =	vmul.f32 v18, v18;
	v62 =	vmul.f32 v10, v10  }
0x60: {  	v18 =	vmul.f32 v56, v18;
	v58 =	vld [tilespmem:$0xA50];
	v28 =	vsub.f32 $1.500000000e+00, v60;
	v7 =	vmul.f32 v16, v7  }
0x61: {  	v39 =	vmul.f32 v6, v6;
	v55 =	vmul.f32 $1.000000010e-01, v45;
	v9 =	vadd.f32 v62, v9;
	v16 =	vld [tilespmem:$0x260]  }
0x62: {  	v2 =	vsub.f32 v13, v2;
	v5 =	vmul.f32 v28, v54;
	v54 =	vld [tilespmem:$0x650];
	v30 =	vmul.f32 v7, v20  }
0x63: {  	v41 =	vld [tilespmem:$0xA40];
	v6 =	vmul.f32 v38, v6;
	v31 =	vshra.s32 v9, $0x1;
	v9 =	vmul.f32 $5.000000000e-01, v9  }
0x64: {  	v24 =	vld [tilespmem:$0x280];
	v17 =	vmul.f32 v5, v17;
	v15 =	vsub.s32 $0x5F3759DF, v31;
	v8 =	vmul.f32 v30, v7  }
0x65: {  	v1 =	vadd.f32 v35, v1;
	v10 =	vmul.f32 v58, v10;
	v33 =	vmul.f32 v15, v9  }
0x66: {  	v35 =	vld [tilespmem:$0xC50];
	v17 =	vmul.f32 v17, v5;
	v40 =	vmul.f32 v16, v16;
	v8 =	vsub.f32 $1.500000000e+00, v8  }
0x67: {  	v2 =	vand.u32 $0x7FFFFFFF, v2;
	v37 =	vmul.f32 v15, v33;
	v30 =	vmul.f32 v54, v4  }
0x68: {  	v17 =	vsub.f32 $1.500000000e+00, v17;
	v23 =	vadd.f32 v40, v39;
	v7 =	vmul.f32 v8, v7  }
0x69: {  	v19 =	vsub.f32 $1.500000000e+00, v37;
	v8 =	vmul.f32 v41, v14;
	v37 =	vmul.f32 v24, v24  }
0x6a: {  	v5 =	vmul.f32 v17, v5;
	v46 =	vadd.f32 v42, v23;
	v23 =	vld [tilespmem:$0x270];
	v44 =	vmul.f32 v7, v20  }
0x6b: {  	v58 =	vld [tilespmem:$0x870];
	v15 =	vmul.f32 v15, v19;
	v53 =	vadd.f32 v8, v11;
	v8 =	vmul.f32 $1.000000010e-01, v35  }
0x6c: {  	v42 =	vld [tilespmem:$0x860];
	v49 =	vshra.s32 v46, $0x1;
	v19 =	vmul.f32 $5.000000000e-01, v46;
	v1 =	vmul.f32 v5, v1  }
0x6d: {  	v5 =	vld [tilespmem:$0x90];
	v47 =	vmul.f32 v44, v7;
	v48 =	vmul.f32 v15, v9;
	v50 =	vsub.s32 $0x5F3759DF, v49  }
0x6e: {  	v52 =	vmul.f32 v50, v19;
	v1 =	vsub.f32 v3, v1;
	v3 =	vadd.f32 v32, v30  }
0x6f: {  	v12 =	vsub.f32 $1.500000000e+00, v47;
	v51 =	vmul.f32 v48, v15;
	v60 =	vmul.f32 v23, v23;
	v48 =	vld [tilespmem:$0xA60]  }
0x70: {  	v27 =	vmul.f32 v58, v23;
	v57 =	vmul.f32 v50, v52;
	v3 =	vadd.f32 v10, v3  }
0x71: {  	v7 =	vmul.f32 v12, v7;
	v13 =	vsub.f32 $1.500000000e+00, v51;
	v28 =	vadd.f32 v60, v59  }
0x72: {  	v10 =	vmul.f32 v42, v16;
	v54 =	vmul.f32 v5, v5;
	v59 =	vld [tilespmem:$0xA70];
	v63 =	vsub.f32 $1.500000000e+00, v57  }
0x73: {  	v61 =	vmul.f32 v7, v53;
	v62 =	vmul.f32 v13, v15;
	v7 =	vld [tilespmem:$0x80];
	v34 =	vadd.f32 v29, v28  }
0x74: {  	v0 =	vadd.f32 v2, v0;
	v13 =	vld [tilespmem:$0x480];
	v33 =	vmul.f32 v50, v63;
	v20 =	vmul.f32 v48, v26  }
0x75: {  	v1 =	vand.u32 $0x7FFFFFFF, v1;
	v31 =	vmul.f32 v62, v9;
	v15 =	vmul.f32 $5.000000000e-01, v34  }
0x76: {  	v52 =	vld [tilespmem:$0xC60];
	v12 =	vshra.s32 v34, $0x1;
	v2 =	vsub.f32 v55, v61;
	v14 =	vmul.f32 v33, v19  }
0x77: {  	v29 =	vld [tilespmem:$0x880];
	v12 =	vsub.s32 $0x5F3759DF, v12;
	v28 =	vmul.f32 v59, v22;
	v4 =	vmul.f32 v31, v62  }
0x78: {  	v0 =	vadd.f32 v1, v0;
	v26 =	vld [tilespmem:$0x4A0];
	v39 =	vmul.f32 v12, v15;
	v36 =	vmul.f32 v7, v7  }
0x79: {  	v2 =	vand.u32 $0x7FFFFFFF, v2;
	v14 =	vmul.f32 v14, v33;
	v40 =	vmul.f32 v13, v13  }
0x7a: {  	v0 =	vadd.f32 v2, v0;
	v4 =	vsub.f32 $1.500000000e+00, v4;
	v43 =	vmul.f32 v12, v39  }
0x7b: {  	v2 =	vmul.f32 $1.000000010e-01, v52;
	v39 =	vld [tilespmem:$0xC80];
	v17 =	vadd.f32 v37, v36;
	v41 =	vsub.f32 $1.500000000e+00, v14  }
0x7c: {  	v38 =	vmul.f32 v29, v24;
	v4 =	vmul.f32 v4, v62;
	v45 =	vsub.f32 $1.500000000e+00, v43  }
0x7d: {  	v37 =	vmul.f32 v26, v26;
	v62 =	vld [tilespmem:$0x680];
	v17 =	vadd.f32 v40, v17;
	v44 =	vmul.f32 v41, v33  }
0x7e: {  	v23 =	vld [tilespmem:$0x2B0];
	v6 =	vadd.f32 v10, v6;
	v3 =	vmul.f32 v4, v3;
	v49 =	vmul.f32 v12, v45  }
0x7f: {  	v46 =	vshra.s32 v17, $0x1;
	v47 =	vmul.f32 $5.000000000e-01, v17;
	v17 =	vld [tilespmem:$0x290];
	v19 =	vmul.f32 v44, v19  }
0x80: {  	v12 =	vld [tilespmem:$0x490];
	v48 =	vmul.f32 $1.000000010e-01, v39;
	v11 =	vsub.s32 $0x5F3759DF, v46;
	v53 =	vmul.f32 v49, v15  }
0x81: {  	v3 =	vsub.f32 v8, v3;
	v50 =	vmul.f32 v11, v47;
	v51 =	vmul.f32 v19, v44  }
0x82: {  	v6 =	vadd.f32 v20, v6;
	v31 =	vld [tilespmem:$0xC70];
	v7 =	vmul.f32 v62, v7;
	v19 =	vmul.f32 v53, v49  }
0x83: {  	v3 =	vand.u32 $0x7FFFFFFF, v3;
	v53 =	vmul.f32 v23, v23;
	v9 =	vmul.f32 v11, v50  }
0x84: {  	v16 =	vsub.f32 $1.500000000e+00, v51;
	v0 =	vadd.f32 v3, v0;
	v51 =	vld [tilespmem:$0xA90];
	v55 =	vmul.f32 v17, v17  }
0x85: {  	v57 =	vmul.f32 v12, v12;
	v3 =	vadd.f32 v27, v18;
	v19 =	vsub.f32 $1.500000000e+00, v19  }
0x86: {  	v9 =	vsub.f32 $1.500000000e+00, v9;
	v4 =	vmul.f32 v16, v44;
	v16 =	vld [tilespmem:$0xB0];
	v10 =	vadd.f32 v55, v54  }
0x87: {  	v18 =	vmul.f32 $1.000000010e-01, v31;
	v7 =	vadd.f32 v38, v7;
	v1 =	vmul.f32 v19, v49;
	v19 =	vld [tilespmem:$0x2A0]  }
0x88: {  	v9 =	vmul.f32 v11, v9;
	v4 =	vmul.f32 v4, v6;
	v6 =	vld [tilespmem:$0xA0];
	v10 =	vadd.f32 v57, v10  }
0x89: {  	v3 =	vadd.f32 v28, v3;
	v15 =	vmul.f32 v1, v15;
	v12 =	vmul.f32 v51, v12  }
0x8a: {  	v49 =	vld [tilespmem:$0x890];
	v60 =	vmul.f32 v9, v47;
	v61 =	vshra.s32 v10, $0x1;
	v10 =	vmul.f32 $5.000000000e-01, v10  }
0x8b: {  	v28 =	vld [tilespmem:$0x6A0];
	v15 =	vmul.f32 v15, v1;
	v52 =	vmul.f32 v16, v16;
	v11 =	vsub.s32 $0x5F3759DF, v61  }
0x8c: {  	v34 =	vld [tilespmem:$0xA80];
	v2 =	vsub.f32 v2, v4;
	v8 =	vmul.f32 v60, v9;
	v63 =	vmul.f32 v11, v10  }
0x8d: {  	v33 =	vmul.f32 v19, v19;
	v32 =	vmul.f32 v6, v6;
	v15 =	vsub.f32 $1.500000000e+00, v15  }
0x8e: {  	v2 =	vand.u32 $0x7FFFFFFF, v2;
	v8 =	vsub.f32 $1.500000000e+00, v8;
	v30 =	vmul.f32 v11, v63  }
0x8f: {  	v38 =	vld [tilespmem:$0xAA0];
	v60 =	vmul.f32 v49, v17;
	v36 =	vadd.f32 v33, v32;
	v1 =	vmul.f32 v15, v1  }
0x90: {  	v24 =	vld [tilespmem:$0x2C0];
	v6 =	vmul.f32 v28, v6;
	v8 =	vmul.f32 v8, v9;
	v35 =	vsub.f32 $1.500000000e+00, v30  }
0x91: {  	v9 =	vmul.f32 v34, v13;
	v13 =	vld [tilespmem:$0x4C0];
	v40 =	vadd.f32 v37, v36;
	v1 =	vmul.f32 v1, v3  }
0x92: {  	v0 =	vadd.f32 v2, v0;
	v14 =	vmul.f32 v8, v47;
	v11 =	vmul.f32 v11, v35  }
0x93: {  	v47 =	vld [tilespmem:$0x690];
	v22 =	vshra.s32 v40, $0x1;
	v20 =	vmul.f32 $5.000000000e-01, v40;
	v1 =	vsub.f32 v18, v1  }
0x94: {  	v18 =	vmul.f32 v38, v26;
	v26 =	vld [tilespmem:$0x4E0];
	v14 =	vmul.f32 v14, v8;
	v42 =	vsub.s32 $0x5F3759DF, v22  }
0x95: {  	v57 =	vadd.f32 v53, v52;
	v22 =	vld [tilespmem:$0x4B0];
	v21 =	vmul.f32 v11, v10;
	v44 =	vmul.f32 v42, v20  }
0x96: {  	v63 =	vmul.f32 v24, v24;
	v30 =	vmul.f32 v13, v13;
	v41 =	vsub.f32 $1.500000000e+00, v14  }
0x97: {  	v32 =	vld [tilespmem:$0x8A0];
	v45 =	vadd.f32 v9, v7;
	v43 =	vmul.f32 v21, v11;
	v50 =	vmul.f32 v42, v44  }
0x98: {  	v1 =	vand.u32 $0x7FFFFFFF, v1;
	v5 =	vmul.f32 v47, v5;
	v46 =	vmul.f32 v41, v8  }
0x99: {  	v61 =	vld [tilespmem:$0xC90];
	v28 =	vmul.f32 v26, v26;
	v4 =	vsub.f32 $1.500000000e+00, v43;
	v56 =	vsub.f32 $1.500000000e+00, v50  }
0x9a: {  	v58 =	vmul.f32 v22, v22;
	v5 =	vadd.f32 v60, v5;
	v50 =	vld [tilespmem:$0xAB0];
	v54 =	vmul.f32 v46, v45  }
0x9b: {  	v0 =	vadd.f32 v1, v0;
	v46 =	vld [tilespmem:$0x6B0];
	v55 =	vmul.f32 v4, v11;
	v7 =	vmul.f32 v42, v56  }
0x9c: {  	v4 =	vld [tilespmem:$0xC0];
	v11 =	vadd.f32 v58, v57;
	v5 =	vadd.f32 v12, v5;
	v12 =	vmul.f32 v32, v19  }
0x9d: {  	v42 =	vld [tilespmem:$0xCA0];
	v2 =	vsub.f32 v48, v54;
	v59 =	vmul.f32 v55, v10;
	v14 =	vmul.f32 v7, v20  }
0x9e: {  	v53 =	vld [tilespmem:$0x6C0];
	v15 =	vmul.f32 $5.000000000e-01, v11;
	v11 =	vshra.s32 v11, $0x1;
	v10 =	vmul.f32 $1.000000010e-01, v61  }
0x9f: {  	v11 =	vsub.s32 $0x5F3759DF, v11;
	v56 =	vmul.f32 v50, v22;
	v8 =	vmul.f32 v59, v55  }
0xa0: {  	v57 =	vld [tilespmem:$0x8C0];
	v2 =	vand.u32 $0x7FFFFFFF, v2;
	v14 =	vmul.f32 v14, v7;
	v29 =	vmul.f32 v11, v15  }
0xa1: {  	v0 =	vadd.f32 v2, v0;
	v16 =	vmul.f32 v46, v16;
	v62 =	vmul.f32 v4, v4  }
0xa2: {  	v2 =	vmul.f32 $1.000000010e-01, v42;
	v8 =	vsub.f32 $1.500000000e+00, v8;
	v31 =	vsub.f32 $1.500000000e+00, v14  }
0xa3: {  	v48 =	vld [tilespmem:$0x8B0];
	v4 =	vmul.f32 v53, v4;
	v33 =	vmul.f32 v11, v29;
	v17 =	vadd.f32 v63, v62  }
0xa4: {  	v38 =	vld [tilespmem:$0x6D0];
	v6 =	vadd.f32 v12, v6;
	v3 =	vmul.f32 v8, v55;
	v34 =	vmul.f32 v31, v7  }
0xa5: {  	v29 =	vmul.f32 v57, v24;
	v7 =	vld [tilespmem:$0xD0];
	v35 =	vsub.f32 $1.500000000e+00, v33;
	v17 =	vadd.f32 v30, v17  }
0xa6: {  	v6 =	vadd.f32 v18, v6;
	v18 =	vld [tilespmem:$0xF0];
	v3 =	vmul.f32 v3, v5;
	v20 =	vmul.f32 v34, v20  }
0xa7: {  	v39 =	vmul.f32 v11, v35;
	v11 =	vld [tilespmem:$0x4D0];
	v36 =	vshra.s32 v17, $0x1;
	v37 =	vmul.f32 $5.000000000e-01, v17  }
0xa8: {  	v55 =	vmul.f32 v48, v23;
	v17 =	vld [tilespmem:$0x2D0];
	v9 =	vsub.s32 $0x5F3759DF, v36;
	v41 =	vmul.f32 v20, v34  }
0xa9: {  	v59 =	vld [tilespmem:$0xCB0];
	v43 =	vmul.f32 v39, v15;
	v3 =	vsub.f32 v10, v3;
	v40 =	vmul.f32 v9, v37  }
0xaa: {  	v42 =	vld [tilespmem:$0xAD0];
	v44 =	vmul.f32 v7, v7;
	v7 =	vmul.f32 v38, v7;
	v19 =	vsub.f32 $1.500000000e+00, v41  }
0xab: {  	v23 =	vld [tilespmem:$0x2F0];
	v20 =	vmul.f32 v43, v39;
	v3 =	vand.u32 $0x7FFFFFFF, v3;
	v43 =	vmul.f32 v18, v18  }
0xac: {  	v30 =	vld [tilespmem:$0xCC0];
	v8 =	vmul.f32 v9, v40;
	v47 =	vmul.f32 v11, v11;
	v0 =	vadd.f32 v3, v0  }
0xad: {  	v3 =	vadd.f32 v55, v16;
	v45 =	vmul.f32 v17, v17;
	v5 =	vmul.f32 v19, v34  }
0xae: {  	v16 =	vmul.f32 $1.000000010e-01, v59;
	v49 =	vsub.f32 $1.500000000e+00, v20;
	v19 =	vld [tilespmem:$0x2E0];
	v8 =	vsub.f32 $1.500000000e+00, v8  }
0xaf: {  	v40 =	vld [tilespmem:$0x8D0];
	v11 =	vmul.f32 v42, v11;
	v12 =	vadd.f32 v45, v44;
	v5 =	vmul.f32 v5, v6  }
0xb0: {  	v25 =	vld [tilespmem:$0xAE0];
	v4 =	vadd.f32 v29, v4;
	v1 =	vmul.f32 v49, v39;
	v8 =	vmul.f32 v9, v8  }
0xb1: {  	v6 =	vld [tilespmem:$0xE0];
	v39 =	vmul.f32 $1.000000010e-01, v30;
	v44 =	vmul.f32 v23, v23;
	v51 =	vadd.f32 v47, v12  }
0xb2: {  	v55 =	vld [tilespmem:$0x6E0];
	v3 =	vadd.f32 v56, v3;
	v15 =	vmul.f32 v1, v15;
	v52 =	vmul.f32 v8, v37  }
0xb3: {  	v2 =	vsub.f32 v2, v5;
	v61 =	vmul.f32 v19, v19;
	v9 =	vmul.f32 $5.000000000e-01, v51  }
0xb4: {  	v24 =	vld [tilespmem:$0x300];
	v12 =	vshra.s32 v51, $0x1;
	v15 =	vmul.f32 v15, v1;
	v51 =	vmul.f32 v40, v17  }
0xb5: {  	v62 =	vld [tilespmem:$0xAC0];
	v17 =	vmul.f32 v25, v26;
	v12 =	vsub.s32 $0x5F3759DF, v12;
	v10 =	vmul.f32 v52, v8  }
0xb6: {  	v59 =	vld [tilespmem:$0x8E0];
	v48 =	vadd.f32 v44, v43;
	v60 =	vmul.f32 v6, v6;
	v54 =	vmul.f32 v12, v9  }
0xb7: {  	v25 =	vld [tilespmem:$0x530];
	v6 =	vmul.f32 v55, v6;
	v15 =	vsub.f32 $1.500000000e+00, v15;
	v7 =	vadd.f32 v51, v7  }
0xb8: {  	v10 =	vsub.f32 $1.500000000e+00, v10;
	v27 =	vadd.f32 v61, v60;
	v58 =	vmul.f32 v12, v54  }
0xb9: {  	v2 =	vand.u32 $0x7FFFFFFF, v2;
	v1 =	vmul.f32 v15, v1;
	v54 =	vmul.f32 v24, v24  }
0xba: {  	v7 =	vadd.f32 v11, v7;
	v8 =	vmul.f32 v10, v8;
	v31 =	vadd.f32 v28, v27  }
0xbb: {  	v11 =	vmul.f32 v59, v19;
	v10 =	vmul.f32 v62, v13;
	v13 =	vld [tilespmem:$0x500];
	v63 =	vsub.f32 $1.500000000e+00, v58  }
0xbc: {  	v26 =	vmul.f32 v25, v25;
	v14 =	vmul.f32 v8, v37;
	v22 =	vshra.s32 v31, $0x1  }
0xbd: {  	v20 =	vmul.f32 $5.000000000e-01, v31;
	v36 =	vadd.f32 v10, v4;
	v4 =	vld [tilespmem:$0x100];
	v12 =	vmul.f32 v12, v63  }
0xbe: {  	v1 =	vmul.f32 v1, v3;
	v33 =	vsub.s32 $0x5F3759DF, v22;
	v22 =	vld [tilespmem:$0x4F0];
	v14 =	vmul.f32 v14, v8  }
0xbf: {  	v0 =	vadd.f32 v2, v0;
	v35 =	vmul.f32 v33, v20;
	v21 =	vmul.f32 v12, v9  }
0xc0: {  	v51 =	vld [tilespmem:$0xB00];
	v1 =	vsub.f32 v16, v1;
	v57 =	vmul.f32 v13, v13;
	v32 =	vsub.f32 $1.500000000e+00, v14  }
0xc1: {  	v6 =	vadd.f32 v11, v6;
	v41 =	vmul.f32 v33, v35;
	v34 =	vmul.f32 v21, v12;
	v21 =	vld [tilespmem:$0x520]  }
0xc2: {  	v1 =	vand.u32 $0x7FFFFFFF, v1;
	v53 =	vmul.f32 v4, v4;
	v37 =	vmul.f32 v32, v8  }
0xc3: {  	v52 =	vld [tilespmem:$0xCD0];
	v47 =	vsub.f32 $1.500000000e+00, v41;
	v49 =	vmul.f32 v22, v22;
	v5 =	vsub.f32 $1.500000000e+00, v34  }
0xc4: {  	v0 =	vadd.f32 v1, v0;
	v16 =	vadd.f32 v54, v53;
	v45 =	vmul.f32 v37, v36  }
0xc5: {  	v46 =	vmul.f32 v5, v12;
	v5 =	vmul.f32 v33, v47;
	v12 =	vadd.f32 v49, v48  }
0xc6: {  	v16 =	vadd.f32 v57, v16;
	v57 =	vmul.f32 v51, v13;
	v49 =	vmul.f32 v21, v21  }
0xc7: {  	v2 =	vsub.f32 v39, v45;
	v50 =	vmul.f32 v46, v9;
	v14 =	vmul.f32 v5, v20  }
0xc8: {  	v30 =	vld [tilespmem:$0xCE0];
	v15 =	vmul.f32 $5.000000000e-01, v12;
	v12 =	vshra.s32 v12, $0x1;
	v9 =	vmul.f32 $1.000000010e-01, v52  }
0xc9: {  	v36 =	vld [tilespmem:$0x6F0];
	v63 =	vmul.f32 $5.000000000e-01, v16;
	v12 =	vsub.s32 $0x5F3759DF, v12;
	v8 =	vmul.f32 v50, v46  }
0xca: {  	v62 =	vshra.s32 v16, $0x1;
	v14 =	vmul.f32 v14, v5;
	v56 =	vmul.f32 v12, v15  }
0xcb: {  	v42 =	vld [tilespmem:$0xAF0];
	v10 =	vsub.s32 $0x5F3759DF, v62;
	v2 =	vand.u32 $0x7FFFFFFF, v2;
	v8 =	vsub.f32 $1.500000000e+00, v8  }
0xcc: {  	v47 =	vld [tilespmem:$0x700];
	v28 =	vmul.f32 v10, v63;
	v58 =	vsub.f32 $1.500000000e+00, v14;
	v60 =	vmul.f32 v12, v56  }
0xcd: {  	v0 =	vadd.f32 v2, v0;
	v2 =	vmul.f32 $1.000000010e-01, v30;
	v3 =	vmul.f32 v8, v46  }
0xce: {  	v16 =	vld [tilespmem:$0x310];
	v41 =	vmul.f32 v36, v18;
	v5 =	vmul.f32 v58, v5;
	v61 =	vsub.f32 $1.500000000e+00, v60  }
0xcf: {  	v6 =	vadd.f32 v17, v6;
	v17 =	vld [tilespmem:$0x320];
	v8 =	vmul.f32 v10, v28;
	v3 =	vmul.f32 v3, v7  }
0xd0: {  	v7 =	vld [tilespmem:$0x110];
	v20 =	vmul.f32 v5, v20;
	v27 =	vmul.f32 v12, v61  }
0xd1: {  	v50 =	vmul.f32 v42, v22;
	v4 =	vmul.f32 v47, v4;
	v12 =	vld [tilespmem:$0x510];
	v8 =	vsub.f32 $1.500000000e+00, v8  }
0xd2: {  	v58 =	vld [tilespmem:$0x710];
	v29 =	vmul.f32 v20, v5;
	v31 =	vmul.f32 v27, v15  }
0xd3: {  	v33 =	vmul.f32 v16, v16;
	v8 =	vmul.f32 v10, v8;
	v3 =	vsub.f32 v9, v3  }
0xd4: {  	v46 =	vmul.f32 v17, v17;
	v61 =	vld [tilespmem:$0x910];
	v19 =	vsub.f32 $1.500000000e+00, v29;
	v20 =	vmul.f32 v31, v27  }
0xd5: {  	v39 =	vld [tilespmem:$0x8F0];
	v38 =	vmul.f32 v8, v63;
	v3 =	vand.u32 $0x7FFFFFFF, v3;
	v32 =	vmul.f32 v7, v7  }
0xd6: {  	v48 =	vld [tilespmem:$0x900];
	v34 =	vmul.f32 v12, v12;
	v5 =	vmul.f32 v19, v5;
	v35 =	vsub.f32 $1.500000000e+00, v20  }
0xd7: {  	v54 =	vld [tilespmem:$0xD00];
	v7 =	vmul.f32 v58, v7;
	v9 =	vmul.f32 v38, v8;
	v11 =	vadd.f32 v33, v32  }
0xd8: {  	v22 =	vld [tilespmem:$0x330];
	v0 =	vadd.f32 v3, v0;
	v5 =	vmul.f32 v5, v6;
	v1 =	vmul.f32 v35, v27  }
0xd9: {  	v30 =	vmul.f32 v61, v16;
	v6 =	vld [tilespmem:$0x120];
	v9 =	vsub.f32 $1.500000000e+00, v9;
	v37 =	vadd.f32 v34, v11  }
0xda: {  	v33 =	vld [tilespmem:$0xD10];
	v2 =	vsub.f32 v2, v5;
	v15 =	vmul.f32 v1, v15;
	v5 =	vmul.f32 v39, v23  }
0xdb: {  	v8 =	vmul.f32 v9, v8;
	v9 =	vmul.f32 v48, v24;
	v11 =	vshra.s32 v37, $0x1  }
0xdc: {  	v44 =	vld [tilespmem:$0xCF0];
	v24 =	vmul.f32 $1.000000010e-01, v54;
	v10 =	vmul.f32 $5.000000000e-01, v37;
	v11 =	vsub.s32 $0x5F3759DF, v11  }
0xdd: {  	v23 =	vld [tilespmem:$0x340];
	v2 =	vand.u32 $0x7FFFFFFF, v2;
	v15 =	vmul.f32 v15, v1;
	v14 =	vmul.f32 v8, v63  }
0xde: {  	v38 =	vld [tilespmem:$0x720];
	v3 =	vadd.f32 v5, v41;
	v40 =	vmul.f32 v11, v10;
	v45 =	vmul.f32 v6, v6  }
0xdf: {  	v56 =	vadd.f32 v9, v4;
	v63 =	vmul.f32 v22, v22;
	v41 =	vmul.f32 $1.000000010e-01, v33  }
0xe0: {  	v0 =	vadd.f32 v2, v0;
	v43 =	vmul.f32 v11, v40;
	v20 =	vadd.f32 v46, v45  }
0xe1: {  	v2 =	vmul.f32 $1.000000010e-01, v44;
	v15 =	vsub.f32 $1.500000000e+00, v15;
	v53 =	vmul.f32 v14, v8  }
0xe2: {  	v14 =	vld [tilespmem:$0x130];
	v35 =	vmul.f32 v23, v23;
	v19 =	vsub.f32 $1.500000000e+00, v43;
	v52 =	vadd.f32 v49, v20  }
0xe3: {  	v3 =	vadd.f32 v50, v3;
	v45 =	vmul.f32 v38, v6;
	v1 =	vmul.f32 v15, v1  }
0xe4: {  	v58 =	vld [tilespmem:$0x730];
	v11 =	vmul.f32 v11, v19;
	v20 =	vshra.s32 v52, $0x1;
	v18 =	vmul.f32 $5.000000000e-01, v52  }
0xe5: {  	v46 =	vld [tilespmem:$0xB20];
	v5 =	vsub.f32 $1.500000000e+00, v53;
	v1 =	vmul.f32 v1, v3;
	v20 =	vsub.s32 $0x5F3759DF, v20  }
0xe6: {  	v31 =	vld [tilespmem:$0xB10];
	v19 =	vmul.f32 v11, v10;
	v55 =	vmul.f32 v20, v18  }
0xe7: {  	v49 =	vld [tilespmem:$0xD20];
	v5 =	vmul.f32 v5, v8;
	v3 =	vadd.f32 v57, v56;
	v62 =	vmul.f32 v14, v14  }
0xe8: {  	v8 =	vld [tilespmem:$0x150];
	v19 =	vmul.f32 v19, v11;
	v60 =	vmul.f32 v20, v55  }
0xe9: {  	v14 =	vmul.f32 v58, v14;
	v1 =	vsub.f32 v2, v1;
	v3 =	vmul.f32 v5, v3  }
0xea: {  	v54 =	vmul.f32 v46, v21;
	v21 =	vld [tilespmem:$0x560];
	v59 =	vsub.f32 $1.500000000e+00, v19;
	v13 =	vsub.f32 $1.500000000e+00, v60  }
0xeb: {  	v2 =	vmul.f32 v31, v12;
	v15 =	vadd.f32 v63, v62;
	v1 =	vand.u32 $0x7FFFFFFF, v1  }
0xec: {  	v3 =	vsub.f32 v24, v3;
	v9 =	vmul.f32 v59, v11;
	v11 =	vld [tilespmem:$0x140];
	v28 =	vmul.f32 v20, v13  }
0xed: {  	v57 =	vmul.f32 $1.000000010e-01, v49;
	v29 =	vadd.f32 v26, v15;
	v50 =	vmul.f32 v8, v8;
	v13 =	vld [tilespmem:$0x540]  }
0xee: {  	v0 =	vadd.f32 v1, v0;
	v20 =	vld [tilespmem:$0x550];
	v27 =	vmul.f32 v9, v10;
	v32 =	vmul.f32 v28, v18  }
0xef: {  	v6 =	vld [tilespmem:$0x160];
	v15 =	vmul.f32 $5.000000000e-01, v29;
	v31 =	vmul.f32 v21, v21;
	v10 =	vshra.s32 v29, $0x1  }
0xf0: {  	v10 =	vsub.s32 $0x5F3759DF, v10;
	v5 =	vmul.f32 v27, v9;
	v4 =	vmul.f32 v32, v28;
	v32 =	vld [tilespmem:$0x740]  }
0xf1: {  	v1 =	vadd.f32 v30, v7;
	v36 =	vmul.f32 v10, v15;
	v27 =	vld [tilespmem:$0x370];
	v34 =	vmul.f32 v11, v11  }
0xf2: {  	v43 =	vld [tilespmem:$0x920];
	v37 =	vmul.f32 v13, v13;
	v5 =	vsub.f32 $1.500000000e+00, v5;
	v4 =	vsub.f32 $1.500000000e+00, v4  }
0xf3: {  	v30 =	vld [tilespmem:$0xD30];
	v1 =	vadd.f32 v2, v1;
	v53 =	vmul.f32 v20, v20;
	v39 =	vmul.f32 v10, v36  }
0xf4: {  	v19 =	vadd.f32 v35, v34;
	v5 =	vmul.f32 v5, v9;
	v4 =	vmul.f32 v4, v28  }
0xf5: {  	v9 =	vsub.f32 $1.500000000e+00, v39;
	v28 =	vmul.f32 v6, v6;
	v39 =	vmul.f32 v32, v11  }
0xf6: {  	v3 =	vand.u32 $0x7FFFFFFF, v3;
	v49 =	vmul.f32 v27, v27;
	v1 =	vmul.f32 v5, v1  }
0xf7: {  	v40 =	vadd.f32 v37, v19;
	v19 =	vld [tilespmem:$0x350];
	v18 =	vmul.f32 v4, v18;
	v9 =	vmul.f32 v10, v9  }
0xf8: {  	v62 =	vld [tilespmem:$0xB30];
	v0 =	vadd.f32 v3, v0;
	v5 =	vmul.f32 v43, v17;
	v17 =	vmul.f32 $1.000000010e-01, v30  }
0xf9: {  	v34 =	vld [tilespmem:$0xB40];
	v42 =	vshra.s32 v40, $0x1;
	v12 =	vmul.f32 $5.000000000e-01, v40;
	v1 =	vsub.f32 v41, v1  }
0xfa: {  	v40 =	vld [tilespmem:$0xD40];
	v16 =	vsub.s32 $0x5F3759DF, v42;
	v47 =	vmul.f32 v18, v4;
	v48 =	vmul.f32 v9, v15  }
0xfb: {  	v2 =	vadd.f32 v5, v45;
	v45 =	vld [tilespmem:$0x750];
	v44 =	vmul.f32 v16, v12;
	v1 =	vand.u32 $0x7FFFFFFF, v1  }
0xfc: {  	v51 =	vmul.f32 v19, v19;
	v7 =	vsub.f32 $1.500000000e+00, v47;
	v3 =	vmul.f32 v48, v9  }
0xfd: {  	v61 =	vld [tilespmem:$0x930];
	v2 =	vadd.f32 v54, v2;
	v10 =	vmul.f32 v16, v44;
	v0 =	vadd.f32 v1, v0  }
0xfe: {  	v1 =	vmul.f32 v62, v25;
	v44 =	vmul.f32 v34, v13;
	v52 =	vadd.f32 v51, v50  }
0xff: {  	v25 =	vld [tilespmem:$0x570];
	v3 =	vsub.f32 $1.500000000e+00, v3;
	v4 =	vmul.f32 v7, v4;
	v11 =	vmul.f32 $1.000000010e-01, v40  }
0x100: {  	v10 =	vsub.f32 $1.500000000e+00, v10;
	v54 =	vmul.f32 v45, v8;
	v56 =	vadd.f32 v53, v52  }
0x101: {  	v50 =	vld [tilespmem:$0x950];
	v3 =	vmul.f32 v3, v9;
	v2 =	vmul.f32 v4, v2  }
0x102: {  	v4 =	vmul.f32 v61, v22;
	v52 =	vld [tilespmem:$0xB50];
	v55 =	vmul.f32 v16, v10;
	v60 =	vshra.s32 v56, $0x1  }
0x103: {  	v16 =	vld [tilespmem:$0x360];
	v10 =	vmul.f32 $5.000000000e-01, v56;
	v15 =	vmul.f32 v3, v15;
	v2 =	vsub.f32 v57, v2  }
0x104: {  	v4 =	vadd.f32 v4, v14;
	v51 =	vmul.f32 v25, v25;
	v57 =	vld [tilespmem:$0x760];
	v18 =	vsub.s32 $0x5F3759DF, v60  }
0x105: {  	v59 =	vmul.f32 v55, v12;
	v63 =	vmul.f32 v18, v10  }
0x106: {  	v33 =	vld [tilespmem:$0x940];
	v15 =	vmul.f32 v15, v3;
	v2 =	vand.u32 $0x7FFFFFFF, v2;
	v1 =	vadd.f32 v1, v4  }
0x107: {  	v4 =	vmul.f32 v50, v19;
	v19 =	vld [tilespmem:$0x380];
	v9 =	vmul.f32 v59, v55;
	v0 =	vadd.f32 v2, v0  }
0x108: {  	v61 =	vld [tilespmem:$0x960];
	v29 =	vmul.f32 v16, v16;
	v24 =	vmul.f32 v18, v63;
	v15 =	vsub.f32 $1.500000000e+00, v15  }
0x109: {  	v60 =	vmul.f32 v52, v20;
	v9 =	vsub.f32 $1.500000000e+00, v9;
	v6 =	vmul.f32 v57, v6  }
0x10a: {  	v20 =	vld [tilespmem:$0x5A0];
	v5 =	vadd.f32 v29, v28;
	v24 =	vsub.f32 $1.500000000e+00, v24;
	v3 =	vmul.f32 v15, v3  }
0x10b: {  	v4 =	vadd.f32 v4, v54;
	v7 =	vmul.f32 v9, v55;
	v9 =	vmul.f32 v33, v23  }
0x10c: {  	v30 =	vmul.f32 v19, v19;
	v5 =	vadd.f32 v31, v5;
	v35 =	vmul.f32 v18, v24;
	v24 =	vld [tilespmem:$0x170]  }
0x10d: {  	v4 =	vadd.f32 v60, v4;
	v1 =	vmul.f32 v3, v1;
	v31 =	vmul.f32 v61, v16  }
0x10e: {  	v34 =	vld [tilespmem:$0xD60];
	v12 =	vmul.f32 v7, v12;
	v36 =	vshra.s32 v5, $0x1;
	v5 =	vmul.f32 $5.000000000e-01, v5  }
0x10f: {  	v15 =	vld [tilespmem:$0x190];
	v57 =	vmul.f32 v20, v20;
	v37 =	vmul.f32 v35, v10;
	v18 =	vsub.s32 $0x5F3759DF, v36  }
0x110: {  	v16 =	vld [tilespmem:$0x390];
	v43 =	vadd.f32 v9, v39;
	v12 =	vmul.f32 v12, v7;
	v38 =	vmul.f32 v18, v5  }
0x111: {  	v26 =	vld [tilespmem:$0xB60];
	v33 =	vadd.f32 v31, v6;
	v41 =	vmul.f32 v37, v35;
	v48 =	vmul.f32 v24, v24  }
0x112: {  	v3 =	vadd.f32 v44, v43;
	v12 =	vsub.f32 $1.500000000e+00, v12;
	v42 =	vmul.f32 v18, v38  }
0x113: {  	v6 =	vmul.f32 $1.000000010e-01, v34;
	v46 =	vsub.f32 $1.500000000e+00, v41;
	v2 =	vadd.f32 v49, v48  }
0x114: {  	v55 =	vld [tilespmem:$0xD50];
	v41 =	vmul.f32 v15, v15;
	v7 =	vmul.f32 v12, v7;
	v47 =	vsub.f32 $1.500000000e+00, v42  }
0x115: {  	v39 =	vld [tilespmem:$0x770];
	v12 =	vmul.f32 v46, v35;
	v42 =	vmul.f32 v16, v16;
	v2 =	vadd.f32 v51, v2  }
0x116: {  	v1 =	vsub.f32 v17, v1;
	v3 =	vmul.f32 v7, v3;
	v7 =	vmul.f32 v26, v21;
	v51 =	vld [tilespmem:$0xD70]  }
0x117: {  	v26 =	vld [tilespmem:$0x3B0];
	v13 =	vmul.f32 v18, v47;
	v10 =	vmul.f32 v12, v10;
	v59 =	vshra.s32 v2, $0x1  }
0x118: {  	v18 =	vld [tilespmem:$0x180];
	v2 =	vmul.f32 $5.000000000e-01, v2;
	v3 =	vsub.f32 v11, v3;
	v11 =	vadd.f32 v42, v41  }
0x119: {  	v41 =	vld [tilespmem:$0x990];
	v53 =	vmul.f32 v13, v5;
	v56 =	vmul.f32 v10, v12;
	v17 =	vsub.s32 $0x5F3759DF, v59  }
0x11a: {  	v50 =	vld [tilespmem:$0xB70];
	v1 =	vand.u32 $0x7FFFFFFF, v1;
	v8 =	vmul.f32 $1.000000010e-01, v55;
	v62 =	vmul.f32 v17, v2  }
0x11b: {  	v43 =	vld [tilespmem:$0x970];
	v49 =	vmul.f32 v39, v24;
	v58 =	vmul.f32 v53, v13;
	v9 =	vsub.f32 $1.500000000e+00, v56  }
0x11c: {  	v0 =	vadd.f32 v1, v0;
	v53 =	vld [tilespmem:$0x780];
	v31 =	vmul.f32 v26, v26;
	v23 =	vmul.f32 v17, v62  }
0x11d: {  	v29 =	vmul.f32 v18, v18;
	v14 =	vsub.f32 $1.500000000e+00, v58;
	v63 =	vmul.f32 v9, v12;
	v12 =	vld [tilespmem:$0x580]  }
0x11e: {  	v58 =	vmul.f32 $1.000000010e-01, v51;
	v16 =	vmul.f32 v41, v16;
	v28 =	vsub.f32 $1.500000000e+00, v23  }
0x11f: {  	v3 =	vand.u32 $0x7FFFFFFF, v3;
	v22 =	vmul.f32 v14, v13;
	v1 =	vmul.f32 v63, v4;
	v14 =	vld [tilespmem:$0x590]  }
0x120: {  	v0 =	vadd.f32 v3, v0;
	v10 =	vmul.f32 v17, v28;
	v17 =	vmul.f32 v43, v27;
	v28 =	vld [tilespmem:$0xB80]  }
0x121: {  	v13 =	vadd.f32 v30, v29;
	v61 =	vmul.f32 v53, v18;
	v5 =	vmul.f32 v22, v5  }
0x122: {  	v1 =	vsub.f32 v8, v1;
	v8 =	vmul.f32 v50, v25;
	v32 =	vmul.f32 v12, v12  }
0x123: {  	v4 =	vadd.f32 v7, v33;
	v25 =	vld [tilespmem:$0x1B0];
	v35 =	vmul.f32 v10, v2;
	v5 =	vmul.f32 v5, v22  }
0x124: {  	v1 =	vand.u32 $0x7FFFFFFF, v1;
	v13 =	vadd.f32 v32, v13;
	v45 =	vmul.f32 v14, v14  }
0x125: {  	v37 =	vmul.f32 v35, v10;
	v5 =	vsub.f32 $1.500000000e+00, v5;
	v12 =	vmul.f32 v28, v12  }
0x126: {  	v39 =	vld [tilespmem:$0xD80];
	v38 =	vmul.f32 $5.000000000e-01, v13;
	v40 =	vshra.s32 v13, $0x1;
	v48 =	vadd.f32 v45, v11  }
0x127: {  	v11 =	vld [tilespmem:$0x3A0];
	v36 =	vmul.f32 v5, v22;
	v5 =	vsub.f32 $1.500000000e+00, v37;
	v9 =	vsub.s32 $0x5F3759DF, v40  }
0x128: {  	v0 =	vadd.f32 v1, v0;
	v30 =	vmul.f32 v25, v25;
	v40 =	vld [tilespmem:$0x790];
	v44 =	vmul.f32 v9, v38  }
0x129: {  	v13 =	vshra.s32 v48, $0x1;
	v3 =	vmul.f32 v36, v4;
	v46 =	vmul.f32 v5, v10  }
0x12a: {  	v21 =	vadd.f32 v31, v30;
	v5 =	vld [tilespmem:$0x1A0];
	v10 =	vmul.f32 $5.000000000e-01, v48;
	v47 =	vmul.f32 v9, v44  }
0x12b: {  	v13 =	vsub.s32 $0x5F3759DF, v13;
	v3 =	vsub.f32 v6, v3;
	v2 =	vmul.f32 v46, v2  }
0x12c: {  	v50 =	vld [tilespmem:$0x9A0];
	v52 =	vmul.f32 v13, v10;
	v55 =	vmul.f32 v11, v11;
	v1 =	vsub.f32 $1.500000000e+00, v47  }
0x12d: {  	v62 =	vld [tilespmem:$0x980];
	v6 =	vadd.f32 v17, v49;
	v49 =	vmul.f32 $1.000000010e-01, v39;
	v15 =	vmul.f32 v40, v15  }
0x12e: {  	v47 =	vld [tilespmem:$0x7A0];
	v2 =	vmul.f32 v2, v46;
	v3 =	vand.u32 $0x7FFFFFFF, v3;
	v1 =	vmul.f32 v9, v1  }
0x12f: {  	v43 =	vld [tilespmem:$0xB90];
	v6 =	vadd.f32 v8, v6;
	v54 =	vmul.f32 v5, v5;
	v9 =	vmul.f32 v13, v52  }
0x130: {  	v17 =	vld [tilespmem:$0x3E0];
	v0 =	vadd.f32 v3, v0;
	v2 =	vsub.f32 $1.500000000e+00, v2;
	v56 =	vmul.f32 v1, v38  }
0x131: {  	v11 =	vmul.f32 v50, v11;
	v52 =	vld [tilespmem:$0x7B0];
	v22 =	vadd.f32 v55, v54;
	v9 =	vsub.f32 $1.500000000e+00, v9  }
0x132: {  	v15 =	vadd.f32 v16, v15;
	v54 =	vld [tilespmem:$0x1C0];
	v2 =	vmul.f32 v2, v46;
	v59 =	vmul.f32 v56, v1  }
0x133: {  	v5 =	vmul.f32 v47, v5;
	v60 =	vadd.f32 v57, v22;
	v9 =	vmul.f32 v13, v9  }
0x134: {  	v46 =	vld [tilespmem:$0xD90];
	v2 =	vmul.f32 v2, v6;
	v6 =	vmul.f32 v62, v19;
	v8 =	vsub.f32 $1.500000000e+00, v59  }
0x135: {  	v22 =	vld [tilespmem:$0x5B0];
	v63 =	vmul.f32 $5.000000000e-01, v60;
	v29 =	vshra.s32 v60, $0x1;
	v32 =	vmul.f32 v9, v10  }
0x136: {  	v60 =	vmul.f32 v52, v25;
	v3 =	vadd.f32 v6, v61;
	v6 =	vmul.f32 v43, v14  }
0x137: {  	v16 =	vld [tilespmem:$0x5D0];
	v18 =	vsub.s32 $0x5F3759DF, v29;
	v61 =	vmul.f32 v54, v54;
	v43 =	vmul.f32 v17, v17  }
0x138: {  	v5 =	vadd.f32 v11, v5;
	v14 =	vld [tilespmem:$0x5C0];
	v1 =	vmul.f32 v8, v1;
	v33 =	vmul.f32 v18, v63  }
0x139: {  	v2 =	vsub.f32 v58, v2;
	v36 =	vmul.f32 v32, v9;
	v55 =	vmul.f32 $1.000000010e-01, v46;
	v32 =	vld [tilespmem:$0xDA0]  }
0x13a: {  	v34 =	vmul.f32 v22, v22;
	v3 =	vadd.f32 v12, v3;
	v12 =	vld [tilespmem:$0x1D0];
	v35 =	vmul.f32 v1, v38  }
0x13b: {  	v6 =	vadd.f32 v6, v15;
	v15 =	vld [tilespmem:$0x3D0];
	v37 =	vmul.f32 v18, v33;
	v7 =	vsub.f32 $1.500000000e+00, v36  }
0x13c: {  	v38 =	vadd.f32 v34, v21;
	v34 =	vmul.f32 v16, v16;
	v4 =	vmul.f32 v35, v1  }
0x13d: {  	v8 =	vsub.f32 $1.500000000e+00, v37;
	v7 =	vmul.f32 v7, v9;
	v28 =	vmul.f32 v14, v14  }
0x13e: {  	v24 =	vld [tilespmem:$0x1F0];
	v23 =	vshra.s32 v38, $0x1;
	v19 =	vmul.f32 $5.000000000e-01, v38;
	v21 =	vmul.f32 $1.000000010e-01, v32  }
0x13f: {  	v51 =	vld [tilespmem:$0xBA0];
	v4 =	vsub.f32 $1.500000000e+00, v4;
	v8 =	vmul.f32 v18, v8;
	v45 =	vmul.f32 v7, v10  }
0x140: {  	v27 =	vld [tilespmem:$0x5F0];
	v42 =	vsub.s32 $0x5F3759DF, v23;
	v30 =	vmul.f32 v12, v12;
	v31 =	vmul.f32 v15, v15  }
0x141: {  	v2 =	vand.u32 $0x7FFFFFFF, v2;
	v10 =	vld [tilespmem:$0x3C0];
	v44 =	vmul.f32 v42, v19;
	v1 =	vmul.f32 v4, v1  }
0x142: {  	v48 =	vmul.f32 v8, v63;
	v4 =	vmul.f32 v45, v7;
	v33 =	vadd.f32 v31, v30;
	v30 =	vld [tilespmem:$0x7D0]  }
0x143: {  	v0 =	vadd.f32 v2, v0;
	v18 =	vmul.f32 v42, v44;
	v1 =	vmul.f32 v1, v3  }
0x144: {  	v58 =	vld [tilespmem:$0x9B0];
	v23 =	vmul.f32 v48, v8;
	v4 =	vsub.f32 $1.500000000e+00, v4;
	v3 =	vmul.f32 v51, v20  }
0x145: {  	v48 =	vmul.f32 v24, v24;
	v51 =	vmul.f32 v27, v27;
	v18 =	vsub.f32 $1.500000000e+00, v18  }
0x146: {  	v20 =	vld [tilespmem:$0x5E0];
	v62 =	vmul.f32 v10, v10;
	v53 =	vsub.f32 $1.500000000e+00, v23;
	v4 =	vmul.f32 v4, v7  }
0x147: {  	v1 =	vsub.f32 v49, v1;
	v23 =	vld [tilespmem:$0x3F0];
	v9 =	vmul.f32 v42, v18;
	v12 =	vmul.f32 v30, v12  }
0x148: {  	v3 =	vadd.f32 v3, v5;
	v56 =	vmul.f32 v53, v8;
	v4 =	vmul.f32 v4, v6  }
0x149: {  	v1 =	vand.u32 $0x7FFFFFFF, v1;
	v6 =	vmul.f32 v58, v26;
	v57 =	vmul.f32 v9, v19  }
0x14a: {  	v0 =	vadd.f32 v1, v0;
	v1 =	vadd.f32 v62, v61;
	v13 =	vmul.f32 v56, v63  }
0x14b: {  	v29 =	vld [tilespmem:$0xBB0];
	v47 =	vmul.f32 v20, v20;
	v4 =	vsub.f32 v55, v4;
	v8 =	vmul.f32 v57, v9  }
0x14c: {  	v40 =	vld [tilespmem:$0x7C0];
	v1 =	vadd.f32 v28, v1;
	v49 =	vmul.f32 v23, v23;
	v59 =	vmul.f32 v13, v56  }
0x14d: {  	v6 =	vadd.f32 v6, v60;
	v13 =	vld [tilespmem:$0x1E0];
	v4 =	vand.u32 $0x7FFFFFFF, v4;
	v8 =	vsub.f32 $1.500000000e+00, v8  }
0x14e: {  	v36 =	vshra.s32 v1, $0x1;
	v50 =	vadd.f32 v49, v48;
	v11 =	vsub.f32 $1.500000000e+00, v59  }
0x14f: {  	v1 =	vmul.f32 $5.000000000e-01, v1;
	v63 =	vmul.f32 v8, v9;
	v8 =	vadd.f32 v34, v33  }
0x150: {  	v9 =	vmul.f32 v29, v22;
	v18 =	vadd.f32 v51, v50;
	v2 =	vmul.f32 v11, v56  }
0x151: {  	v19 =	vmul.f32 v63, v19;
	v38 =	vshra.s32 v8, $0x1;
	v8 =	vmul.f32 $5.000000000e-01, v8  }
0x152: {  	v29 =	vld [tilespmem:$0xDB0];
	v6 =	vadd.f32 v9, v6;
	v42 =	vmul.f32 v13, v13;
	v9 =	vmul.f32 v40, v54  }
0x153: {  	v56 =	vld [tilespmem:$0xBC0];
	v28 =	vshra.s32 v18, $0x1;
	v18 =	vmul.f32 $5.000000000e-01, v18;
	v39 =	vsub.s32 $0x5F3759DF, v38  }
0x154: {  	v2 =	vmul.f32 v2, v3;
	v28 =	vsub.s32 $0x5F3759DF, v28;
	v35 =	vmul.f32 v19, v63  }
0x155: {  	v19 =	vsub.s32 $0x5F3759DF, v36;
	v41 =	vmul.f32 v39, v8;
	v7 =	vadd.f32 v43, v42  }
0x156: {  	v32 =	vld [tilespmem:$0x9D0];
	v0 =	vadd.f32 v4, v0;
	v61 =	vmul.f32 v28, v18;
	v37 =	vmul.f32 v19, v1  }
0x157: {  	v54 =	vld [tilespmem:$0x9C0];
	v2 =	vsub.f32 v21, v2;
	v31 =	vmul.f32 $1.000000010e-01, v29;
	v7 =	vadd.f32 v47, v7  }
0x158: {  	v11 =	vsub.f32 $1.500000000e+00, v35;
	v46 =	vmul.f32 v39, v41;
	v4 =	vmul.f32 v56, v14  }
0x159: {  	v22 =	vmul.f32 v19, v37;
	v53 =	vshra.s32 v7, $0x1;
	v7 =	vmul.f32 $5.000000000e-01, v7  }
0x15a: {  	v26 =	vmul.f32 v28, v61;
	v5 =	vmul.f32 v11, v63;
	v55 =	vsub.s32 $0x5F3759DF, v53  }
0x15b: {  	v14 =	vmul.f32 v32, v15;
	v45 =	vsub.f32 $1.500000000e+00, v22;
	v58 =	vmul.f32 v55, v7  }
0x15c: {  	v10 =	vmul.f32 v54, v10;
	v44 =	vmul.f32 v5, v6;
	v6 =	vsub.f32 $1.500000000e+00, v46  }
0x15d: {  	v5 =	vmul.f32 v19, v45;
	v22 =	vmul.f32 v55, v58  }
0x15e: {  	v35 =	vld [tilespmem:$0xBD0];
	v2 =	vand.u32 $0x7FFFFFFF, v2;
	v21 =	vsub.f32 $1.500000000e+00, v26;
	v6 =	vmul.f32 v39, v6  }
0x15f: {  	v37 =	vld [tilespmem:$0x7E0];
	v0 =	vadd.f32 v2, v0;
	v52 =	vmul.f32 v5, v1;
	v62 =	vsub.f32 $1.500000000e+00, v22  }
0x160: {  	v9 =	vadd.f32 v10, v9;
	v34 =	vmul.f32 v28, v21;
	v59 =	vmul.f32 v6, v8  }
0x161: {  	v47 =	vld [tilespmem:$0x9F0];
	v12 =	vadd.f32 v14, v12;
	v57 =	vmul.f32 v52, v5;
	v11 =	vmul.f32 v55, v62  }
0x162: {  	v4 =	vadd.f32 v4, v9;
	v38 =	vmul.f32 v34, v18;
	v39 =	vld [tilespmem:$0x9E0];
	v60 =	vmul.f32 v59, v6  }
0x163: {  	v42 =	vmul.f32 v35, v16;
	v19 =	vsub.f32 $1.500000000e+00, v57;
	v33 =	vmul.f32 v11, v7  }
0x164: {  	v10 =	vmul.f32 v37, v13;
	v41 =	vmul.f32 v38, v34;
	v63 =	vsub.f32 $1.500000000e+00, v60  }
0x165: {  	v3 =	vsub.f32 v31, v44;
	v5 =	vmul.f32 v19, v5;
	v36 =	vmul.f32 v33, v11  }
0x166: {  	v52 =	vld [tilespmem:$0xBF0];
	v46 =	vsub.f32 $1.500000000e+00, v41;
	v55 =	vmul.f32 v47, v23;
	v6 =	vmul.f32 v63, v6  }
0x167: {  	v43 =	vld [tilespmem:$0xBE0];
	v48 =	vmul.f32 v39, v17;
	v1 =	vmul.f32 v5, v1;
	v9 =	vsub.f32 $1.500000000e+00, v36  }
0x168: {  	v12 =	vadd.f32 v42, v12;
	v2 =	vmul.f32 v46, v34;
	v8 =	vmul.f32 v6, v8  }
0x169: {  	v40 =	vld [tilespmem:$0xDC0];
	v3 =	vand.u32 $0x7FFFFFFF, v3;
	v1 =	vmul.f32 v1, v5;
	v9 =	vmul.f32 v9, v11  }
0x16a: {  	v45 =	vld [tilespmem:$0x7F0];
	v0 =	vadd.f32 v3, v0;
	v54 =	vmul.f32 v2, v18;
	v8 =	vmul.f32 v8, v6  }
0x16b: {  	v49 =	vld [tilespmem:$0xDD0];
	v58 =	vmul.f32 v52, v27;
	v1 =	vsub.f32 $1.500000000e+00, v1;
	v7 =	vmul.f32 v9, v7  }
0x16c: {  	v56 =	vmul.f32 v54, v2;
	v11 =	vmul.f32 v43, v20;
	v8 =	vsub.f32 $1.500000000e+00, v8  }
0x16d: {  	v53 =	vld [tilespmem:$0xDE0];
	v10 =	vadd.f32 v48, v10;
	v1 =	vmul.f32 v1, v5;
	v51 =	vmul.f32 v7, v9  }
0x16e: {  	v59 =	vsub.f32 $1.500000000e+00, v56;
	v5 =	vmul.f32 $1.000000010e-01, v40;
	v44 =	vmul.f32 v8, v6  }
0x16f: {  	v57 =	vld [tilespmem:$0xDF0];
	v6 =	vmul.f32 v45, v24;
	v1 =	vmul.f32 v1, v4;
	v4 =	vsub.f32 $1.500000000e+00, v51  }
0x170: {  	v10 =	vadd.f32 v11, v10;
	v8 =	vmul.f32 $1.000000010e-01, v49;
	v50 =	vmul.f32 v44, v12  }
0x171: {  	v1 =	vsub.f32 v5, v1;
	v5 =	vadd.f32 v55, v6;
	v4 =	vmul.f32 v4, v9  }
0x172: {  	v60 =	vmul.f32 $1.000000010e-01, v53;
	v2 =	vmul.f32 v59, v2;
	v3 =	vsub.f32 v8, v50  }
0x173: {  	v5 =	vadd.f32 v58, v5;
	v1 =	vand.u32 $0x7FFFFFFF, v1;
	v4 =	vmul.f32 v4, v10  }
0x174: {  	v62 =	vmul.f32 $1.000000010e-01, v57;
	v0 =	vadd.f32 v1, v0  }
0x175: {  	v3 =	vand.u32 $0x7FFFFFFF, v3;
	v2 =	vmul.f32 v2, v5;
	v61 =	vsub.f32 v60, v4  }
0x176: {  	v0 =	vadd.f32 v3, v0  }
0x177: {  	v2 =	vsub.f32 v62, v2;
	v1 =	vand.u32 $0x7FFFFFFF, v61  }
0x178: {  	v0 =	vadd.f32 v1, v0  }
0x179: {  	v63 =	vand.u32 $0x7FFFFFFF, v2  }
0x17a: {  	v0 =	vadd.f32 v63, v0  }
0x17b: {  	p0 =	sne.s32 s11, $0x1  }
.Ltmp0:
0x17c: {  	[tilespmem:$0xE00] =	vst v0;
	(pc) =	sbr.rel @p0 .LBB2_1-.Ltmp0, $4  }
0x17d: {  	[hbm4b:s10+s2] =	stream.linear.scatter [tilespmem:s19], [sflag:$0x1], $0x10, $0x38;
	[tilespmem:$0xE80] =	vst v63  }
0x17e: {  	_ =	swait.ge [sflag:s12], $0x10  }
0x17f: {  	[sflag:s12] =	ssyncset.done $0x0  }
0x180: {  	s11 =	sadd.s32 $0xFFFFFFFF, s11;
	[sflag:s12] =	ssyncadd.s32 $0xFFFFFFF0  }
0x181: {  	_ =	sfence.sel $0x180000  }
0x182: {  	[bflag:$0x0] =	sbarrier.arrive $0xFFFF  }
0x183: {  	p0 =	sne.s32 s1, $0x0;
	_ =	strace $0x90000047  }
0x184: {  	s0 =	sadd.s32 @!p0 $0x100000, s0;
	[bflag:$0x2] =	sbarrier.arrive $0xFFFF  }
0x185: {  	[sflag:s0] =	ssyncadd.tile.s32 @!p0 $0x1;
	_ =	shalt  }
.Lfunc_end2:
_tile_overlayer_lowered:
.L_overlay_start_2:
0x186: {  	(tag) =	ssettag $0x2  }
0x187: {  	s0 =	rddreg [dreg:$0x0];
	s2 =	stileid.u32  }
0x188: {  	s1 =	rddreg [dreg:$0x1];
	p0 =	sne.s32 s2, $0x0  }
0x189: {  	s3 =	rddreg [dreg:$0x2];
	[bflag:$0x3] =	sbarrier.arrive $0xFFFF;
	s2 =	simm.s32 @!p0 $0x1C01  }
0x18a: {  	[timem:s3], [sflag:s2] =	dma.local @!p0 [hbm:s0], s1  }
0x18b: {  	s0 =	simm.s32 @!p0 $0x1  }
0x18c: {  	_ =	swait.ge @!p0 [sflag:s0], s1  }
0x18d: {  	s1 =	ssub.s32 @!p0 $0x0, s1;
	[sflag:s0] =	ssyncset.done @!p0 $0x0  }
0x18e: {  	[sflag:s0] =	ssyncadd.s32 @!p0 s1  }
0x18f: {  	[bflag:$0x3] =	sbarrier.arrive $0xFFFF  }
0x190: {  	_ =	shalt  }

</sc_bundles>
